<compile_context>
chip_gen: v7x
topology: tpu7x:2x2x1
jax: 0.10.2.dev20260603
libtpu: 0.0.44.dev20260713+nightly
codegen_flags: <defaults>
</compile_context>

<pallas_src>
import functools

import jax
import jax.numpy as jnp
from jax import lax
from jax.experimental import pallas as pl
from jax.experimental.pallas import tpu as pltpu
from jax.experimental.pallas import tpu_sc as plsc

_N = 10000
_E = 320000
_F_IN = 128
_HID = 64
_NCLS = 2
_L = 3
_NG = 64

_SC_CORES = 2
_SC_TILES = 16
_NW = _SC_CORES * _SC_TILES
_EW = _E // _NW
_RPT = 632
_RPT_LAST = _N - 15 * _RPT
_CHUNK = 80
_IT = _EW // _CHUNK


def _make_agg(F, nbuf):
  chunk, it = _CHUNK, _IT
  full, tail = it // nbuf, it % nbuf
  mesh = plsc.VectorSubcoreMesh(core_axis_name="c", subcore_axis_name="s")

  @functools.partial(
      pl.kernel,
      out_type=jax.ShapeDtypeStruct((_SC_CORES, _N, F), jnp.float32),
      mesh=mesh,
      compiler_params=pltpu.CompilerParams(use_tc_tiling_on_sc=False),
      scratch_types=(
          [pltpu.VMEM((_EW,), jnp.int32)] * 2
          + [pltpu.VMEM((chunk, F), jnp.float32)] * nbuf
          + [pltpu.VMEM_SHARED((_N, F), jnp.float32)]
          + [pltpu.SemaphoreType.DMA] * nbuf
      ),
  )
  def agg(h_hbm, edge_hbm, out_hbm, src_v, dst_v, *rest):
    rows = rest[:nbuf]
    acc_sh = rest[nbuf]
    sems = rest[nbuf + 1:]
    c = lax.axis_index("c")
    s = lax.axis_index("s")
    w = c * _SC_TILES + s
    @pl.when(s != _SC_TILES - 1)
    def _():
      pltpu.sync_copy(h_hbm.at[pl.ds(s * _RPT, _RPT)],
                      acc_sh.at[pl.ds(s * _RPT, _RPT)])

    @pl.when(s == _SC_TILES - 1)
    def _():
      pltpu.sync_copy(h_hbm.at[pl.ds((_SC_TILES - 1) * _RPT, _RPT_LAST)],
                      acc_sh.at[pl.ds((_SC_TILES - 1) * _RPT, _RPT_LAST)])
    pltpu.sync_copy(edge_hbm.at[0, pl.ds(w * _EW, _EW)], src_v)
    pltpu.sync_copy(edge_hbm.at[1, pl.ds(w * _EW, _EW)], dst_v)
    plsc.subcore_barrier()

    def sidx(i):
      return src_v.at[pl.ds(i * chunk, chunk)]

    def didx(i):
      return dst_v.at[pl.ds(i * chunk, chunk)]

    for b in range(nbuf):
      pltpu.async_copy(h_hbm.at[sidx(b)], rows[b], sems[b])

    def body(j, carry):
      for k in range(nbuf):
        i = nbuf * j + k
        pltpu.make_async_copy(h_hbm.at[sidx(0)], rows[k], sems[k]).wait()
        pltpu.sync_copy(rows[k], acc_sh.at[didx(i)], add=True)
        nxt = lax.rem(i + nbuf, it)
        pltpu.async_copy(h_hbm.at[sidx(nxt)], rows[k], sems[k])
      return carry

    lax.fori_loop(0, full, body, 0)
    for k in range(nbuf):
      pltpu.make_async_copy(h_hbm.at[sidx(0)], rows[k], sems[k]).wait()
      if k < tail:
        pltpu.sync_copy(rows[k], acc_sh.at[didx(full * nbuf + k)], add=True)
    plsc.subcore_barrier()

    @pl.when(s != _SC_TILES - 1)
    def _():
      pltpu.sync_copy(acc_sh.at[pl.ds(s * _RPT, _RPT)],
                      out_hbm.at[c, pl.ds(s * _RPT, _RPT)])

    @pl.when(s == _SC_TILES - 1)
    def _():
      pltpu.sync_copy(acc_sh.at[pl.ds((_SC_TILES - 1) * _RPT, _RPT_LAST)],
                      out_hbm.at[c, pl.ds((_SC_TILES - 1) * _RPT, _RPT_LAST)])

  return agg


_agg128 = _make_agg(_F_IN, 3)
_agg64 = _make_agg(_HID, 8)


def _mlp(h, a0, a1, w1, b1, w2, b2, g, be):
  z = a0 + a1 - h
  z = jnp.dot(z, w1, preferred_element_type=jnp.float32) + b1
  z = jnp.maximum(z, 0.0)
  z = jnp.dot(z, w2, preferred_element_type=jnp.float32) + b2
  mean = jnp.mean(z, axis=0, keepdims=True)
  zc = z - mean
  var = jnp.mean(zc * zc, axis=0, keepdims=True)
  zn = zc / jnp.sqrt(var + 1e-5)
  return jnp.maximum(zn * g + be, 0.0)


def _mlp_body(h_ref, a_ref, w1_ref, b1_ref, w2_ref, b2_ref, g_ref, be_ref,
              o_ref):
  o_ref[...] = _mlp(h_ref[...], a_ref[0], a_ref[1], w1_ref[...],
                    b1_ref[...], w2_ref[...], b2_ref[...], g_ref[...],
                    be_ref[...])


def _mlp_call(h, agg, w1, b1, w2, b2, gamma, beta):
  return pl.pallas_call(
      _mlp_body,
      out_shape=jax.ShapeDtypeStruct((_N, _HID), jnp.float32),
  )(h, agg, w1, b1.reshape(1, -1), w2, b2.reshape(1, -1),
    gamma.reshape(1, -1), beta.reshape(1, -1))


def _last_body(h2_ref, a_ref, w1_ref, b1_ref, w2_ref, b2_ref, g_ref, be_ref,
               h1_ref, b2d_ref, wj_ref, bj_ref, wc1_ref, bc1_ref,
               wc2_ref, bc2_ref, o_ref):
  h2 = h2_ref[...]
  h3 = _mlp(h2, a_ref[0], a_ref[1], w1_ref[...],
            b1_ref[...], w2_ref[...], b2_ref[...], g_ref[...], be_ref[...])
  hc = jnp.concatenate([h1_ref[...], h2, h3], axis=1)
  hj = jnp.dot(hc, wj_ref[...], preferred_element_type=jnp.float32) + bj_ref[...]
  gids = lax.broadcasted_iota(jnp.int32, (_NG, _N), 0)
  mask = (gids == b2d_ref[...]).astype(jnp.float32)
  pooled = jnp.dot(mask, hj, preferred_element_type=jnp.float32,
                   precision=lax.Precision.HIGHEST)
  cmid = jnp.maximum(
      jnp.dot(pooled, wc1_ref[...], preferred_element_type=jnp.float32)
      + bc1_ref[...], 0.0)
  o_ref[...] = (jnp.dot(cmid, wc2_ref[...], preferred_element_type=jnp.float32)
                + bc2_ref[...])


def _last_call(h2, agg, w1, b1, w2, b2, gamma, beta, h1, batch2d, wj, bj,
               wc1, bc1, wc2, bc2):
  return pl.pallas_call(
      _last_body,
      out_shape=jax.ShapeDtypeStruct((_NG, _NCLS), jnp.float32),
  )(h2, agg, w1, b1.reshape(1, -1), w2, b2.reshape(1, -1),
    gamma.reshape(1, -1), beta.reshape(1, -1), h1, batch2d, wj,
    bj.reshape(1, -1), wc1, bc1.reshape(1, -1), wc2, bc2.reshape(1, -1))


def kernel(x, edge_index, batch, params):
  batch2d = batch.reshape(1, _N)

  agg = _agg128(x, edge_index)
  h1 = _mlp_call(x, agg, params['W1_0'], params['b1_0'], params['W2_0'],
                 params['b2_0'], params['gamma_0'], params['beta_0'])
  agg = _agg64(h1, edge_index)
  h2 = _mlp_call(h1, agg, params['W1_1'], params['b1_1'], params['W2_1'],
                 params['b2_1'], params['gamma_1'], params['beta_1'])
  agg = _agg64(h2, edge_index)
  return _last_call(h2, agg, params['W1_2'], params['b1_2'], params['W2_2'],
                    params['b2_2'], params['gamma_2'], params['beta_2'],
                    h1, batch2d, params['Wj'], params['bj'],
                    params['Wc1'], params['bc1'], params['Wc2'],
                    params['bc2'])

# --- scband reference (transcript-rebuilt; emitter-appended) ---
"""Pipeline reference for scband-ginnet-738734375044 (READ-ONLY COPY).

The authoritative reference and input builder live on the scoring server;
editing this copy changes nothing except your own understanding.
"""

import jax, jax.numpy as jnp
import numpy as np

N = 10000
E = 320000
F_IN = 128
HID = 64
NC = 2
L = 3
NG = 64

def _init_params(key):
    params = {}
    k = key
    dims = [(F_IN, HID)] + [(HID, HID)] * (L - 1)
    for i, (din, dout) in enumerate(dims):
        k, k1, k2 = jax.random.split(k, 3)
        params['W1_%d' % i] = jax.random.normal(k1, (din, HID), dtype=jnp.float32) * (1.0 / np.sqrt(din))
        params['b1_%d' % i] = jnp.zeros((HID,), dtype=jnp.float32)
        params['W2_%d' % i] = jax.random.normal(k2, (HID, HID), dtype=jnp.float32) * (1.0 / np.sqrt(HID))
        params['b2_%d' % i] = jnp.zeros((HID,), dtype=jnp.float32)
        params['gamma_%d' % i] = jnp.ones((HID,), dtype=jnp.float32)
        params['beta_%d' % i] = jnp.zeros((HID,), dtype=jnp.float32)
    k, kj, kc1, kc2 = jax.random.split(k, 4)
    params['Wj'] = jax.random.normal(kj, (L * HID, HID), dtype=jnp.float32) * (1.0 / np.sqrt(L * HID))
    params['bj'] = jnp.zeros((HID,), dtype=jnp.float32)
    params['Wc1'] = jax.random.normal(kc1, (HID, HID // 2), dtype=jnp.float32) * (1.0 / np.sqrt(HID))
    params['bc1'] = jnp.zeros((HID // 2,), dtype=jnp.float32)
    params['Wc2'] = jax.random.normal(kc2, (HID // 2, NC), dtype=jnp.float32) * (1.0 / np.sqrt(HID // 2))
    params['bc2'] = jnp.zeros((NC,), dtype=jnp.float32)
    return params

def setup_inputs(seed: int = 0):
    key = jax.random.key(seed)
    kx, ke, kb, kp = jax.random.split(key, 4)
    x = jax.random.normal(kx, (N, F_IN), dtype=jnp.float32)
    edge_index = jax.random.randint(ke, (2, E), 0, N, dtype=jnp.int32)
    batch = jnp.sort(jax.random.randint(kb, (N,), 0, NG, dtype=jnp.int32))
    params = _init_params(kp)
    return {'x': x, 'edge_index': edge_index, 'batch': batch, 'params': params}

def _forward(x, params, edge_index, batch):
    src = edge_index[0]
    dst = edge_index[1]
    h = x
    reps = []
    for i in range(L):
        # GINConv with eps=0: h' = MLP((1+eps)*h + sum_{j->i} h_j)
        agg = jax.ops.segment_sum(h[src], dst, num_segments=N)
        z = h + agg
        z = jnp.maximum(jnp.dot(z, params['W1_%d' % i]) + params['b1_%d' % i], 0.0)
        z = jnp.dot(z, params['W2_%d' % i]) + params['b2_%d' % i]
        # BatchNorm1d (batch statistics)
        mean = jnp.mean(z, axis=0)
        var = jnp.var(z, axis=0)
        z = (z - mean) / jnp.sqrt(var + 1e-5)
        z = z * params['gamma_%d' % i] + params['beta_%d' % i]
        h = jnp.maximum(z, 0.0)
        reps.append(h)
    hc = jnp.concatenate(reps, axis=-1)
    hj = jnp.dot(hc, params['Wj']) + params['bj']
    pooled = jax.ops.segment_sum(hj, batch, num_segments=NG)
    c = jnp.maximum(jnp.dot(pooled, params['Wc1']) + params['bc1'], 0.0)
    out = jnp.dot(c, params['Wc2']) + params['bc2']
    return out

def reference(x, edge_index, batch, params):
    return _forward(x, params, edge_index, batch)

if __name__ == "__main__":
    import jax
    _d = setup_inputs()
    print(jax.jit(kernel)(*tuple(_d.values())))

</pallas_src>

<mosaic_0001>
#map = affine_map<(d0, d1) -> (0, 0)>
#map1 = affine_map<(d0, d1) -> (0, 0, 0)>
module attributes {stable_mosaic.version = 14 : i64} {
  func.func @agg(%arg0: i32, %arg1: i32, %arg2: memref<10000x128xf32, #tpu.memory_space<hbm>>, %arg3: memref<2x320000xi32, #tpu.memory_space<hbm>>, %arg4: memref<2x10000x128xf32, #tpu.memory_space<hbm>>, %arg5: memref<10000xi32, #tpu.memory_space<vmem>>, %arg6: memref<10000xi32, #tpu.memory_space<vmem>>, %arg7: memref<80x128xf32, #tpu.memory_space<vmem>>, %arg8: memref<80x128xf32, #tpu.memory_space<vmem>>, %arg9: memref<80x128xf32, #tpu.memory_space<vmem>>, %arg10: memref<10000x128xf32, #tpu.memory_space<vmem_shared>>, %arg11: memref<!tpu.dma_semaphore, #tpu.memory_space<semaphore_mem>>, %arg12: memref<!tpu.dma_semaphore, #tpu.memory_space<semaphore_mem>>, %arg13: memref<!tpu.dma_semaphore, #tpu.memory_space<semaphore_mem>>) attributes {dimension_semantics = [#tpu.dimension_semantics<core_parallel>, #tpu.dimension_semantics<subcore_parallel>], iteration_bounds = array<i64: 2, 16>, scalar_prefetch = 0 : i64, scratch_operands = 9 : i64, tpu.core_type = #tpu.core_type<sc_vector_subcore>, window_params = [{transform_indices = #map}, {transform_indices = #map}, {transform_indices = #map1}]} {
    %mul3A = arith.constant 16 : i32
    %mul3A_0 = arith.muli %arg0, %mul3A : i32
    %add3A = arith.addi %mul3A_0, %arg1 : i32
    %ne3A = arith.constant 15 : i32
    %ne3A_1 = arith.cmpi ne, %arg1, %ne3A : i32
    %convert_element_type3A = arith.extui %ne3A_1 : i1 to i32
    %cond3A = arith.constant 0 : i32
    %cond3A_2 = arith.cmpi ne, %convert_element_type3A, %cond3A : i32
    scf.if %cond3A_2 {
      %mul3A_56 = arith.constant 632 : i32
      %mul3A_57 = arith.muli %arg1, %mul3A_56 : i32
      %mul3A_58 = arith.constant 632 : i32
      %mul3A_59 = arith.muli %arg1, %mul3A_58 : i32
      "tpu.region"() ({
        %run_scoped3A_60 = tpu.sem_alloc : memref<!tpu.dma_semaphore, #tpu.memory_space<semaphore_mem>>
        %dma_start3A_61 = arith.constant 0 : i32
        %dma_start3A_62 = tpu.memref_slice %arg10[%mul3A_59, %dma_start3A_61] : memref<10000x128xf32, #tpu.memory_space<vmem_shared>> -> memref<632x128xf32, #tpu.memory_space<vmem_shared>>
        %dma_start3A_63 = arith.constant 0 : i32
        %dma_start3A_64 = tpu.memref_slice %arg2[%mul3A_57, %dma_start3A_63] : memref<10000x128xf32, #tpu.memory_space<hbm>> -> memref<632x128xf32, #tpu.memory_space<hbm>>
        tpu.enqueue_dma source(%dma_start3A_64 : memref<632x128xf32, #tpu.memory_space<hbm>>) target(%dma_start3A_62 : memref<632x128xf32, #tpu.memory_space<vmem_shared>>) target_semaphore(%run_scoped3A_60 : memref<!tpu.dma_semaphore, #tpu.memory_space<semaphore_mem>>)
        %dma_wait3A_65 = arith.constant 0 : i32
        %dma_wait3A_66 = tpu.memref_slice %arg10[%mul3A_59, %dma_wait3A_65] : memref<10000x128xf32, #tpu.memory_space<vmem_shared>> -> memref<632x128xf32, #tpu.memory_space<vmem_shared>>
        %dma_wait3A_67 = arith.constant 0 : i32
        %dma_wait3A_68 = tpu.memref_slice %arg2[%mul3A_57, %dma_wait3A_67] : memref<10000x128xf32, #tpu.memory_space<hbm>> -> memref<632x128xf32, #tpu.memory_space<hbm>>
        tpu.wait_dma2 semaphore(%run_scoped3A_60 : memref<!tpu.dma_semaphore, #tpu.memory_space<semaphore_mem>>) src(%dma_wait3A_68 : memref<632x128xf32, #tpu.memory_space<hbm>>) dst(%dma_wait3A_66 : memref<632x128xf32, #tpu.memory_space<vmem_shared>>)
        tpu.yield
      }) : () -> ()
    } else {
    }
    %eq3A = arith.constant 15 : i32
    %eq3A_3 = arith.cmpi eq, %arg1, %eq3A : i32
    %convert_element_type3A_4 = arith.extui %eq3A_3 : i1 to i32
    %cond3A_5 = arith.constant 0 : i32
    %cond3A_6 = arith.cmpi ne, %convert_element_type3A_4, %cond3A_5 : i32
    scf.if %cond3A_6 {
      "tpu.region"() ({
        %run_scoped3A_56 = tpu.sem_alloc : memref<!tpu.dma_semaphore, #tpu.memory_space<semaphore_mem>>
        %dma_start3A_57 = arith.constant 9480 : i32
        %dma_start3A_58 = arith.constant 0 : i32
        %dma_start3A_59 = tpu.memref_slice %arg10[%dma_start3A_57, %dma_start3A_58] : memref<10000x128xf32, #tpu.memory_space<vmem_shared>> -> memref<520x128xf32, #tpu.memory_space<vmem_shared>>
        %dma_start3A_60 = arith.constant 9480 : i32
        %dma_start3A_61 = arith.constant 0 : i32
        %dma_start3A_62 = tpu.memref_slice %arg2[%dma_start3A_60, %dma_start3A_61] : memref<10000x128xf32, #tpu.memory_space<hbm>> -> memref<520x128xf32, #tpu.memory_space<hbm>>
        tpu.enqueue_dma source(%dma_start3A_62 : memref<520x128xf32, #tpu.memory_space<hbm>>) target(%dma_start3A_59 : memref<520x128xf32, #tpu.memory_space<vmem_shared>>) target_semaphore(%run_scoped3A_56 : memref<!tpu.dma_semaphore, #tpu.memory_space<semaphore_mem>>)
        %dma_wait3A_63 = arith.constant 9480 : i32
        %dma_wait3A_64 = arith.constant 0 : i32
        %dma_wait3A_65 = tpu.memref_slice %arg10[%dma_wait3A_63, %dma_wait3A_64] : memref<10000x128xf32, #tpu.memory_space<vmem_shared>> -> memref<520x128xf32, #tpu.memory_space<vmem_shared>>
        %dma_wait3A_66 = arith.constant 9480 : i32
        %dma_wait3A_67 = arith.constant 0 : i32
        %dma_wait3A_68 = tpu.memref_slice %arg2[%dma_wait3A_66, %dma_wait3A_67] : memref<10000x128xf32, #tpu.memory_space<hbm>> -> memref<520x128xf32, #tpu.memory_space<hbm>>
        tpu.wait_dma2 semaphore(%run_scoped3A_56 : memref<!tpu.dma_semaphore, #tpu.memory_space<semaphore_mem>>) src(%dma_wait3A_68 : memref<520x128xf32, #tpu.memory_space<hbm>>) dst(%dma_wait3A_65 : memref<520x128xf32, #tpu.memory_space<vmem_shared>>)
        tpu.yield
      }) : () -> ()
    } else {
    }
    %mul3A_7 = arith.constant 10000 : i32
    %mul3A_8 = arith.muli %add3A, %mul3A_7 : i32
    %run_scoped3A = arith.constant 0 : i32
    "tpu.region"() ({
      %run_scoped3A_56 = tpu.sem_alloc : memref<!tpu.dma_semaphore, #tpu.memory_space<semaphore_mem>>
      %dma_start3A_57 = tpu.memref_slice %arg3[%run_scoped3A, %mul3A_8] : memref<2x320000xi32, #tpu.memory_space<hbm>> -> memref<1x10000xi32, #tpu.memory_space<hbm>>
      %dma_start3A_58 = tpu.memref_squeeze %dma_start3A_57 : memref<1x10000xi32, #tpu.memory_space<hbm>> -> memref<10000xi32, #tpu.memory_space<hbm>>
      %dma_start3A_59 = tpu.memref_slice %arg3[%run_scoped3A, %mul3A_8] : memref<2x320000xi32, #tpu.memory_space<hbm>> -> memref<1x10000xi32, #tpu.memory_space<hbm>>
      %dma_start3A_60 = tpu.memref_squeeze %dma_start3A_59 : memref<1x10000xi32, #tpu.memory_space<hbm>> -> memref<10000xi32, #tpu.memory_space<hbm>>
      tpu.enqueue_dma source(%dma_start3A_60 : memref<10000xi32, #tpu.memory_space<hbm>>) target(%arg5 : memref<10000xi32, #tpu.memory_space<vmem>>) target_semaphore(%run_scoped3A_56 : memref<!tpu.dma_semaphore, #tpu.memory_space<semaphore_mem>>)
      %dma_wait3A_61 = tpu.memref_slice %arg3[%run_scoped3A, %mul3A_8] : memref<2x320000xi32, #tpu.memory_space<hbm>> -> memref<1x10000xi32, #tpu.memory_space<hbm>>
      %dma_wait3A_62 = tpu.memref_squeeze %dma_wait3A_61 : memref<1x10000xi32, #tpu.memory_space<hbm>> -> memref<10000xi32, #tpu.memory_space<hbm>>
      %dma_wait3A_63 = tpu.memref_slice %arg3[%run_scoped3A, %mul3A_8] : memref<2x320000xi32, #tpu.memory_space<hbm>> -> memref<1x10000xi32, #tpu.memory_space<hbm>>
      %dma_wait3A_64 = tpu.memref_squeeze %dma_wait3A_63 : memref<1x10000xi32, #tpu.memory_space<hbm>> -> memref<10000xi32, #tpu.memory_space<hbm>>
      tpu.wait_dma2 semaphore(%run_scoped3A_56 : memref<!tpu.dma_semaphore, #tpu.memory_space<semaphore_mem>>) src(%dma_wait3A_64 : memref<10000xi32, #tpu.memory_space<hbm>>) dst(%arg5 : memref<10000xi32, #tpu.memory_space<vmem>>)
      tpu.yield
    }) : () -> ()
    %mul3A_9 = arith.constant 10000 : i32
    %mul3A_10 = arith.muli %add3A, %mul3A_9 : i32
    %run_scoped3A_11 = arith.constant 1 : i32
    "tpu.region"() ({
      %run_scoped3A_56 = tpu.sem_alloc : memref<!tpu.dma_semaphore, #tpu.memory_space<semaphore_mem>>
      %dma_start3A_57 = tpu.memref_slice %arg3[%run_scoped3A_11, %mul3A_10] : memref<2x320000xi32, #tpu.memory_space<hbm>> -> memref<1x10000xi32, #tpu.memory_space<hbm>>
      %dma_start3A_58 = tpu.memref_squeeze %dma_start3A_57 : memref<1x10000xi32, #tpu.memory_space<hbm>> -> memref<10000xi32, #tpu.memory_space<hbm>>
      %dma_start3A_59 = tpu.memref_slice %arg3[%run_scoped3A_11, %mul3A_10] : memref<2x320000xi32, #tpu.memory_space<hbm>> -> memref<1x10000xi32, #tpu.memory_space<hbm>>
      %dma_start3A_60 = tpu.memref_squeeze %dma_start3A_59 : memref<1x10000xi32, #tpu.memory_space<hbm>> -> memref<10000xi32, #tpu.memory_space<hbm>>
      tpu.enqueue_dma source(%dma_start3A_60 : memref<10000xi32, #tpu.memory_space<hbm>>) target(%arg6 : memref<10000xi32, #tpu.memory_space<vmem>>) target_semaphore(%run_scoped3A_56 : memref<!tpu.dma_semaphore, #tpu.memory_space<semaphore_mem>>)
      %dma_wait3A_61 = tpu.memref_slice %arg3[%run_scoped3A_11, %mul3A_10] : memref<2x320000xi32, #tpu.memory_space<hbm>> -> memref<1x10000xi32, #tpu.memory_space<hbm>>
      %dma_wait3A_62 = tpu.memref_squeeze %dma_wait3A_61 : memref<1x10000xi32, #tpu.memory_space<hbm>> -> memref<10000xi32, #tpu.memory_space<hbm>>
      %dma_wait3A_63 = tpu.memref_slice %arg3[%run_scoped3A_11, %mul3A_10] : memref<2x320000xi32, #tpu.memory_space<hbm>> -> memref<1x10000xi32, #tpu.memory_space<hbm>>
      %dma_wait3A_64 = tpu.memref_squeeze %dma_wait3A_63 : memref<1x10000xi32, #tpu.memory_space<hbm>> -> memref<10000xi32, #tpu.memory_space<hbm>>
      tpu.wait_dma2 semaphore(%run_scoped3A_56 : memref<!tpu.dma_semaphore, #tpu.memory_space<semaphore_mem>>) src(%dma_wait3A_64 : memref<10000xi32, #tpu.memory_space<hbm>>) dst(%arg6 : memref<10000xi32, #tpu.memory_space<vmem>>)
      tpu.yield
    }) : () -> ()
    %barrier3A = arith.constant 0 : index
    tpu.barrier barrier_id(%barrier3A)
    %dma_start3A = arith.constant 0 : i32
    %dma_start3A_12 = tpu.memref_slice %arg5[%dma_start3A] : memref<10000xi32, #tpu.memory_space<vmem>> -> memref<80xi32, #tpu.memory_space<vmem>>
    %dma_start3A_13 = arith.constant 0 : i32
    %dma_start3A_14 = arith.constant 0 : i32
    %dma_start3A_15 = tpu.memref_slice %arg2[%dma_start3A_13, %dma_start3A_14] : memref<10000x128xf32, #tpu.memory_space<hbm>> -> memref<10000x128xf32, #tpu.memory_space<hbm>>
    tpu.enqueue_indirect_dma source(%dma_start3A_15 : memref<10000x128xf32, #tpu.memory_space<hbm>>) target(%arg7 : memref<80x128xf32, #tpu.memory_space<vmem>>) offsets(%dma_start3A_12 : memref<80xi32, #tpu.memory_space<vmem>>) semaphore(%arg11 : memref<!tpu.dma_semaphore, #tpu.memory_space<semaphore_mem>>)
    %dma_start3A_16 = arith.constant 80 : i32
    %dma_start3A_17 = tpu.memref_slice %arg5[%dma_start3A_16] : memref<10000xi32, #tpu.memory_space<vmem>> -> memref<80xi32, #tpu.memory_space<vmem>>
    %dma_start3A_18 = arith.constant 0 : i32
    %dma_start3A_19 = arith.constant 0 : i32
    %dma_start3A_20 = tpu.memref_slice %arg2[%dma_start3A_18, %dma_start3A_19] : memref<10000x128xf32, #tpu.memory_space<hbm>> -> memref<10000x128xf32, #tpu.memory_space<hbm>>
    tpu.enqueue_indirect_dma source(%dma_start3A_20 : memref<10000x128xf32, #tpu.memory_space<hbm>>) target(%arg8 : memref<80x128xf32, #tpu.memory_space<vmem>>) offsets(%dma_start3A_17 : memref<80xi32, #tpu.memory_space<vmem>>) semaphore(%arg12 : memref<!tpu.dma_semaphore, #tpu.memory_space<semaphore_mem>>)
    %dma_start3A_21 = arith.constant 160 : i32
    %dma_start3A_22 = tpu.memref_slice %arg5[%dma_start3A_21] : memref<10000xi32, #tpu.memory_space<vmem>> -> memref<80xi32, #tpu.memory_space<vmem>>
    %dma_start3A_23 = arith.constant 0 : i32
    %dma_start3A_24 = arith.constant 0 : i32
    %dma_start3A_25 = tpu.memref_slice %arg2[%dma_start3A_23, %dma_start3A_24] : memref<10000x128xf32, #tpu.memory_space<hbm>> -> memref<10000x128xf32, #tpu.memory_space<hbm>>
    tpu.enqueue_indirect_dma source(%dma_start3A_25 : memref<10000x128xf32, #tpu.memory_space<hbm>>) target(%arg9 : memref<80x128xf32, #tpu.memory_space<vmem>>) offsets(%dma_start3A_22 : memref<80xi32, #tpu.memory_space<vmem>>) semaphore(%arg13 : memref<!tpu.dma_semaphore, #tpu.memory_space<semaphore_mem>>)
    %scan3A = arith.constant 0 : i32
    %scan3A_26 = arith.constant 0 : i32
    %scan3A_27 = arith.constant 41 : i32
    %scan3A_28 = arith.addi %scan3A_26, %scan3A_27 : i32
    %scan3A_29 = arith.constant 1 : i32
    scf.for %scan3A_56 = %scan3A_26 to %scan3A_28 step %scan3A_29  : i32 {
      %mul3A_57 = arith.constant 3 : i32
      %mul3A_58 = arith.muli %mul3A_57, %scan3A_56 : i32
      %add3A_59 = arith.constant 0 : i32
      %add3A_60 = arith.addi %mul3A_58, %add3A_59 : i32
      %dma_wait3A_61 = arith.constant 0 : i32
      %dma_wait3A_62 = tpu.memref_slice %arg5[%dma_wait3A_61] : memref<10000xi32, #tpu.memory_space<vmem>> -> memref<80xi32, #tpu.memory_space<vmem>>
      %dma_wait3A_63 = arith.constant 0 : i32
      %dma_wait3A_64 = arith.constant 0 : i32
      %dma_wait3A_65 = tpu.memref_slice %arg2[%dma_wait3A_63, %dma_wait3A_64] : memref<10000x128xf32, #tpu.memory_space<hbm>> -> memref<10000x128xf32, #tpu.memory_space<hbm>>
      tpu.wait_indirect_dma semaphore(%arg11 : memref<!tpu.dma_semaphore, #tpu.memory_space<semaphore_mem>>) src(%dma_wait3A_65 : memref<10000x128xf32, #tpu.memory_space<hbm>>) dst(%arg7 : memref<80x128xf32, #tpu.memory_space<vmem>>)
      %mul3A_66 = arith.constant 80 : i32
      %mul3A_67 = arith.muli %add3A_60, %mul3A_66 : i32
      "tpu.region"() ({
        %run_scoped3A_119 = tpu.sem_alloc : memref<!tpu.dma_semaphore, #tpu.memory_space<semaphore_mem>>
        %dma_start3A_120 = tpu.memref_slice %arg6[%mul3A_67] : memref<10000xi32, #tpu.memory_space<vmem>> -> memref<80xi32, #tpu.memory_space<vmem>>
        %dma_start3A_121 = arith.constant 0 : i32
        %dma_start3A_122 = arith.constant 0 : i32
        %dma_start3A_123 = tpu.memref_slice %arg10[%dma_start3A_121, %dma_start3A_122] : memref<10000x128xf32, #tpu.memory_space<vmem_shared>> -> memref<10000x128xf32, #tpu.memory_space<vmem_shared>>
        tpu.enqueue_indirect_dma source(%arg7 : memref<80x128xf32, #tpu.memory_space<vmem>>) target(%dma_start3A_123 : memref<10000x128xf32, #tpu.memory_space<vmem_shared>>) offsets(%dma_start3A_120 : memref<80xi32, #tpu.memory_space<vmem>>) semaphore(%run_scoped3A_119 : memref<!tpu.dma_semaphore, #tpu.memory_space<semaphore_mem>>) {add = true}
        %dma_wait3A_124 = tpu.memref_slice %arg6[%mul3A_67] : memref<10000xi32, #tpu.memory_space<vmem>> -> memref<80xi32, #tpu.memory_space<vmem>>
        %dma_wait3A_125 = arith.constant 0 : i32
        %dma_wait3A_126 = arith.constant 0 : i32
        %dma_wait3A_127 = tpu.memref_slice %arg10[%dma_wait3A_125, %dma_wait3A_126] : memref<10000x128xf32, #tpu.memory_space<vmem_shared>> -> memref<10000x128xf32, #tpu.memory_space<vmem_shared>>
        tpu.wait_indirect_dma semaphore(%run_scoped3A_119 : memref<!tpu.dma_semaphore, #tpu.memory_space<semaphore_mem>>) src(%arg7 : memref<80x128xf32, #tpu.memory_space<vmem>>) dst(%dma_wait3A_127 : memref<10000x128xf32, #tpu.memory_space<vmem_shared>>)
        tpu.yield
      }) : () -> ()
      %add3A_68 = arith.constant 3 : i32
      %add3A_69 = arith.addi %add3A_60, %add3A_68 : i32
      %rem3A = arith.constant 125 : i32
      %rem3A_70 = arith.remsi %add3A_69, %rem3A : i32
      %mul3A_71 = arith.constant 80 : i32
      %mul3A_72 = arith.muli %rem3A_70, %mul3A_71 : i32
      %dma_start3A_73 = tpu.memref_slice %arg5[%mul3A_72] : memref<10000xi32, #tpu.memory_space<vmem>> -> memref<80xi32, #tpu.memory_space<vmem>>
      %dma_start3A_74 = arith.constant 0 : i32
      %dma_start3A_75 = arith.constant 0 : i32
      %dma_start3A_76 = tpu.memref_slice %arg2[%dma_start3A_74, %dma_start3A_75] : memref<10000x128xf32, #tpu.memory_space<hbm>> -> memref<10000x128xf32, #tpu.memory_space<hbm>>
      tpu.enqueue_indirect_dma source(%dma_start3A_76 : memref<10000x128xf32, #tpu.memory_space<hbm>>) target(%arg7 : memref<80x128xf32, #tpu.memory_space<vmem>>) offsets(%dma_start3A_73 : memref<80xi32, #tpu.memory_space<vmem>>) semaphore(%arg11 : memref<!tpu.dma_semaphore, #tpu.memory_space<semaphore_mem>>)
      %mul3A_77 = arith.constant 3 : i32
      %mul3A_78 = arith.muli %mul3A_77, %scan3A_56 : i32
      %add3A_79 = arith.constant 1 : i32
      %add3A_80 = arith.addi %mul3A_78, %add3A_79 : i32
      %dma_wait3A_81 = arith.constant 0 : i32
      %dma_wait3A_82 = tpu.memref_slice %arg5[%dma_wait3A_81] : memref<10000xi32, #tpu.memory_space<vmem>> -> memref<80xi32, #tpu.memory_space<vmem>>
      %dma_wait3A_83 = arith.constant 0 : i32
      %dma_wait3A_84 = arith.constant 0 : i32
      %dma_wait3A_85 = tpu.memref_slice %arg2[%dma_wait3A_83, %dma_wait3A_84] : memref<10000x128xf32, #tpu.memory_space<hbm>> -> memref<10000x128xf32, #tpu.memory_space<hbm>>
      tpu.wait_indirect_dma semaphore(%arg12 : memref<!tpu.dma_semaphore, #tpu.memory_space<semaphore_mem>>) src(%dma_wait3A_85 : memref<10000x128xf32, #tpu.memory_space<hbm>>) dst(%arg8 : memref<80x128xf32, #tpu.memory_space<vmem>>)
      %mul3A_86 = arith.constant 80 : i32
      %mul3A_87 = arith.muli %add3A_80, %mul3A_86 : i32
      "tpu.region"() ({
        %run_scoped3A_119 = tpu.sem_alloc : memref<!tpu.dma_semaphore, #tpu.memory_space<semaphore_mem>>
        %dma_start3A_120 = tpu.memref_slice %arg6[%mul3A_87] : memref<10000xi32, #tpu.memory_space<vmem>> -> memref<80xi32, #tpu.memory_space<vmem>>
        %dma_start3A_121 = arith.constant 0 : i32
        %dma_start3A_122 = arith.constant 0 : i32
        %dma_start3A_123 = tpu.memref_slice %arg10[%dma_start3A_121, %dma_start3A_122] : memref<10000x128xf32, #tpu.memory_space<vmem_shared>> -> memref<10000x128xf32, #tpu.memory_space<vmem_shared>>
        tpu.enqueue_indirect_dma source(%arg8 : memref<80x128xf32, #tpu.memory_space<vmem>>) target(%dma_start3A_123 : memref<10000x128xf32, #tpu.memory_space<vmem_shared>>) offsets(%dma_start3A_120 : memref<80xi32, #tpu.memory_space<vmem>>) semaphore(%run_scoped3A_119 : memref<!tpu.dma_semaphore, #tpu.memory_space<semaphore_mem>>) {add = true}
        %dma_wait3A_124 = tpu.memref_slice %arg6[%mul3A_87] : memref<10000xi32, #tpu.memory_space<vmem>> -> memref<80xi32, #tpu.memory_space<vmem>>
        %dma_wait3A_125 = arith.constant 0 : i32
        %dma_wait3A_126 = arith.constant 0 : i32
        %dma_wait3A_127 = tpu.memref_slice %arg10[%dma_wait3A_125, %dma_wait3A_126] : memref<10000x128xf32, #tpu.memory_space<vmem_shared>> -> memref<10000x128xf32, #tpu.memory_space<vmem_shared>>
        tpu.wait_indirect_dma semaphore(%run_scoped3A_119 : memref<!tpu.dma_semaphore, #tpu.memory_space<semaphore_mem>>) src(%arg8 : memref<80x128xf32, #tpu.memory_space<vmem>>) dst(%dma_wait3A_127 : memref<10000x128xf32, #tpu.memory_space<vmem_shared>>)
        tpu.yield
      }) : () -> ()
      %add3A_88 = arith.constant 3 : i32
      %add3A_89 = arith.addi %add3A_80, %add3A_88 : i32
      %rem3A_90 = arith.constant 125 : i32
      %rem3A_91 = arith.remsi %add3A_89, %rem3A_90 : i32
      %mul3A_92 = arith.constant 80 : i32
      %mul3A_93 = arith.muli %rem3A_91, %mul3A_92 : i32
      %dma_start3A_94 = tpu.memref_slice %arg5[%mul3A_93] : memref<10000xi32, #tpu.memory_space<vmem>> -> memref<80xi32, #tpu.memory_space<vmem>>
      %dma_start3A_95 = arith.constant 0 : i32
      %dma_start3A_96 = arith.constant 0 : i32
      %dma_start3A_97 = tpu.memref_slice %arg2[%dma_start3A_95, %dma_start3A_96] : memref<10000x128xf32, #tpu.memory_space<hbm>> -> memref<10000x128xf32, #tpu.memory_space<hbm>>
      tpu.enqueue_indirect_dma source(%dma_start3A_97 : memref<10000x128xf32, #tpu.memory_space<hbm>>) target(%arg8 : memref<80x128xf32, #tpu.memory_space<vmem>>) offsets(%dma_start3A_94 : memref<80xi32, #tpu.memory_space<vmem>>) semaphore(%arg12 : memref<!tpu.dma_semaphore, #tpu.memory_space<semaphore_mem>>)
      %mul3A_98 = arith.constant 3 : i32
      %mul3A_99 = arith.muli %mul3A_98, %scan3A_56 : i32
      %add3A_100 = arith.constant 2 : i32
      %add3A_101 = arith.addi %mul3A_99, %add3A_100 : i32
      %dma_wait3A_102 = arith.constant 0 : i32
      %dma_wait3A_103 = tpu.memref_slice %arg5[%dma_wait3A_102] : memref<10000xi32, #tpu.memory_space<vmem>> -> memref<80xi32, #tpu.memory_space<vmem>>
      %dma_wait3A_104 = arith.constant 0 : i32
      %dma_wait3A_105 = arith.constant 0 : i32
      %dma_wait3A_106 = tpu.memref_slice %arg2[%dma_wait3A_104, %dma_wait3A_105] : memref<10000x128xf32, #tpu.memory_space<hbm>> -> memref<10000x128xf32, #tpu.memory_space<hbm>>
      tpu.wait_indirect_dma semaphore(%arg13 : memref<!tpu.dma_semaphore, #tpu.memory_space<semaphore_mem>>) src(%dma_wait3A_106 : memref<10000x128xf32, #tpu.memory_space<hbm>>) dst(%arg9 : memref<80x128xf32, #tpu.memory_space<vmem>>)
      %mul3A_107 = arith.constant 80 : i32
      %mul3A_108 = arith.muli %add3A_101, %mul3A_107 : i32
      "tpu.region"() ({
        %run_scoped3A_119 = tpu.sem_alloc : memref<!tpu.dma_semaphore, #tpu.memory_space<semaphore_mem>>
        %dma_start3A_120 = tpu.memref_slice %arg6[%mul3A_108] : memref<10000xi32, #tpu.memory_space<vmem>> -> memref<80xi32, #tpu.memory_space<vmem>>
        %dma_start3A_121 = arith.constant 0 : i32
        %dma_start3A_122 = arith.constant 0 : i32
        %dma_start3A_123 = tpu.memref_slice %arg10[%dma_start3A_121, %dma_start3A_122] : memref<10000x128xf32, #tpu.memory_space<vmem_shared>> -> memref<10000x128xf32, #tpu.memory_space<vmem_shared>>
        tpu.enqueue_indirect_dma source(%arg9 : memref<80x128xf32, #tpu.memory_space<vmem>>) target(%dma_start3A_123 : memref<10000x128xf32, #tpu.memory_space<vmem_shared>>) offsets(%dma_start3A_120 : memref<80xi32, #tpu.memory_space<vmem>>) semaphore(%run_scoped3A_119 : memref<!tpu.dma_semaphore, #tpu.memory_space<semaphore_mem>>) {add = true}
        %dma_wait3A_124 = tpu.memref_slice %arg6[%mul3A_108] : memref<10000xi32, #tpu.memory_space<vmem>> -> memref<80xi32, #tpu.memory_space<vmem>>
        %dma_wait3A_125 = arith.constant 0 : i32
        %dma_wait3A_126 = arith.constant 0 : i32
        %dma_wait3A_127 = tpu.memref_slice %arg10[%dma_wait3A_125, %dma_wait3A_126] : memref<10000x128xf32, #tpu.memory_space<vmem_shared>> -> memref<10000x128xf32, #tpu.memory_space<vmem_shared>>
        tpu.wait_indirect_dma semaphore(%run_scoped3A_119 : memref<!tpu.dma_semaphore, #tpu.memory_space<semaphore_mem>>) src(%arg9 : memref<80x128xf32, #tpu.memory_space<vmem>>) dst(%dma_wait3A_127 : memref<10000x128xf32, #tpu.memory_space<vmem_shared>>)
        tpu.yield
      }) : () -> ()
      %add3A_109 = arith.constant 3 : i32
      %add3A_110 = arith.addi %add3A_101, %add3A_109 : i32
      %rem3A_111 = arith.constant 125 : i32
      %rem3A_112 = arith.remsi %add3A_110, %rem3A_111 : i32
      %mul3A_113 = arith.constant 80 : i32
      %mul3A_114 = arith.muli %rem3A_112, %mul3A_113 : i32
      %dma_start3A_115 = tpu.memref_slice %arg5[%mul3A_114] : memref<10000xi32, #tpu.memory_space<vmem>> -> memref<80xi32, #tpu.memory_space<vmem>>
      %dma_start3A_116 = arith.constant 0 : i32
      %dma_start3A_117 = arith.constant 0 : i32
      %dma_start3A_118 = tpu.memref_slice %arg2[%dma_start3A_116, %dma_start3A_117] : memref<10000x128xf32, #tpu.memory_space<hbm>> -> memref<10000x128xf32, #tpu.memory_space<hbm>>
      tpu.enqueue_indirect_dma source(%dma_start3A_118 : memref<10000x128xf32, #tpu.memory_space<hbm>>) target(%arg9 : memref<80x128xf32, #tpu.memory_space<vmem>>) offsets(%dma_start3A_115 : memref<80xi32, #tpu.memory_space<vmem>>) semaphore(%arg13 : memref<!tpu.dma_semaphore, #tpu.memory_space<semaphore_mem>>)
    }
    %scan3A_30 = arith.constant 41 : i32
    %dma_wait3A = arith.constant 0 : i32
    %dma_wait3A_31 = tpu.memref_slice %arg5[%dma_wait3A] : memref<10000xi32, #tpu.memory_space<vmem>> -> memref<80xi32, #tpu.memory_space<vmem>>
    %dma_wait3A_32 = arith.constant 0 : i32
    %dma_wait3A_33 = arith.constant 0 : i32
    %dma_wait3A_34 = tpu.memref_slice %arg2[%dma_wait3A_32, %dma_wait3A_33] : memref<10000x128xf32, #tpu.memory_space<hbm>> -> memref<10000x128xf32, #tpu.memory_space<hbm>>
    tpu.wait_indirect_dma semaphore(%arg11 : memref<!tpu.dma_semaphore, #tpu.memory_space<semaphore_mem>>) src(%dma_wait3A_34 : memref<10000x128xf32, #tpu.memory_space<hbm>>) dst(%arg7 : memref<80x128xf32, #tpu.memory_space<vmem>>)
    "tpu.region"() ({
      %run_scoped3A_56 = tpu.sem_alloc : memref<!tpu.dma_semaphore, #tpu.memory_space<semaphore_mem>>
      %dma_start3A_57 = arith.constant 9840 : i32
      %dma_start3A_58 = tpu.memref_slice %arg6[%dma_start3A_57] : memref<10000xi32, #tpu.memory_space<vmem>> -> memref<80xi32, #tpu.memory_space<vmem>>
      %dma_start3A_59 = arith.constant 0 : i32
      %dma_start3A_60 = arith.constant 0 : i32
      %dma_start3A_61 = tpu.memref_slice %arg10[%dma_start3A_59, %dma_start3A_60] : memref<10000x128xf32, #tpu.memory_space<vmem_shared>> -> memref<10000x128xf32, #tpu.memory_space<vmem_shared>>
      tpu.enqueue_indirect_dma source(%arg7 : memref<80x128xf32, #tpu.memory_space<vmem>>) target(%dma_start3A_61 : memref<10000x128xf32, #tpu.memory_space<vmem_shared>>) offsets(%dma_start3A_58 : memref<80xi32, #tpu.memory_space<vmem>>) semaphore(%run_scoped3A_56 : memref<!tpu.dma_semaphore, #tpu.memory_space<semaphore_mem>>) {add = true}
      %dma_wait3A_62 = arith.constant 9840 : i32
      %dma_wait3A_63 = tpu.memref_slice %arg6[%dma_wait3A_62] : memref<10000xi32, #tpu.memory_space<vmem>> -> memref<80xi32, #tpu.memory_space<vmem>>
      %dma_wait3A_64 = arith.constant 0 : i32
      %dma_wait3A_65 = arith.constant 0 : i32
      %dma_wait3A_66 = tpu.memref_slice %arg10[%dma_wait3A_64, %dma_wait3A_65] : memref<10000x128xf32, #tpu.memory_space<vmem_shared>> -> memref<10000x128xf32, #tpu.memory_space<vmem_shared>>
      tpu.wait_indirect_dma semaphore(%run_scoped3A_56 : memref<!tpu.dma_semaphore, #tpu.memory_space<semaphore_mem>>) src(%arg7 : memref<80x128xf32, #tpu.memory_space<vmem>>) dst(%dma_wait3A_66 : memref<10000x128xf32, #tpu.memory_space<vmem_shared>>)
      tpu.yield
    }) : () -> ()
    %dma_wait3A_35 = arith.constant 0 : i32
    %dma_wait3A_36 = tpu.memref_slice %arg5[%dma_wait3A_35] : memref<10000xi32, #tpu.memory_space<vmem>> -> memref<80xi32, #tpu.memory_space<vmem>>
    %dma_wait3A_37 = arith.constant 0 : i32
    %dma_wait3A_38 = arith.constant 0 : i32
    %dma_wait3A_39 = tpu.memref_slice %arg2[%dma_wait3A_37, %dma_wait3A_38] : memref<10000x128xf32, #tpu.memory_space<hbm>> -> memref<10000x128xf32, #tpu.memory_space<hbm>>
    tpu.wait_indirect_dma semaphore(%arg12 : memref<!tpu.dma_semaphore, #tpu.memory_space<semaphore_mem>>) src(%dma_wait3A_39 : memref<10000x128xf32, #tpu.memory_space<hbm>>) dst(%arg8 : memref<80x128xf32, #tpu.memory_space<vmem>>)
    "tpu.region"() ({
      %run_scoped3A_56 = tpu.sem_alloc : memref<!tpu.dma_semaphore, #tpu.memory_space<semaphore_mem>>
      %dma_start3A_57 = arith.constant 9920 : i32
      %dma_start3A_58 = tpu.memref_slice %arg6[%dma_start3A_57] : memref<10000xi32, #tpu.memory_space<vmem>> -> memref<80xi32, #tpu.memory_space<vmem>>
      %dma_start3A_59 = arith.constant 0 : i32
      %dma_start3A_60 = arith.constant 0 : i32
      %dma_start3A_61 = tpu.memref_slice %arg10[%dma_start3A_59, %dma_start3A_60] : memref<10000x128xf32, #tpu.memory_space<vmem_shared>> -> memref<10000x128xf32, #tpu.memory_space<vmem_shared>>
      tpu.enqueue_indirect_dma source(%arg8 : memref<80x128xf32, #tpu.memory_space<vmem>>) target(%dma_start3A_61 : memref<10000x128xf32, #tpu.memory_space<vmem_shared>>) offsets(%dma_start3A_58 : memref<80xi32, #tpu.memory_space<vmem>>) semaphore(%run_scoped3A_56 : memref<!tpu.dma_semaphore, #tpu.memory_space<semaphore_mem>>) {add = true}
      %dma_wait3A_62 = arith.constant 9920 : i32
      %dma_wait3A_63 = tpu.memref_slice %arg6[%dma_wait3A_62] : memref<10000xi32, #tpu.memory_space<vmem>> -> memref<80xi32, #tpu.memory_space<vmem>>
      %dma_wait3A_64 = arith.constant 0 : i32
      %dma_wait3A_65 = arith.constant 0 : i32
      %dma_wait3A_66 = tpu.memref_slice %arg10[%dma_wait3A_64, %dma_wait3A_65] : memref<10000x128xf32, #tpu.memory_space<vmem_shared>> -> memref<10000x128xf32, #tpu.memory_space<vmem_shared>>
      tpu.wait_indirect_dma semaphore(%run_scoped3A_56 : memref<!tpu.dma_semaphore, #tpu.memory_space<semaphore_mem>>) src(%arg8 : memref<80x128xf32, #tpu.memory_space<vmem>>) dst(%dma_wait3A_66 : memref<10000x128xf32, #tpu.memory_space<vmem_shared>>)
      tpu.yield
    }) : () -> ()
    %dma_wait3A_40 = arith.constant 0 : i32
    %dma_wait3A_41 = tpu.memref_slice %arg5[%dma_wait3A_40] : memref<10000xi32, #tpu.memory_space<vmem>> -> memref<80xi32, #tpu.memory_space<vmem>>
    %dma_wait3A_42 = arith.constant 0 : i32
    %dma_wait3A_43 = arith.constant 0 : i32
    %dma_wait3A_44 = tpu.memref_slice %arg2[%dma_wait3A_42, %dma_wait3A_43] : memref<10000x128xf32, #tpu.memory_space<hbm>> -> memref<10000x128xf32, #tpu.memory_space<hbm>>
    tpu.wait_indirect_dma semaphore(%arg13 : memref<!tpu.dma_semaphore, #tpu.memory_space<semaphore_mem>>) src(%dma_wait3A_44 : memref<10000x128xf32, #tpu.memory_space<hbm>>) dst(%arg9 : memref<80x128xf32, #tpu.memory_space<vmem>>)
    %barrier3A_45 = arith.constant 0 : index
    tpu.barrier barrier_id(%barrier3A_45)
    %ne3A_46 = arith.constant 15 : i32
    %ne3A_47 = arith.cmpi ne, %arg1, %ne3A_46 : i32
    %convert_element_type3A_48 = arith.extui %ne3A_47 : i1 to i32
    %cond3A_49 = arith.constant 0 : i32
    %cond3A_50 = arith.cmpi ne, %convert_element_type3A_48, %cond3A_49 : i32
    scf.if %cond3A_50 {
      %mul3A_56 = arith.constant 632 : i32
      %mul3A_57 = arith.muli %arg1, %mul3A_56 : i32
      %mul3A_58 = arith.constant 632 : i32
      %mul3A_59 = arith.muli %arg1, %mul3A_58 : i32
      "tpu.region"() ({
        %run_scoped3A_60 = tpu.sem_alloc : memref<!tpu.dma_semaphore, #tpu.memory_space<semaphore_mem>>
        %dma_start3A_61 = arith.constant 0 : i32
        %dma_start3A_62 = tpu.memref_slice %arg4[%arg0, %mul3A_59, %dma_start3A_61] : memref<2x10000x128xf32, #tpu.memory_space<hbm>> -> memref<1x632x128xf32, #tpu.memory_space<hbm>>
        %dma_start3A_63 = tpu.memref_squeeze %dma_start3A_62 : memref<1x632x128xf32, #tpu.memory_space<hbm>> -> memref<632x128xf32, #tpu.memory_space<hbm>>
        %dma_start3A_64 = arith.constant 0 : i32
        %dma_start3A_65 = tpu.memref_slice %arg10[%mul3A_57, %dma_start3A_64] : memref<10000x128xf32, #tpu.memory_space<vmem_shared>> -> memref<632x128xf32, #tpu.memory_space<vmem_shared>>
        tpu.enqueue_dma source(%dma_start3A_65 : memref<632x128xf32, #tpu.memory_space<vmem_shared>>) target(%dma_start3A_63 : memref<632x128xf32, #tpu.memory_space<hbm>>) target_semaphore(%run_scoped3A_60 : memref<!tpu.dma_semaphore, #tpu.memory_space<semaphore_mem>>)
        %dma_wait3A_66 = arith.constant 0 : i32
        %dma_wait3A_67 = tpu.memref_slice %arg4[%arg0, %mul3A_59, %dma_wait3A_66] : memref<2x10000x128xf32, #tpu.memory_space<hbm>> -> memref<1x632x128xf32, #tpu.memory_space<hbm>>
        %dma_wait3A_68 = tpu.memref_squeeze %dma_wait3A_67 : memref<1x632x128xf32, #tpu.memory_space<hbm>> -> memref<632x128xf32, #tpu.memory_space<hbm>>
        %dma_wait3A_69 = arith.constant 0 : i32
        %dma_wait3A_70 = tpu.memref_slice %arg10[%mul3A_57, %dma_wait3A_69] : memref<10000x128xf32, #tpu.memory_space<vmem_shared>> -> memref<632x128xf32, #tpu.memory_space<vmem_shared>>
        tpu.wait_dma2 semaphore(%run_scoped3A_60 : memref<!tpu.dma_semaphore, #tpu.memory_space<semaphore_mem>>) src(%dma_wait3A_70 : memref<632x128xf32, #tpu.memory_space<vmem_shared>>) dst(%dma_wait3A_68 : memref<632x128xf32, #tpu.memory_space<hbm>>)
        tpu.yield
      }) : () -> ()
    } else {
    }
    %eq3A_51 = arith.constant 15 : i32
    %eq3A_52 = arith.cmpi eq, %arg1, %eq3A_51 : i32
    %convert_element_type3A_53 = arith.extui %eq3A_52 : i1 to i32
    %cond3A_54 = arith.constant 0 : i32
    %cond3A_55 = arith.cmpi ne, %convert_element_type3A_53, %cond3A_54 : i32
    scf.if %cond3A_55 {
      "tpu.region"() ({
        %run_scoped3A_56 = tpu.sem_alloc : memref<!tpu.dma_semaphore, #tpu.memory_space<semaphore_mem>>
        %dma_start3A_57 = arith.constant 9480 : i32
        %dma_start3A_58 = arith.constant 0 : i32
        %dma_start3A_59 = tpu.memref_slice %arg4[%arg0, %dma_start3A_57, %dma_start3A_58] : memref<2x10000x128xf32, #tpu.memory_space<hbm>> -> memref<1x520x128xf32, #tpu.memory_space<hbm>>
        %dma_start3A_60 = tpu.memref_squeeze %dma_start3A_59 : memref<1x520x128xf32, #tpu.memory_space<hbm>> -> memref<520x128xf32, #tpu.memory_space<hbm>>
        %dma_start3A_61 = arith.constant 9480 : i32
        %dma_start3A_62 = arith.constant 0 : i32
        %dma_start3A_63 = tpu.memref_slice %arg10[%dma_start3A_61, %dma_start3A_62] : memref<10000x128xf32, #tpu.memory_space<vmem_shared>> -> memref<520x128xf32, #tpu.memory_space<vmem_shared>>
        tpu.enqueue_dma source(%dma_start3A_63 : memref<520x128xf32, #tpu.memory_space<vmem_shared>>) target(%dma_start3A_60 : memref<520x128xf32, #tpu.memory_space<hbm>>) target_semaphore(%run_scoped3A_56 : memref<!tpu.dma_semaphore, #tpu.memory_space<semaphore_mem>>)
        %dma_wait3A_64 = arith.constant 9480 : i32
        %dma_wait3A_65 = arith.constant 0 : i32
        %dma_wait3A_66 = tpu.memref_slice %arg4[%arg0, %dma_wait3A_64, %dma_wait3A_65] : memref<2x10000x128xf32, #tpu.memory_space<hbm>> -> memref<1x520x128xf32, #tpu.memory_space<hbm>>
        %dma_wait3A_67 = tpu.memref_squeeze %dma_wait3A_66 : memref<1x520x128xf32, #tpu.memory_space<hbm>> -> memref<520x128xf32, #tpu.memory_space<hbm>>
        %dma_wait3A_68 = arith.constant 9480 : i32
        %dma_wait3A_69 = arith.constant 0 : i32
        %dma_wait3A_70 = tpu.memref_slice %arg10[%dma_wait3A_68, %dma_wait3A_69] : memref<10000x128xf32, #tpu.memory_space<vmem_shared>> -> memref<520x128xf32, #tpu.memory_space<vmem_shared>>
        tpu.wait_dma2 semaphore(%run_scoped3A_56 : memref<!tpu.dma_semaphore, #tpu.memory_space<semaphore_mem>>) src(%dma_wait3A_70 : memref<520x128xf32, #tpu.memory_space<vmem_shared>>) dst(%dma_wait3A_67 : memref<520x128xf32, #tpu.memory_space<hbm>>)
        tpu.yield
      }) : () -> ()
    } else {
    }
    return
  }
}

#map = affine_map<(d0, d1) -> (0, 0)>
#map1 = affine_map<(d0, d1) -> (0, 0, 0)>
module attributes {stable_mosaic.version = 14 : i64} {
  func.func @agg(%arg0: i32, %arg1: i32, %arg2: memref<10000x64xf32, #tpu.memory_space<hbm>>, %arg3: memref<2x320000xi32, #tpu.memory_space<hbm>>, %arg4: memref<2x10000x64xf32, #tpu.memory_space<hbm>>, %arg5: memref<10000xi32, #tpu.memory_space<vmem>>, %arg6: memref<10000xi32, #tpu.memory_space<vmem>>, %arg7: memref<80x64xf32, #tpu.memory_space<vmem>>, %arg8: memref<80x64xf32, #tpu.memory_space<vmem>>, %arg9: memref<80x64xf32, #tpu.memory_space<vmem>>, %arg10: memref<80x64xf32, #tpu.memory_space<vmem>>, %arg11: memref<80x64xf32, #tpu.memory_space<vmem>>, %arg12: memref<80x64xf32, #tpu.memory_space<vmem>>, %arg13: memref<80x64xf32, #tpu.memory_space<vmem>>, %arg14: memref<80x64xf32, #tpu.memory_space<vmem>>, %arg15: memref<10000x64xf32, #tpu.memory_space<vmem_shared>>, %arg16: memref<!tpu.dma_semaphore, #tpu.memory_space<semaphore_mem>>, %arg17: memref<!tpu.dma_semaphore, #tpu.memory_space<semaphore_mem>>, %arg18: memref<!tpu.dma_semaphore, #tpu.memory_space<semaphore_mem>>, %arg19: memref<!tpu.dma_semaphore, #tpu.memory_space<semaphore_mem>>, %arg20: memref<!tpu.dma_semaphore, #tpu.memory_space<semaphore_mem>>, %arg21: memref<!tpu.dma_semaphore, #tpu.memory_space<semaphore_mem>>, %arg22: memref<!tpu.dma_semaphore, #tpu.memory_space<semaphore_mem>>, %arg23: memref<!tpu.dma_semaphore, #tpu.memory_space<semaphore_mem>>) attributes {dimension_semantics = [#tpu.dimension_semantics<core_parallel>, #tpu.dimension_semantics<subcore_parallel>], iteration_bounds = array<i64: 2, 16>, scalar_prefetch = 0 : i64, scratch_operands = 19 : i64, tpu.core_type = #tpu.core_type<sc_vector_subcore>, window_params = [{transform_indices = #map}, {transform_indices = #map}, {transform_indices = #map1}]} {
    %mul3A = arith.constant 16 : i32
    %mul3A_0 = arith.muli %arg0, %mul3A : i32
    %add3A = arith.addi %mul3A_0, %arg1 : i32
    %ne3A = arith.constant 15 : i32
    %ne3A_1 = arith.cmpi ne, %arg1, %ne3A : i32
    %convert_element_type3A = arith.extui %ne3A_1 : i1 to i32
    %cond3A = arith.constant 0 : i32
    %cond3A_2 = arith.cmpi ne, %convert_element_type3A, %cond3A : i32
    scf.if %cond3A_2 {
      %mul3A_106 = arith.constant 632 : i32
      %mul3A_107 = arith.muli %arg1, %mul3A_106 : i32
      %mul3A_108 = arith.constant 632 : i32
      %mul3A_109 = arith.muli %arg1, %mul3A_108 : i32
      "tpu.region"() ({
        %run_scoped3A_110 = tpu.sem_alloc : memref<!tpu.dma_semaphore, #tpu.memory_space<semaphore_mem>>
        %dma_start3A_111 = arith.constant 0 : i32
        %dma_start3A_112 = tpu.memref_slice %arg15[%mul3A_109, %dma_start3A_111] : memref<10000x64xf32, #tpu.memory_space<vmem_shared>> -> memref<632x64xf32, #tpu.memory_space<vmem_shared>>
        %dma_start3A_113 = arith.constant 0 : i32
        %dma_start3A_114 = tpu.memref_slice %arg2[%mul3A_107, %dma_start3A_113] : memref<10000x64xf32, #tpu.memory_space<hbm>> -> memref<632x64xf32, #tpu.memory_space<hbm>>
        tpu.enqueue_dma source(%dma_start3A_114 : memref<632x64xf32, #tpu.memory_space<hbm>>) target(%dma_start3A_112 : memref<632x64xf32, #tpu.memory_space<vmem_shared>>) target_semaphore(%run_scoped3A_110 : memref<!tpu.dma_semaphore, #tpu.memory_space<semaphore_mem>>)
        %dma_wait3A_115 = arith.constant 0 : i32
        %dma_wait3A_116 = tpu.memref_slice %arg15[%mul3A_109, %dma_wait3A_115] : memref<10000x64xf32, #tpu.memory_space<vmem_shared>> -> memref<632x64xf32, #tpu.memory_space<vmem_shared>>
        %dma_wait3A_117 = arith.constant 0 : i32
        %dma_wait3A_118 = tpu.memref_slice %arg2[%mul3A_107, %dma_wait3A_117] : memref<10000x64xf32, #tpu.memory_space<hbm>> -> memref<632x64xf32, #tpu.memory_space<hbm>>
        tpu.wait_dma2 semaphore(%run_scoped3A_110 : memref<!tpu.dma_semaphore, #tpu.memory_space<semaphore_mem>>) src(%dma_wait3A_118 : memref<632x64xf32, #tpu.memory_space<hbm>>) dst(%dma_wait3A_116 : memref<632x64xf32, #tpu.memory_space<vmem_shared>>)
        tpu.yield
      }) : () -> ()
    } else {
    }
    %eq3A = arith.constant 15 : i32
    %eq3A_3 = arith.cmpi eq, %arg1, %eq3A : i32
    %convert_element_type3A_4 = arith.extui %eq3A_3 : i1 to i32
    %cond3A_5 = arith.constant 0 : i32
    %cond3A_6 = arith.cmpi ne, %convert_element_type3A_4, %cond3A_5 : i32
    scf.if %cond3A_6 {
      "tpu.region"() ({
        %run_scoped3A_106 = tpu.sem_alloc : memref<!tpu.dma_semaphore, #tpu.memory_space<semaphore_mem>>
        %dma_start3A_107 = arith.constant 9480 : i32
        %dma_start3A_108 = arith.constant 0 : i32
        %dma_start3A_109 = tpu.memref_slice %arg15[%dma_start3A_107, %dma_start3A_108] : memref<10000x64xf32, #tpu.memory_space<vmem_shared>> -> memref<520x64xf32, #tpu.memory_space<vmem_shared>>
        %dma_start3A_110 = arith.constant 9480 : i32
        %dma_start3A_111 = arith.constant 0 : i32
        %dma_start3A_112 = tpu.memref_slice %arg2[%dma_start3A_110, %dma_start3A_111] : memref<10000x64xf32, #tpu.memory_space<hbm>> -> memref<520x64xf32, #tpu.memory_space<hbm>>
        tpu.enqueue_dma source(%dma_start3A_112 : memref<520x64xf32, #tpu.memory_space<hbm>>) target(%dma_start3A_109 : memref<520x64xf32, #tpu.memory_space<vmem_shared>>) target_semaphore(%run_scoped3A_106 : memref<!tpu.dma_semaphore, #tpu.memory_space<semaphore_mem>>)
        %dma_wait3A_113 = arith.constant 9480 : i32
        %dma_wait3A_114 = arith.constant 0 : i32
        %dma_wait3A_115 = tpu.memref_slice %arg15[%dma_wait3A_113, %dma_wait3A_114] : memref<10000x64xf32, #tpu.memory_space<vmem_shared>> -> memref<520x64xf32, #tpu.memory_space<vmem_shared>>
        %dma_wait3A_116 = arith.constant 9480 : i32
        %dma_wait3A_117 = arith.constant 0 : i32
        %dma_wait3A_118 = tpu.memref_slice %arg2[%dma_wait3A_116, %dma_wait3A_117] : memref<10000x64xf32, #tpu.memory_space<hbm>> -> memref<520x64xf32, #tpu.memory_space<hbm>>
        tpu.wait_dma2 semaphore(%run_scoped3A_106 : memref<!tpu.dma_semaphore, #tpu.memory_space<semaphore_mem>>) src(%dma_wait3A_118 : memref<520x64xf32, #tpu.memory_space<hbm>>) dst(%dma_wait3A_115 : memref<520x64xf32, #tpu.memory_space<vmem_shared>>)
        tpu.yield
      }) : () -> ()
    } else {
    }
    %mul3A_7 = arith.constant 10000 : i32
    %mul3A_8 = arith.muli %add3A, %mul3A_7 : i32
    %run_scoped3A = arith.constant 0 : i32
    "tpu.region"() ({
      %run_scoped3A_106 = tpu.sem_alloc : memref<!tpu.dma_semaphore, #tpu.memory_space<semaphore_mem>>
      %dma_start3A_107 = tpu.memref_slice %arg3[%run_scoped3A, %mul3A_8] : memref<2x320000xi32, #tpu.memory_space<hbm>> -> memref<1x10000xi32, #tpu.memory_space<hbm>>
      %dma_start3A_108 = tpu.memref_squeeze %dma_start3A_107 : memref<1x10000xi32, #tpu.memory_space<hbm>> -> memref<10000xi32, #tpu.memory_space<hbm>>
      %dma_start3A_109 = tpu.memref_slice %arg3[%run_scoped3A, %mul3A_8] : memref<2x320000xi32, #tpu.memory_space<hbm>> -> memref<1x10000xi32, #tpu.memory_space<hbm>>
      %dma_start3A_110 = tpu.memref_squeeze %dma_start3A_109 : memref<1x10000xi32, #tpu.memory_space<hbm>> -> memref<10000xi32, #tpu.memory_space<hbm>>
      tpu.enqueue_dma source(%dma_start3A_110 : memref<10000xi32, #tpu.memory_space<hbm>>) target(%arg5 : memref<10000xi32, #tpu.memory_space<vmem>>) target_semaphore(%run_scoped3A_106 : memref<!tpu.dma_semaphore, #tpu.memory_space<semaphore_mem>>)
      %dma_wait3A_111 = tpu.memref_slice %arg3[%run_scoped3A, %mul3A_8] : memref<2x320000xi32, #tpu.memory_space<hbm>> -> memref<1x10000xi32, #tpu.memory_space<hbm>>
      %dma_wait3A_112 = tpu.memref_squeeze %dma_wait3A_111 : memref<1x10000xi32, #tpu.memory_space<hbm>> -> memref<10000xi32, #tpu.memory_space<hbm>>
      %dma_wait3A_113 = tpu.memref_slice %arg3[%run_scoped3A, %mul3A_8] : memref<2x320000xi32, #tpu.memory_space<hbm>> -> memref<1x10000xi32, #tpu.memory_space<hbm>>
      %dma_wait3A_114 = tpu.memref_squeeze %dma_wait3A_113 : memref<1x10000xi32, #tpu.memory_space<hbm>> -> memref<10000xi32, #tpu.memory_space<hbm>>
      tpu.wait_dma2 semaphore(%run_scoped3A_106 : memref<!tpu.dma_semaphore, #tpu.memory_space<semaphore_mem>>) src(%dma_wait3A_114 : memref<10000xi32, #tpu.memory_space<hbm>>) dst(%arg5 : memref<10000xi32, #tpu.memory_space<vmem>>)
      tpu.yield
    }) : () -> ()
    %mul3A_9 = arith.constant 10000 : i32
    %mul3A_10 = arith.muli %add3A, %mul3A_9 : i32
    %run_scoped3A_11 = arith.constant 1 : i32
    "tpu.region"() ({
      %run_scoped3A_106 = tpu.sem_alloc : memref<!tpu.dma_semaphore, #tpu.memory_space<semaphore_mem>>
      %dma_start3A_107 = tpu.memref_slice %arg3[%run_scoped3A_11, %mul3A_10] : memref<2x320000xi32, #tpu.memory_space<hbm>> -> memref<1x10000xi32, #tpu.memory_space<hbm>>
      %dma_start3A_108 = tpu.memref_squeeze %dma_start3A_107 : memref<1x10000xi32, #tpu.memory_space<hbm>> -> memref<10000xi32, #tpu.memory_space<hbm>>
      %dma_start3A_109 = tpu.memref_slice %arg3[%run_scoped3A_11, %mul3A_10] : memref<2x320000xi32, #tpu.memory_space<hbm>> -> memref<1x10000xi32, #tpu.memory_space<hbm>>
      %dma_start3A_110 = tpu.memref_squeeze %dma_start3A_109 : memref<1x10000xi32, #tpu.memory_space<hbm>> -> memref<10000xi32, #tpu.memory_space<hbm>>
      tpu.enqueue_dma source(%dma_start3A_110 : memref<10000xi32, #tpu.memory_space<hbm>>) target(%arg6 : memref<10000xi32, #tpu.memory_space<vmem>>) target_semaphore(%run_scoped3A_106 : memref<!tpu.dma_semaphore, #tpu.memory_space<semaphore_mem>>)
      %dma_wait3A_111 = tpu.memref_slice %arg3[%run_scoped3A_11, %mul3A_10] : memref<2x320000xi32, #tpu.memory_space<hbm>> -> memref<1x10000xi32, #tpu.memory_space<hbm>>
      %dma_wait3A_112 = tpu.memref_squeeze %dma_wait3A_111 : memref<1x10000xi32, #tpu.memory_space<hbm>> -> memref<10000xi32, #tpu.memory_space<hbm>>
      %dma_wait3A_113 = tpu.memref_slice %arg3[%run_scoped3A_11, %mul3A_10] : memref<2x320000xi32, #tpu.memory_space<hbm>> -> memref<1x10000xi32, #tpu.memory_space<hbm>>
      %dma_wait3A_114 = tpu.memref_squeeze %dma_wait3A_113 : memref<1x10000xi32, #tpu.memory_space<hbm>> -> memref<10000xi32, #tpu.memory_space<hbm>>
      tpu.wait_dma2 semaphore(%run_scoped3A_106 : memref<!tpu.dma_semaphore, #tpu.memory_space<semaphore_mem>>) src(%dma_wait3A_114 : memref<10000xi32, #tpu.memory_space<hbm>>) dst(%arg6 : memref<10000xi32, #tpu.memory_space<vmem>>)
      tpu.yield
    }) : () -> ()
    %barrier3A = arith.constant 0 : index
    tpu.barrier barrier_id(%barrier3A)
    %dma_start3A = arith.constant 0 : i32
    %dma_start3A_12 = tpu.memref_slice %arg5[%dma_start3A] : memref<10000xi32, #tpu.memory_space<vmem>> -> memref<80xi32, #tpu.memory_space<vmem>>
    %dma_start3A_13 = arith.constant 0 : i32
    %dma_start3A_14 = arith.constant 0 : i32
    %dma_start3A_15 = tpu.memref_slice %arg2[%dma_start3A_13, %dma_start3A_14] : memref<10000x64xf32, #tpu.memory_space<hbm>> -> memref<10000x64xf32, #tpu.memory_space<hbm>>
    tpu.enqueue_indirect_dma source(%dma_start3A_15 : memref<10000x64xf32, #tpu.memory_space<hbm>>) target(%arg7 : memref<80x64xf32, #tpu.memory_space<vmem>>) offsets(%dma_start3A_12 : memref<80xi32, #tpu.memory_space<vmem>>) semaphore(%arg16 : memref<!tpu.dma_semaphore, #tpu.memory_space<semaphore_mem>>)
    %dma_start3A_16 = arith.constant 80 : i32
    %dma_start3A_17 = tpu.memref_slice %arg5[%dma_start3A_16] : memref<10000xi32, #tpu.memory_space<vmem>> -> memref<80xi32, #tpu.memory_space<vmem>>
    %dma_start3A_18 = arith.constant 0 : i32
    %dma_start3A_19 = arith.constant 0 : i32
    %dma_start3A_20 = tpu.memref_slice %arg2[%dma_start3A_18, %dma_start3A_19] : memref<10000x64xf32, #tpu.memory_space<hbm>> -> memref<10000x64xf32, #tpu.memory_space<hbm>>
    tpu.enqueue_indirect_dma source(%dma_start3A_20 : memref<10000x64xf32, #tpu.memory_space<hbm>>) target(%arg8 : memref<80x64xf32, #tpu.memory_space<vmem>>) offsets(%dma_start3A_17 : memref<80xi32, #tpu.memory_space<vmem>>) semaphore(%arg17 : memref<!tpu.dma_semaphore, #tpu.memory_space<semaphore_mem>>)
    %dma_start3A_21 = arith.constant 160 : i32
    %dma_start3A_22 = tpu.memref_slice %arg5[%dma_start3A_21] : memref<10000xi32, #tpu.memory_space<vmem>> -> memref<80xi32, #tpu.memory_space<vmem>>
    %dma_start3A_23 = arith.constant 0 : i32
    %dma_start3A_24 = arith.constant 0 : i32
    %dma_start3A_25 = tpu.memref_slice %arg2[%dma_start3A_23, %dma_start3A_24] : memref<10000x64xf32, #tpu.memory_space<hbm>> -> memref<10000x64xf32, #tpu.memory_space<hbm>>
    tpu.enqueue_indirect_dma source(%dma_start3A_25 : memref<10000x64xf32, #tpu.memory_space<hbm>>) target(%arg9 : memref<80x64xf32, #tpu.memory_space<vmem>>) offsets(%dma_start3A_22 : memref<80xi32, #tpu.memory_space<vmem>>) semaphore(%arg18 : memref<!tpu.dma_semaphore, #tpu.memory_space<semaphore_mem>>)
    %dma_start3A_26 = arith.constant 240 : i32
    %dma_start3A_27 = tpu.memref_slice %arg5[%dma_start3A_26] : memref<10000xi32, #tpu.memory_space<vmem>> -> memref<80xi32, #tpu.memory_space<vmem>>
    %dma_start3A_28 = arith.constant 0 : i32
    %dma_start3A_29 = arith.constant 0 : i32
    %dma_start3A_30 = tpu.memref_slice %arg2[%dma_start3A_28, %dma_start3A_29] : memref<10000x64xf32, #tpu.memory_space<hbm>> -> memref<10000x64xf32, #tpu.memory_space<hbm>>
    tpu.enqueue_indirect_dma source(%dma_start3A_30 : memref<10000x64xf32, #tpu.memory_space<hbm>>) target(%arg10 : memref<80x64xf32, #tpu.memory_space<vmem>>) offsets(%dma_start3A_27 : memref<80xi32, #tpu.memory_space<vmem>>) semaphore(%arg19 : memref<!tpu.dma_semaphore, #tpu.memory_space<semaphore_mem>>)
    %dma_start3A_31 = arith.constant 320 : i32
    %dma_start3A_32 = tpu.memref_slice %arg5[%dma_start3A_31] : memref<10000xi32, #tpu.memory_space<vmem>> -> memref<80xi32, #tpu.memory_space<vmem>>
    %dma_start3A_33 = arith.constant 0 : i32
    %dma_start3A_34 = arith.constant 0 : i32
    %dma_start3A_35 = tpu.memref_slice %arg2[%dma_start3A_33, %dma_start3A_34] : memref<10000x64xf32, #tpu.memory_space<hbm>> -> memref<10000x64xf32, #tpu.memory_space<hbm>>
    tpu.enqueue_indirect_dma source(%dma_start3A_35 : memref<10000x64xf32, #tpu.memory_space<hbm>>) target(%arg11 : memref<80x64xf32, #tpu.memory_space<vmem>>) offsets(%dma_start3A_32 : memref<80xi32, #tpu.memory_space<vmem>>) semaphore(%arg20 : memref<!tpu.dma_semaphore, #tpu.memory_space<semaphore_mem>>)
    %dma_start3A_36 = arith.constant 400 : i32
    %dma_start3A_37 = tpu.memref_slice %arg5[%dma_start3A_36] : memref<10000xi32, #tpu.memory_space<vmem>> -> memref<80xi32, #tpu.memory_space<vmem>>
    %dma_start3A_38 = arith.constant 0 : i32
    %dma_start3A_39 = arith.constant 0 : i32
    %dma_start3A_40 = tpu.memref_slice %arg2[%dma_start3A_38, %dma_start3A_39] : memref<10000x64xf32, #tpu.memory_space<hbm>> -> memref<10000x64xf32, #tpu.memory_space<hbm>>
    tpu.enqueue_indirect_dma source(%dma_start3A_40 : memref<10000x64xf32, #tpu.memory_space<hbm>>) target(%arg12 : memref<80x64xf32, #tpu.memory_space<vmem>>) offsets(%dma_start3A_37 : memref<80xi32, #tpu.memory_space<vmem>>) semaphore(%arg21 : memref<!tpu.dma_semaphore, #tpu.memory_space<semaphore_mem>>)
    %dma_start3A_41 = arith.constant 480 : i32
    %dma_start3A_42 = tpu.memref_slice %arg5[%dma_start3A_41] : memref<10000xi32, #tpu.memory_space<vmem>> -> memref<80xi32, #tpu.memory_space<vmem>>
    %dma_start3A_43 = arith.constant 0 : i32
    %dma_start3A_44 = arith.constant 0 : i32
    %dma_start3A_45 = tpu.memref_slice %arg2[%dma_start3A_43, %dma_start3A_44] : memref<10000x64xf32, #tpu.memory_space<hbm>> -> memref<10000x64xf32, #tpu.memory_space<hbm>>
    tpu.enqueue_indirect_dma source(%dma_start3A_45 : memref<10000x64xf32, #tpu.memory_space<hbm>>) target(%arg13 : memref<80x64xf32, #tpu.memory_space<vmem>>) offsets(%dma_start3A_42 : memref<80xi32, #tpu.memory_space<vmem>>) semaphore(%arg22 : memref<!tpu.dma_semaphore, #tpu.memory_space<semaphore_mem>>)
    %dma_start3A_46 = arith.constant 560 : i32
    %dma_start3A_47 = tpu.memref_slice %arg5[%dma_start3A_46] : memref<10000xi32, #tpu.memory_space<vmem>> -> memref<80xi32, #tpu.memory_space<vmem>>
    %dma_start3A_48 = arith.constant 0 : i32
    %dma_start3A_49 = arith.constant 0 : i32
    %dma_start3A_50 = tpu.memref_slice %arg2[%dma_start3A_48, %dma_start3A_49] : memref<10000x64xf32, #tpu.memory_space<hbm>> -> memref<10000x64xf32, #tpu.memory_space<hbm>>
    tpu.enqueue_indirect_dma source(%dma_start3A_50 : memref<10000x64xf32, #tpu.memory_space<hbm>>) target(%arg14 : memref<80x64xf32, #tpu.memory_space<vmem>>) offsets(%dma_start3A_47 : memref<80xi32, #tpu.memory_space<vmem>>) semaphore(%arg23 : memref<!tpu.dma_semaphore, #tpu.memory_space<semaphore_mem>>)
    %scan3A = arith.constant 0 : i32
    %scan3A_51 = arith.constant 0 : i32
    %scan3A_52 = arith.constant 15 : i32
    %scan3A_53 = arith.addi %scan3A_51, %scan3A_52 : i32
    %scan3A_54 = arith.constant 1 : i32
    scf.for %scan3A_106 = %scan3A_51 to %scan3A_53 step %scan3A_54  : i32 {
      %mul3A_107 = arith.constant 8 : i32
      %mul3A_108 = arith.muli %mul3A_107, %scan3A_106 : i32
      %add3A_109 = arith.constant 0 : i32
      %add3A_110 = arith.addi %mul3A_108, %add3A_109 : i32
      %dma_wait3A_111 = arith.constant 0 : i32
      %dma_wait3A_112 = tpu.memref_slice %arg5[%dma_wait3A_111] : memref<10000xi32, #tpu.memory_space<vmem>> -> memref<80xi32, #tpu.memory_space<vmem>>
      %dma_wait3A_113 = arith.constant 0 : i32
      %dma_wait3A_114 = arith.constant 0 : i32
      %dma_wait3A_115 = tpu.memref_slice %arg2[%dma_wait3A_113, %dma_wait3A_114] : memref<10000x64xf32, #tpu.memory_space<hbm>> -> memref<10000x64xf32, #tpu.memory_space<hbm>>
      tpu.wait_indirect_dma semaphore(%arg16 : memref<!tpu.dma_semaphore, #tpu.memory_space<semaphore_mem>>) src(%dma_wait3A_115 : memref<10000x64xf32, #tpu.memory_space<hbm>>) dst(%arg7 : memref<80x64xf32, #tpu.memory_space<vmem>>)
      %mul3A_116 = arith.constant 80 : i32
      %mul3A_117 = arith.muli %add3A_110, %mul3A_116 : i32
      "tpu.region"() ({
        %run_scoped3A_274 = tpu.sem_alloc : memref<!tpu.dma_semaphore, #tpu.memory_space<semaphore_mem>>
        %dma_start3A_275 = tpu.memref_slice %arg6[%mul3A_117] : memref<10000xi32, #tpu.memory_space<vmem>> -> memref<80xi32, #tpu.memory_space<vmem>>
        %dma_start3A_276 = arith.constant 0 : i32
        %dma_start3A_277 = arith.constant 0 : i32
        %dma_start3A_278 = tpu.memref_slice %arg15[%dma_start3A_276, %dma_start3A_277] : memref<10000x64xf32, #tpu.memory_space<vmem_shared>> -> memref<10000x64xf32, #tpu.memory_space<vmem_shared>>
        tpu.enqueue_indirect_dma source(%arg7 : memref<80x64xf32, #tpu.memory_space<vmem>>) target(%dma_start3A_278 : memref<10000x64xf32, #tpu.memory_space<vmem_shared>>) offsets(%dma_start3A_275 : memref<80xi32, #tpu.memory_space<vmem>>) semaphore(%run_scoped3A_274 : memref<!tpu.dma_semaphore, #tpu.memory_space<semaphore_mem>>) {add = true}
        %dma_wait3A_279 = tpu.memref_slice %arg6[%mul3A_117] : memref<10000xi32, #tpu.memory_space<vmem>> -> memref<80xi32, #tpu.memory_space<vmem>>
        %dma_wait3A_280 = arith.constant 0 : i32
        %dma_wait3A_281 = arith.constant 0 : i32
        %dma_wait3A_282 = tpu.memref_slice %arg15[%dma_wait3A_280, %dma_wait3A_281] : memref<10000x64xf32, #tpu.memory_space<vmem_shared>> -> memref<10000x64xf32, #tpu.memory_space<vmem_shared>>
        tpu.wait_indirect_dma semaphore(%run_scoped3A_274 : memref<!tpu.dma_semaphore, #tpu.memory_space<semaphore_mem>>) src(%arg7 : memref<80x64xf32, #tpu.memory_space<vmem>>) dst(%dma_wait3A_282 : memref<10000x64xf32, #tpu.memory_space<vmem_shared>>)
        tpu.yield
      }) : () -> ()
      %add3A_118 = arith.constant 8 : i32
      %add3A_119 = arith.addi %add3A_110, %add3A_118 : i32
      %rem3A = arith.constant 125 : i32
      %rem3A_120 = arith.remsi %add3A_119, %rem3A : i32
      %mul3A_121 = arith.constant 80 : i32
      %mul3A_122 = arith.muli %rem3A_120, %mul3A_121 : i32
      %dma_start3A_123 = tpu.memref_slice %arg5[%mul3A_122] : memref<10000xi32, #tpu.memory_space<vmem>> -> memref<80xi32, #tpu.memory_space<vmem>>
      %dma_start3A_124 = arith.constant 0 : i32
      %dma_start3A_125 = arith.constant 0 : i32
      %dma_start3A_126 = tpu.memref_slice %arg2[%dma_start3A_124, %dma_start3A_125] : memref<10000x64xf32, #tpu.memory_space<hbm>> -> memref<10000x64xf32, #tpu.memory_space<hbm>>
      tpu.enqueue_indirect_dma source(%dma_start3A_126 : memref<10000x64xf32, #tpu.memory_space<hbm>>) target(%arg7 : memref<80x64xf32, #tpu.memory_space<vmem>>) offsets(%dma_start3A_123 : memref<80xi32, #tpu.memory_space<vmem>>) semaphore(%arg16 : memref<!tpu.dma_semaphore, #tpu.memory_space<semaphore_mem>>)
      %mul3A_127 = arith.constant 8 : i32
      %mul3A_128 = arith.muli %mul3A_127, %scan3A_106 : i32
      %add3A_129 = arith.constant 1 : i32
      %add3A_130 = arith.addi %mul3A_128, %add3A_129 : i32
      %dma_wait3A_131 = arith.constant 0 : i32
      %dma_wait3A_132 = tpu.memref_slice %arg5[%dma_wait3A_131] : memref<10000xi32, #tpu.memory_space<vmem>> -> memref<80xi32, #tpu.memory_space<vmem>>
      %dma_wait3A_133 = arith.constant 0 : i32
      %dma_wait3A_134 = arith.constant 0 : i32
      %dma_wait3A_135 = tpu.memref_slice %arg2[%dma_wait3A_133, %dma_wait3A_134] : memref<10000x64xf32, #tpu.memory_space<hbm>> -> memref<10000x64xf32, #tpu.memory_space<hbm>>
      tpu.wait_indirect_dma semaphore(%arg17 : memref<!tpu.dma_semaphore, #tpu.memory_space<semaphore_mem>>) src(%dma_wait3A_135 : memref<10000x64xf32, #tpu.memory_space<hbm>>) dst(%arg8 : memref<80x64xf32, #tpu.memory_space<vmem>>)
      %mul3A_136 = arith.constant 80 : i32
      %mul3A_137 = arith.muli %add3A_130, %mul3A_136 : i32
      "tpu.region"() ({
        %run_scoped3A_274 = tpu.sem_alloc : memref<!tpu.dma_semaphore, #tpu.memory_space<semaphore_mem>>
        %dma_start3A_275 = tpu.memref_slice %arg6[%mul3A_137] : memref<10000xi32, #tpu.memory_space<vmem>> -> memref<80xi32, #tpu.memory_space<vmem>>
        %dma_start3A_276 = arith.constant 0 : i32
        %dma_start3A_277 = arith.constant 0 : i32
        %dma_start3A_278 = tpu.memref_slice %arg15[%dma_start3A_276, %dma_start3A_277] : memref<10000x64xf32, #tpu.memory_space<vmem_shared>> -> memref<10000x64xf32, #tpu.memory_space<vmem_shared>>
        tpu.enqueue_indirect_dma source(%arg8 : memref<80x64xf32, #tpu.memory_space<vmem>>) target(%dma_start3A_278 : memref<10000x64xf32, #tpu.memory_space<vmem_shared>>) offsets(%dma_start3A_275 : memref<80xi32, #tpu.memory_space<vmem>>) semaphore(%run_scoped3A_274 : memref<!tpu.dma_semaphore, #tpu.memory_space<semaphore_mem>>) {add = true}
        %dma_wait3A_279 = tpu.memref_slice %arg6[%mul3A_137] : memref<10000xi32, #tpu.memory_space<vmem>> -> memref<80xi32, #tpu.memory_space<vmem>>
        %dma_wait3A_280 = arith.constant 0 : i32
        %dma_wait3A_281 = arith.constant 0 : i32
        %dma_wait3A_282 = tpu.memref_slice %arg15[%dma_wait3A_280, %dma_wait3A_281] : memref<10000x64xf32, #tpu.memory_space<vmem_shared>> -> memref<10000x64xf32, #tpu.memory_space<vmem_shared>>
        tpu.wait_indirect_dma semaphore(%run_scoped3A_274 : memref<!tpu.dma_semaphore, #tpu.memory_space<semaphore_mem>>) src(%arg8 : memref<80x64xf32, #tpu.memory_space<vmem>>) dst(%dma_wait3A_282 : memref<10000x64xf32, #tpu.memory_space<vmem_shared>>)
        tpu.yield
      }) : () -> ()
      %add3A_138 = arith.constant 8 : i32
      %add3A_139 = arith.addi %add3A_130, %add3A_138 : i32
      %rem3A_140 = arith.constant 125 : i32
      %rem3A_141 = arith.remsi %add3A_139, %rem3A_140 : i32
      %mul3A_142 = arith.constant 80 : i32
      %mul3A_143 = arith.muli %rem3A_141, %mul3A_142 : i32
      %dma_start3A_144 = tpu.memref_slice %arg5[%mul3A_143] : memref<10000xi32, #tpu.memory_space<vmem>> -> memref<80xi32, #tpu.memory_space<vmem>>
      %dma_start3A_145 = arith.constant 0 : i32
      %dma_start3A_146 = arith.constant 0 : i32
      %dma_start3A_147 = tpu.memref_slice %arg2[%dma_start3A_145, %dma_start3A_146] : memref<10000x64xf32, #tpu.memory_space<hbm>> -> memref<10000x64xf32, #tpu.memory_space<hbm>>
      tpu.enqueue_indirect_dma source(%dma_start3A_147 : memref<10000x64xf32, #tpu.memory_space<hbm>>) target(%arg8 : memref<80x64xf32, #tpu.memory_space<vmem>>) offsets(%dma_start3A_144 : memref<80xi32, #tpu.memory_space<vmem>>) semaphore(%arg17 : memref<!tpu.dma_semaphore, #tpu.memory_space<semaphore_mem>>)
      %mul3A_148 = arith.constant 8 : i32
      %mul3A_149 = arith.muli %mul3A_148, %scan3A_106 : i32
      %add3A_150 = arith.constant 2 : i32
      %add3A_151 = arith.addi %mul3A_149, %add3A_150 : i32
      %dma_wait3A_152 = arith.constant 0 : i32
      %dma_wait3A_153 = tpu.memref_slice %arg5[%dma_wait3A_152] : memref<10000xi32, #tpu.memory_space<vmem>> -> memref<80xi32, #tpu.memory_space<vmem>>
      %dma_wait3A_154 = arith.constant 0 : i32
      %dma_wait3A_155 = arith.constant 0 : i32
      %dma_wait3A_156 = tpu.memref_slice %arg2[%dma_wait3A_154, %dma_wait3A_155] : memref<10000x64xf32, #tpu.memory_space<hbm>> -> memref<10000x64xf32, #tpu.memory_space<hbm>>
      tpu.wait_indirect_dma semaphore(%arg18 : memref<!tpu.dma_semaphore, #tpu.memory_space<semaphore_mem>>) src(%dma_wait3A_156 : memref<10000x64xf32, #tpu.memory_space<hbm>>) dst(%arg9 : memref<80x64xf32, #tpu.memory_space<vmem>>)
      %mul3A_157 = arith.constant 80 : i32
      %mul3A_158 = arith.muli %add3A_151, %mul3A_157 : i32
      "tpu.region"() ({
        %run_scoped3A_274 = tpu.sem_alloc : memref<!tpu.dma_semaphore, #tpu.memory_space<semaphore_mem>>
        %dma_start3A_275 = tpu.memref_slice %arg6[%mul3A_158] : memref<10000xi32, #tpu.memory_space<vmem>> -> memref<80xi32, #tpu.memory_space<vmem>>
        %dma_start3A_276 = arith.constant 0 : i32
        %dma_start3A_277 = arith.constant 0 : i32
        %dma_start3A_278 = tpu.memref_slice %arg15[%dma_start3A_276, %dma_start3A_277] : memref<10000x64xf32, #tpu.memory_space<vmem_shared>> -> memref<10000x64xf32, #tpu.memory_space<vmem_shared>>
        tpu.enqueue_indirect_dma source(%arg9 : memref<80x64xf32, #tpu.memory_space<vmem>>) target(%dma_start3A_278 : memref<10000x64xf32, #tpu.memory_space<vmem_shared>>) offsets(%dma_start3A_275 : memref<80xi32, #tpu.memory_space<vmem>>) semaphore(%run_scoped3A_274 : memref<!tpu.dma_semaphore, #tpu.memory_space<semaphore_mem>>) {add = true}
        %dma_wait3A_279 = tpu.memref_slice %arg6[%mul3A_158] : memref<10000xi32, #tpu.memory_space<vmem>> -> memref<80xi32, #tpu.memory_space<vmem>>
        %dma_wait3A_280 = arith.constant 0 : i32
        %dma_wait3A_281 = arith.constant 0 : i32
        %dma_wait3A_282 = tpu.memref_slice %arg15[%dma_wait3A_280, %dma_wait3A_281] : memref<10000x64xf32, #tpu.memory_space<vmem_shared>> -> memref<10000x64xf32, #tpu.memory_space<vmem_shared>>
        tpu.wait_indirect_dma semaphore(%run_scoped3A_274 : memref<!tpu.dma_semaphore, #tpu.memory_space<semaphore_mem>>) src(%arg9 : memref<80x64xf32, #tpu.memory_space<vmem>>) dst(%dma_wait3A_282 : memref<10000x64xf32, #tpu.memory_space<vmem_shared>>)
        tpu.yield
      }) : () -> ()
      %add3A_159 = arith.constant 8 : i32
      %add3A_160 = arith.addi %add3A_151, %add3A_159 : i32
      %rem3A_161 = arith.constant 125 : i32
      %rem3A_162 = arith.remsi %add3A_160, %rem3A_161 : i32
      %mul3A_163 = arith.constant 80 : i32
      %mul3A_164 = arith.muli %rem3A_162, %mul3A_163 : i32
      %dma_start3A_165 = tpu.memref_slice %arg5[%mul3A_164] : memref<10000xi32, #tpu.memory_space<vmem>> -> memref<80xi32, #tpu.memory_space<vmem>>
      %dma_start3A_166 = arith.constant 0 : i32
      %dma_start3A_167 = arith.constant 0 : i32
      %dma_start3A_168 = tpu.memref_slice %arg2[%dma_start3A_166, %dma_start3A_167] : memref<10000x64xf32, #tpu.memory_space<hbm>> -> memref<10000x64xf32, #tpu.memory_space<hbm>>
      tpu.enqueue_indirect_dma source(%dma_start3A_168 : memref<10000x64xf32, #tpu.memory_space<hbm>>) target(%arg9 : memref<80x64xf32, #tpu.memory_space<vmem>>) offsets(%dma_start3A_165 : memref<80xi32, #tpu.memory_space<vmem>>) semaphore(%arg18 : memref<!tpu.dma_semaphore, #tpu.memory_space<semaphore_mem>>)
      %mul3A_169 = arith.constant 8 : i32
      %mul3A_170 = arith.muli %mul3A_169, %scan3A_106 : i32
      %add3A_171 = arith.constant 3 : i32
      %add3A_172 = arith.addi %mul3A_170, %add3A_171 : i32
      %dma_wait3A_173 = arith.constant 0 : i32
      %dma_wait3A_174 = tpu.memref_slice %arg5[%dma_wait3A_173] : memref<10000xi32, #tpu.memory_space<vmem>> -> memref<80xi32, #tpu.memory_space<vmem>>
      %dma_wait3A_175 = arith.constant 0 : i32
      %dma_wait3A_176 = arith.constant 0 : i32
      %dma_wait3A_177 = tpu.memref_slice %arg2[%dma_wait3A_175, %dma_wait3A_176] : memref<10000x64xf32, #tpu.memory_space<hbm>> -> memref<10000x64xf32, #tpu.memory_space<hbm>>
      tpu.wait_indirect_dma semaphore(%arg19 : memref<!tpu.dma_semaphore, #tpu.memory_space<semaphore_mem>>) src(%dma_wait3A_177 : memref<10000x64xf32, #tpu.memory_space<hbm>>) dst(%arg10 : memref<80x64xf32, #tpu.memory_space<vmem>>)
      %mul3A_178 = arith.constant 80 : i32
      %mul3A_179 = arith.muli %add3A_172, %mul3A_178 : i32
      "tpu.region"() ({
        %run_scoped3A_274 = tpu.sem_alloc : memref<!tpu.dma_semaphore, #tpu.memory_space<semaphore_mem>>
        %dma_start3A_275 = tpu.memref_slice %arg6[%mul3A_179] : memref<10000xi32, #tpu.memory_space<vmem>> -> memref<80xi32, #tpu.memory_space<vmem>>
        %dma_start3A_276 = arith.constant 0 : i32
        %dma_start3A_277 = arith.constant 0 : i32
        %dma_start3A_278 = tpu.memref_slice %arg15[%dma_start3A_276, %dma_start3A_277] : memref<10000x64xf32, #tpu.memory_space<vmem_shared>> -> memref<10000x64xf32, #tpu.memory_space<vmem_shared>>
        tpu.enqueue_indirect_dma source(%arg10 : memref<80x64xf32, #tpu.memory_space<vmem>>) target(%dma_start3A_278 : memref<10000x64xf32, #tpu.memory_space<vmem_shared>>) offsets(%dma_start3A_275 : memref<80xi32, #tpu.memory_space<vmem>>) semaphore(%run_scoped3A_274 : memref<!tpu.dma_semaphore, #tpu.memory_space<semaphore_mem>>) {add = true}
        %dma_wait3A_279 = tpu.memref_slice %arg6[%mul3A_179] : memref<10000xi32, #tpu.memory_space<vmem>> -> memref<80xi32, #tpu.memory_space<vmem>>
        %dma_wait3A_280 = arith.constant 0 : i32
        %dma_wait3A_281 = arith.constant 0 : i32
        %dma_wait3A_282 = tpu.memref_slice %arg15[%dma_wait3A_280, %dma_wait3A_281] : memref<10000x64xf32, #tpu.memory_space<vmem_shared>> -> memref<10000x64xf32, #tpu.memory_space<vmem_shared>>
        tpu.wait_indirect_dma semaphore(%run_scoped3A_274 : memref<!tpu.dma_semaphore, #tpu.memory_space<semaphore_mem>>) src(%arg10 : memref<80x64xf32, #tpu.memory_space<vmem>>) dst(%dma_wait3A_282 : memref<10000x64xf32, #tpu.memory_space<vmem_shared>>)
        tpu.yield
      }) : () -> ()
      %add3A_180 = arith.constant 8 : i32
      %add3A_181 = arith.addi %add3A_172, %add3A_180 : i32
      %rem3A_182 = arith.constant 125 : i32
      %rem3A_183 = arith.remsi %add3A_181, %rem3A_182 : i32
      %mul3A_184 = arith.constant 80 : i32
      %mul3A_185 = arith.muli %rem3A_183, %mul3A_184 : i32
      %dma_start3A_186 = tpu.memref_slice %arg5[%mul3A_185] : memref<10000xi32, #tpu.memory_space<vmem>> -> memref<80xi32, #tpu.memory_space<vmem>>
      %dma_start3A_187 = arith.constant 0 : i32
      %dma_start3A_188 = arith.constant 0 : i32
      %dma_start3A_189 = tpu.memref_slice %arg2[%dma_start3A_187, %dma_start3A_188] : memref<10000x64xf32, #tpu.memory_space<hbm>> -> memref<10000x64xf32, #tpu.memory_space<hbm>>
      tpu.enqueue_indirect_dma source(%dma_start3A_189 : memref<10000x64xf32, #tpu.memory_space<hbm>>) target(%arg10 : memref<80x64xf32, #tpu.memory_space<vmem>>) offsets(%dma_start3A_186 : memref<80xi32, #tpu.memory_space<vmem>>) semaphore(%arg19 : memref<!tpu.dma_semaphore, #tpu.memory_space<semaphore_mem>>)
      %mul3A_190 = arith.constant 8 : i32
      %mul3A_191 = arith.muli %mul3A_190, %scan3A_106 : i32
      %add3A_192 = arith.constant 4 : i32
      %add3A_193 = arith.addi %mul3A_191, %add3A_192 : i32
      %dma_wait3A_194 = arith.constant 0 : i32
      %dma_wait3A_195 = tpu.memref_slice %arg5[%dma_wait3A_194] : memref<10000xi32, #tpu.memory_space<vmem>> -> memref<80xi32, #tpu.memory_space<vmem>>
      %dma_wait3A_196 = arith.constant 0 : i32
      %dma_wait3A_197 = arith.constant 0 : i32
      %dma_wait3A_198 = tpu.memref_slice %arg2[%dma_wait3A_196, %dma_wait3A_197] : memref<10000x64xf32, #tpu.memory_space<hbm>> -> memref<10000x64xf32, #tpu.memory_space<hbm>>
      tpu.wait_indirect_dma semaphore(%arg20 : memref<!tpu.dma_semaphore, #tpu.memory_space<semaphore_mem>>) src(%dma_wait3A_198 : memref<10000x64xf32, #tpu.memory_space<hbm>>) dst(%arg11 : memref<80x64xf32, #tpu.memory_space<vmem>>)
      %mul3A_199 = arith.constant 80 : i32
      %mul3A_200 = arith.muli %add3A_193, %mul3A_199 : i32
      "tpu.region"() ({
        %run_scoped3A_274 = tpu.sem_alloc : memref<!tpu.dma_semaphore, #tpu.memory_space<semaphore_mem>>
        %dma_start3A_275 = tpu.memref_slice %arg6[%mul3A_200] : memref<10000xi32, #tpu.memory_space<vmem>> -> memref<80xi32, #tpu.memory_space<vmem>>
        %dma_start3A_276 = arith.constant 0 : i32
        %dma_start3A_277 = arith.constant 0 : i32
        %dma_start3A_278 = tpu.memref_slice %arg15[%dma_start3A_276, %dma_start3A_277] : memref<10000x64xf32, #tpu.memory_space<vmem_shared>> -> memref<10000x64xf32, #tpu.memory_space<vmem_shared>>
        tpu.enqueue_indirect_dma source(%arg11 : memref<80x64xf32, #tpu.memory_space<vmem>>) target(%dma_start3A_278 : memref<10000x64xf32, #tpu.memory_space<vmem_shared>>) offsets(%dma_start3A_275 : memref<80xi32, #tpu.memory_space<vmem>>) semaphore(%run_scoped3A_274 : memref<!tpu.dma_semaphore, #tpu.memory_space<semaphore_mem>>) {add = true}
        %dma_wait3A_279 = tpu.memref_slice %arg6[%mul3A_200] : memref<10000xi32, #tpu.memory_space<vmem>> -> memref<80xi32, #tpu.memory_space<vmem>>
        %dma_wait3A_280 = arith.constant 0 : i32
        %dma_wait3A_281 = arith.constant 0 : i32
        %dma_wait3A_282 = tpu.memref_slice %arg15[%dma_wait3A_280, %dma_wait3A_281] : memref<10000x64xf32, #tpu.memory_space<vmem_shared>> -> memref<10000x64xf32, #tpu.memory_space<vmem_shared>>
        tpu.wait_indirect_dma semaphore(%run_scoped3A_274 : memref<!tpu.dma_semaphore, #tpu.memory_space<semaphore_mem>>) src(%arg11 : memref<80x64xf32, #tpu.memory_space<vmem>>) dst(%dma_wait3A_282 : memref<10000x64xf32, #tpu.memory_space<vmem_shared>>)
        tpu.yield
      }) : () -> ()
      %add3A_201 = arith.constant 8 : i32
      %add3A_202 = arith.addi %add3A_193, %add3A_201 : i32
      %rem3A_203 = arith.constant 125 : i32
      %rem3A_204 = arith.remsi %add3A_202, %rem3A_203 : i32
      %mul3A_205 = arith.constant 80 : i32
      %mul3A_206 = arith.muli %rem3A_204, %mul3A_205 : i32
      %dma_start3A_207 = tpu.memref_slice %arg5[%mul3A_206] : memref<10000xi32, #tpu.memory_space<vmem>> -> memref<80xi32, #tpu.memory_space<vmem>>
      %dma_start3A_208 = arith.constant 0 : i32
      %dma_start3A_209 = arith.constant 0 : i32
      %dma_start3A_210 = tpu.memref_slice %arg2[%dma_start3A_208, %dma_start3A_209] : memref<10000x64xf32, #tpu.memory_space<hbm>> -> memref<10000x64xf32, #tpu.memory_space<hbm>>
      tpu.enqueue_indirect_dma source(%dma_start3A_210 : memref<10000x64xf32, #tpu.memory_space<hbm>>) target(%arg11 : memref<80x64xf32, #tpu.memory_space<vmem>>) offsets(%dma_start3A_207 : memref<80xi32, #tpu.memory_space<vmem>>) semaphore(%arg20 : memref<!tpu.dma_semaphore, #tpu.memory_space<semaphore_mem>>)
      %mul3A_211 = arith.constant 8 : i32
      %mul3A_212 = arith.muli %mul3A_211, %scan3A_106 : i32
      %add3A_213 = arith.constant 5 : i32
      %add3A_214 = arith.addi %mul3A_212, %add3A_213 : i32
      %dma_wait3A_215 = arith.constant 0 : i32
      %dma_wait3A_216 = tpu.memref_slice %arg5[%dma_wait3A_215] : memref<10000xi32, #tpu.memory_space<vmem>> -> memref<80xi32, #tpu.memory_space<vmem>>
      %dma_wait3A_217 = arith.constant 0 : i32
      %dma_wait3A_218 = arith.constant 0 : i32
      %dma_wait3A_219 = tpu.memref_slice %arg2[%dma_wait3A_217, %dma_wait3A_218] : memref<10000x64xf32, #tpu.memory_space<hbm>> -> memref<10000x64xf32, #tpu.memory_space<hbm>>
      tpu.wait_indirect_dma semaphore(%arg21 : memref<!tpu.dma_semaphore, #tpu.memory_space<semaphore_mem>>) src(%dma_wait3A_219 : memref<10000x64xf32, #tpu.memory_space<hbm>>) dst(%arg12 : memref<80x64xf32, #tpu.memory_space<vmem>>)
      %mul3A_220 = arith.constant 80 : i32
      %mul3A_221 = arith.muli %add3A_214, %mul3A_220 : i32
      "tpu.region"() ({
        %run_scoped3A_274 = tpu.sem_alloc : memref<!tpu.dma_semaphore, #tpu.memory_space<semaphore_mem>>
        %dma_start3A_275 = tpu.memref_slice %arg6[%mul3A_221] : memref<10000xi32, #tpu.memory_space<vmem>> -> memref<80xi32, #tpu.memory_space<vmem>>
        %dma_start3A_276 = arith.constant 0 : i32
        %dma_start3A_277 = arith.constant 0 : i32
        %dma_start3A_278 = tpu.memref_slice %arg15[%dma_start3A_276, %dma_start3A_277] : memref<10000x64xf32, #tpu.memory_space<vmem_shared>> -> memref<10000x64xf32, #tpu.memory_space<vmem_shared>>
        tpu.enqueue_indirect_dma source(%arg12 : memref<80x64xf32, #tpu.memory_space<vmem>>) target(%dma_start3A_278 : memref<10000x64xf32, #tpu.memory_space<vmem_shared>>) offsets(%dma_start3A_275 : memref<80xi32, #tpu.memory_space<vmem>>) semaphore(%run_scoped3A_274 : memref<!tpu.dma_semaphore, #tpu.memory_space<semaphore_mem>>) {add = true}
        %dma_wait3A_279 = tpu.memref_slice %arg6[%mul3A_221] : memref<10000xi32, #tpu.memory_space<vmem>> -> memref<80xi32, #tpu.memory_space<vmem>>
        %dma_wait3A_280 = arith.constant 0 : i32
        %dma_wait3A_281 = arith.constant 0 : i32
        %dma_wait3A_282 = tpu.memref_slice %arg15[%dma_wait3A_280, %dma_wait3A_281] : memref<10000x64xf32, #tpu.memory_space<vmem_shared>> -> memref<10000x64xf32, #tpu.memory_space<vmem_shared>>
        tpu.wait_indirect_dma semaphore(%run_scoped3A_274 : memref<!tpu.dma_semaphore, #tpu.memory_space<semaphore_mem>>) src(%arg12 : memref<80x64xf32, #tpu.memory_space<vmem>>) dst(%dma_wait3A_282 : memref<10000x64xf32, #tpu.memory_space<vmem_shared>>)
        tpu.yield
      }) : () -> ()
      %add3A_222 = arith.constant 8 : i32
      %add3A_223 = arith.addi %add3A_214, %add3A_222 : i32
      %rem3A_224 = arith.constant 125 : i32
      %rem3A_225 = arith.remsi %add3A_223, %rem3A_224 : i32
      %mul3A_226 = arith.constant 80 : i32
      %mul3A_227 = arith.muli %rem3A_225, %mul3A_226 : i32
      %dma_start3A_228 = tpu.memref_slice %arg5[%mul3A_227] : memref<10000xi32, #tpu.memory_space<vmem>> -> memref<80xi32, #tpu.memory_space<vmem>>
      %dma_start3A_229 = arith.constant 0 : i32
      %dma_start3A_230 = arith.constant 0 : i32
      %dma_start3A_231 = tpu.memref_slice %arg2[%dma_start3A_229, %dma_start3A_230] : memref<10000x64xf32, #tpu.memory_space<hbm>> -> memref<10000x64xf32, #tpu.memory_space<hbm>>
      tpu.enqueue_indirect_dma source(%dma_start3A_231 : memref<10000x64xf32, #tpu.memory_space<hbm>>) target(%arg12 : memref<80x64xf32, #tpu.memory_space<vmem>>) offsets(%dma_start3A_228 : memref<80xi32, #tpu.memory_space<vmem>>) semaphore(%arg21 : memref<!tpu.dma_semaphore, #tpu.memory_space<semaphore_mem>>)
      %mul3A_232 = arith.constant 8 : i32
      %mul3A_233 = arith.muli %mul3A_232, %scan3A_106 : i32
      %add3A_234 = arith.constant 6 : i32
      %add3A_235 = arith.addi %mul3A_233, %add3A_234 : i32
      %dma_wait3A_236 = arith.constant 0 : i32
      %dma_wait3A_237 = tpu.memref_slice %arg5[%dma_wait3A_236] : memref<10000xi32, #tpu.memory_space<vmem>> -> memref<80xi32, #tpu.memory_space<vmem>>
      %dma_wait3A_238 = arith.constant 0 : i32
      %dma_wait3A_239 = arith.constant 0 : i32
      %dma_wait3A_240 = tpu.memref_slice %arg2[%dma_wait3A_238, %dma_wait3A_239] : memref<10000x64xf32, #tpu.memory_space<hbm>> -> memref<10000x64xf32, #tpu.memory_space<hbm>>
      tpu.wait_indirect_dma semaphore(%arg22 : memref<!tpu.dma_semaphore, #tpu.memory_space<semaphore_mem>>) src(%dma_wait3A_240 : memref<10000x64xf32, #tpu.memory_space<hbm>>) dst(%arg13 : memref<80x64xf32, #tpu.memory_space<vmem>>)
      %mul3A_241 = arith.constant 80 : i32
      %mul3A_242 = arith.muli %add3A_235, %mul3A_241 : i32
      "tpu.region"() ({
        %run_scoped3A_274 = tpu.sem_alloc : memref<!tpu.dma_semaphore, #tpu.memory_space<semaphore_mem>>
        %dma_start3A_275 = tpu.memref_slice %arg6[%mul3A_242] : memref<10000xi32, #tpu.memory_space<vmem>> -> memref<80xi32, #tpu.memory_space<vmem>>
        %dma_start3A_276 = arith.constant 0 : i32
        %dma_start3A_277 = arith.constant 0 : i32
        %dma_start3A_278 = tpu.memref_slice %arg15[%dma_start3A_276, %dma_start3A_277] : memref<10000x64xf32, #tpu.memory_space<vmem_shared>> -> memref<10000x64xf32, #tpu.memory_space<vmem_shared>>
        tpu.enqueue_indirect_dma source(%arg13 : memref<80x64xf32, #tpu.memory_space<vmem>>) target(%dma_start3A_278 : memref<10000x64xf32, #tpu.memory_space<vmem_shared>>) offsets(%dma_start3A_275 : memref<80xi32, #tpu.memory_space<vmem>>) semaphore(%run_scoped3A_274 : memref<!tpu.dma_semaphore, #tpu.memory_space<semaphore_mem>>) {add = true}
        %dma_wait3A_279 = tpu.memref_slice %arg6[%mul3A_242] : memref<10000xi32, #tpu.memory_space<vmem>> -> memref<80xi32, #tpu.memory_space<vmem>>
        %dma_wait3A_280 = arith.constant 0 : i32
        %dma_wait3A_281 = arith.constant 0 : i32
        %dma_wait3A_282 = tpu.memref_slice %arg15[%dma_wait3A_280, %dma_wait3A_281] : memref<10000x64xf32, #tpu.memory_space<vmem_shared>> -> memref<10000x64xf32, #tpu.memory_space<vmem_shared>>
        tpu.wait_indirect_dma semaphore(%run_scoped3A_274 : memref<!tpu.dma_semaphore, #tpu.memory_space<semaphore_mem>>) src(%arg13 : memref<80x64xf32, #tpu.memory_space<vmem>>) dst(%dma_wait3A_282 : memref<10000x64xf32, #tpu.memory_space<vmem_shared>>)
        tpu.yield
      }) : () -> ()
      %add3A_243 = arith.constant 8 : i32
      %add3A_244 = arith.addi %add3A_235, %add3A_243 : i32
      %rem3A_245 = arith.constant 125 : i32
      %rem3A_246 = arith.remsi %add3A_244, %rem3A_245 : i32
      %mul3A_247 = arith.constant 80 : i32
      %mul3A_248 = arith.muli %rem3A_246, %mul3A_247 : i32
      %dma_start3A_249 = tpu.memref_slice %arg5[%mul3A_248] : memref<10000xi32, #tpu.memory_space<vmem>> -> memref<80xi32, #tpu.memory_space<vmem>>
      %dma_start3A_250 = arith.constant 0 : i32
      %dma_start3A_251 = arith.constant 0 : i32
      %dma_start3A_252 = tpu.memref_slice %arg2[%dma_start3A_250, %dma_start3A_251] : memref<10000x64xf32, #tpu.memory_space<hbm>> -> memref<10000x64xf32, #tpu.memory_space<hbm>>
      tpu.enqueue_indirect_dma source(%dma_start3A_252 : memref<10000x64xf32, #tpu.memory_space<hbm>>) target(%arg13 : memref<80x64xf32, #tpu.memory_space<vmem>>) offsets(%dma_start3A_249 : memref<80xi32, #tpu.memory_space<vmem>>) semaphore(%arg22 : memref<!tpu.dma_semaphore, #tpu.memory_space<semaphore_mem>>)
      %mul3A_253 = arith.constant 8 : i32
      %mul3A_254 = arith.muli %mul3A_253, %scan3A_106 : i32
      %add3A_255 = arith.constant 7 : i32
      %add3A_256 = arith.addi %mul3A_254, %add3A_255 : i32
      %dma_wait3A_257 = arith.constant 0 : i32
      %dma_wait3A_258 = tpu.memref_slice %arg5[%dma_wait3A_257] : memref<10000xi32, #tpu.memory_space<vmem>> -> memref<80xi32, #tpu.memory_space<vmem>>
      %dma_wait3A_259 = arith.constant 0 : i32
      %dma_wait3A_260 = arith.constant 0 : i32
      %dma_wait3A_261 = tpu.memref_slice %arg2[%dma_wait3A_259, %dma_wait3A_260] : memref<10000x64xf32, #tpu.memory_space<hbm>> -> memref<10000x64xf32, #tpu.memory_space<hbm>>
      tpu.wait_indirect_dma semaphore(%arg23 : memref<!tpu.dma_semaphore, #tpu.memory_space<semaphore_mem>>) src(%dma_wait3A_261 : memref<10000x64xf32, #tpu.memory_space<hbm>>) dst(%arg14 : memref<80x64xf32, #tpu.memory_space<vmem>>)
      %mul3A_262 = arith.constant 80 : i32
      %mul3A_263 = arith.muli %add3A_256, %mul3A_262 : i32
      "tpu.region"() ({
        %run_scoped3A_274 = tpu.sem_alloc : memref<!tpu.dma_semaphore, #tpu.memory_space<semaphore_mem>>
        %dma_start3A_275 = tpu.memref_slice %arg6[%mul3A_263] : memref<10000xi32, #tpu.memory_space<vmem>> -> memref<80xi32, #tpu.memory_space<vmem>>
        %dma_start3A_276 = arith.constant 0 : i32
        %dma_start3A_277 = arith.constant 0 : i32
        %dma_start3A_278 = tpu.memref_slice %arg15[%dma_start3A_276, %dma_start3A_277] : memref<10000x64xf32, #tpu.memory_space<vmem_shared>> -> memref<10000x64xf32, #tpu.memory_space<vmem_shared>>
        tpu.enqueue_indirect_dma source(%arg14 : memref<80x64xf32, #tpu.memory_space<vmem>>) target(%dma_start3A_278 : memref<10000x64xf32, #tpu.memory_space<vmem_shared>>) offsets(%dma_start3A_275 : memref<80xi32, #tpu.memory_space<vmem>>) semaphore(%run_scoped3A_274 : memref<!tpu.dma_semaphore, #tpu.memory_space<semaphore_mem>>) {add = true}
        %dma_wait3A_279 = tpu.memref_slice %arg6[%mul3A_263] : memref<10000xi32, #tpu.memory_space<vmem>> -> memref<80xi32, #tpu.memory_space<vmem>>
        %dma_wait3A_280 = arith.constant 0 : i32
        %dma_wait3A_281 = arith.constant 0 : i32
        %dma_wait3A_282 = tpu.memref_slice %arg15[%dma_wait3A_280, %dma_wait3A_281] : memref<10000x64xf32, #tpu.memory_space<vmem_shared>> -> memref<10000x64xf32, #tpu.memory_space<vmem_shared>>
        tpu.wait_indirect_dma semaphore(%run_scoped3A_274 : memref<!tpu.dma_semaphore, #tpu.memory_space<semaphore_mem>>) src(%arg14 : memref<80x64xf32, #tpu.memory_space<vmem>>) dst(%dma_wait3A_282 : memref<10000x64xf32, #tpu.memory_space<vmem_shared>>)
        tpu.yield
      }) : () -> ()
      %add3A_264 = arith.constant 8 : i32
      %add3A_265 = arith.addi %add3A_256, %add3A_264 : i32
      %rem3A_266 = arith.constant 125 : i32
      %rem3A_267 = arith.remsi %add3A_265, %rem3A_266 : i32
      %mul3A_268 = arith.constant 80 : i32
      %mul3A_269 = arith.muli %rem3A_267, %mul3A_268 : i32
      %dma_start3A_270 = tpu.memref_slice %arg5[%mul3A_269] : memref<10000xi32, #tpu.memory_space<vmem>> -> memref<80xi32, #tpu.memory_space<vmem>>
      %dma_start3A_271 = arith.constant 0 : i32
      %dma_start3A_272 = arith.constant 0 : i32
      %dma_start3A_273 = tpu.memref_slice %arg2[%dma_start3A_271, %dma_start3A_272] : memref<10000x64xf32, #tpu.memory_space<hbm>> -> memref<10000x64xf32, #tpu.memory_space<hbm>>
      tpu.enqueue_indirect_dma source(%dma_start3A_273 : memref<10000x64xf32, #tpu.memory_space<hbm>>) target(%arg14 : memref<80x64xf32, #tpu.memory_space<vmem>>) offsets(%dma_start3A_270 : memref<80xi32, #tpu.memory_space<vmem>>) semaphore(%arg23 : memref<!tpu.dma_semaphore, #tpu.memory_space<semaphore_mem>>)
    }
    %scan3A_55 = arith.constant 15 : i32
    %dma_wait3A = arith.constant 0 : i32
    %dma_wait3A_56 = tpu.memref_slice %arg5[%dma_wait3A] : memref<10000xi32, #tpu.memory_space<vmem>> -> memref<80xi32, #tpu.memory_space<vmem>>
    %dma_wait3A_57 = arith.constant 0 : i32
    %dma_wait3A_58 = arith.constant 0 : i32
    %dma_wait3A_59 = tpu.memref_slice %arg2[%dma_wait3A_57, %dma_wait3A_58] : memref<10000x64xf32, #tpu.memory_space<hbm>> -> memref<10000x64xf32, #tpu.memory_space<hbm>>
    tpu.wait_indirect_dma semaphore(%arg16 : memref<!tpu.dma_semaphore, #tpu.memory_space<semaphore_mem>>) src(%dma_wait3A_59 : memref<10000x64xf32, #tpu.memory_space<hbm>>) dst(%arg7 : memref<80x64xf32, #tpu.memory_space<vmem>>)
    "tpu.region"() ({
      %run_scoped3A_106 = tpu.sem_alloc : memref<!tpu.dma_semaphore, #tpu.memory_space<semaphore_mem>>
      %dma_start3A_107 = arith.constant 9600 : i32
      %dma_start3A_108 = tpu.memref_slice %arg6[%dma_start3A_107] : memref<10000xi32, #tpu.memory_space<vmem>> -> memref<80xi32, #tpu.memory_space<vmem>>
      %dma_start3A_109 = arith.constant 0 : i32
      %dma_start3A_110 = arith.constant 0 : i32
      %dma_start3A_111 = tpu.memref_slice %arg15[%dma_start3A_109, %dma_start3A_110] : memref<10000x64xf32, #tpu.memory_space<vmem_shared>> -> memref<10000x64xf32, #tpu.memory_space<vmem_shared>>
      tpu.enqueue_indirect_dma source(%arg7 : memref<80x64xf32, #tpu.memory_space<vmem>>) target(%dma_start3A_111 : memref<10000x64xf32, #tpu.memory_space<vmem_shared>>) offsets(%dma_start3A_108 : memref<80xi32, #tpu.memory_space<vmem>>) semaphore(%run_scoped3A_106 : memref<!tpu.dma_semaphore, #tpu.memory_space<semaphore_mem>>) {add = true}
      %dma_wait3A_112 = arith.constant 9600 : i32
      %dma_wait3A_113 = tpu.memref_slice %arg6[%dma_wait3A_112] : memref<10000xi32, #tpu.memory_space<vmem>> -> memref<80xi32, #tpu.memory_space<vmem>>
      %dma_wait3A_114 = arith.constant 0 : i32
      %dma_wait3A_115 = arith.constant 0 : i32
      %dma_wait3A_116 = tpu.memref_slice %arg15[%dma_wait3A_114, %dma_wait3A_115] : memref<10000x64xf32, #tpu.memory_space<vmem_shared>> -> memref<10000x64xf32, #tpu.memory_space<vmem_shared>>
      tpu.wait_indirect_dma semaphore(%run_scoped3A_106 : memref<!tpu.dma_semaphore, #tpu.memory_space<semaphore_mem>>) src(%arg7 : memref<80x64xf32, #tpu.memory_space<vmem>>) dst(%dma_wait3A_116 : memref<10000x64xf32, #tpu.memory_space<vmem_shared>>)
      tpu.yield
    }) : () -> ()
    %dma_wait3A_60 = arith.constant 0 : i32
    %dma_wait3A_61 = tpu.memref_slice %arg5[%dma_wait3A_60] : memref<10000xi32, #tpu.memory_space<vmem>> -> memref<80xi32, #tpu.memory_space<vmem>>
    %dma_wait3A_62 = arith.constant 0 : i32
    %dma_wait3A_63 = arith.constant 0 : i32
    %dma_wait3A_64 = tpu.memref_slice %arg2[%dma_wait3A_62, %dma_wait3A_63] : memref<10000x64xf32, #tpu.memory_space<hbm>> -> memref<10000x64xf32, #tpu.memory_space<hbm>>
    tpu.wait_indirect_dma semaphore(%arg17 : memref<!tpu.dma_semaphore, #tpu.memory_space<semaphore_mem>>) src(%dma_wait3A_64 : memref<10000x64xf32, #tpu.memory_space<hbm>>) dst(%arg8 : memref<80x64xf32, #tpu.memory_space<vmem>>)
    "tpu.region"() ({
      %run_scoped3A_106 = tpu.sem_alloc : memref<!tpu.dma_semaphore, #tpu.memory_space<semaphore_mem>>
      %dma_start3A_107 = arith.constant 9680 : i32
      %dma_start3A_108 = tpu.memref_slice %arg6[%dma_start3A_107] : memref<10000xi32, #tpu.memory_space<vmem>> -> memref<80xi32, #tpu.memory_space<vmem>>
      %dma_start3A_109 = arith.constant 0 : i32
      %dma_start3A_110 = arith.constant 0 : i32
      %dma_start3A_111 = tpu.memref_slice %arg15[%dma_start3A_109, %dma_start3A_110] : memref<10000x64xf32, #tpu.memory_space<vmem_shared>> -> memref<10000x64xf32, #tpu.memory_space<vmem_shared>>
      tpu.enqueue_indirect_dma source(%arg8 : memref<80x64xf32, #tpu.memory_space<vmem>>) target(%dma_start3A_111 : memref<10000x64xf32, #tpu.memory_space<vmem_shared>>) offsets(%dma_start3A_108 : memref<80xi32, #tpu.memory_space<vmem>>) semaphore(%run_scoped3A_106 : memref<!tpu.dma_semaphore, #tpu.memory_space<semaphore_mem>>) {add = true}
      %dma_wait3A_112 = arith.constant 9680 : i32
      %dma_wait3A_113 = tpu.memref_slice %arg6[%dma_wait3A_112] : memref<10000xi32, #tpu.memory_space<vmem>> -> memref<80xi32, #tpu.memory_space<vmem>>
      %dma_wait3A_114 = arith.constant 0 : i32
      %dma_wait3A_115 = arith.constant 0 : i32
      %dma_wait3A_116 = tpu.memref_slice %arg15[%dma_wait3A_114, %dma_wait3A_115] : memref<10000x64xf32, #tpu.memory_space<vmem_shared>> -> memref<10000x64xf32, #tpu.memory_space<vmem_shared>>
      tpu.wait_indirect_dma semaphore(%run_scoped3A_106 : memref<!tpu.dma_semaphore, #tpu.memory_space<semaphore_mem>>) src(%arg8 : memref<80x64xf32, #tpu.memory_space<vmem>>) dst(%dma_wait3A_116 : memref<10000x64xf32, #tpu.memory_space<vmem_shared>>)
      tpu.yield
    }) : () -> ()
    %dma_wait3A_65 = arith.constant 0 : i32
    %dma_wait3A_66 = tpu.memref_slice %arg5[%dma_wait3A_65] : memref<10000xi32, #tpu.memory_space<vmem>> -> memref<80xi32, #tpu.memory_space<vmem>>
    %dma_wait3A_67 = arith.constant 0 : i32
    %dma_wait3A_68 = arith.constant 0 : i32
    %dma_wait3A_69 = tpu.memref_slice %arg2[%dma_wait3A_67, %dma_wait3A_68] : memref<10000x64xf32, #tpu.memory_space<hbm>> -> memref<10000x64xf32, #tpu.memory_space<hbm>>
    tpu.wait_indirect_dma semaphore(%arg18 : memref<!tpu.dma_semaphore, #tpu.memory_space<semaphore_mem>>) src(%dma_wait3A_69 : memref<10000x64xf32, #tpu.memory_space<hbm>>) dst(%arg9 : memref<80x64xf32, #tpu.memory_space<vmem>>)
    "tpu.region"() ({
      %run_scoped3A_106 = tpu.sem_alloc : memref<!tpu.dma_semaphore, #tpu.memory_space<semaphore_mem>>
      %dma_start3A_107 = arith.constant 9760 : i32
      %dma_start3A_108 = tpu.memref_slice %arg6[%dma_start3A_107] : memref<10000xi32, #tpu.memory_space<vmem>> -> memref<80xi32, #tpu.memory_space<vmem>>
      %dma_start3A_109 = arith.constant 0 : i32
      %dma_start3A_110 = arith.constant 0 : i32
      %dma_start3A_111 = tpu.memref_slice %arg15[%dma_start3A_109, %dma_start3A_110] : memref<10000x64xf32, #tpu.memory_space<vmem_shared>> -> memref<10000x64xf32, #tpu.memory_space<vmem_shared>>
      tpu.enqueue_indirect_dma source(%arg9 : memref<80x64xf32, #tpu.memory_space<vmem>>) target(%dma_start3A_111 : memref<10000x64xf32, #tpu.memory_space<vmem_shared>>) offsets(%dma_start3A_108 : memref<80xi32, #tpu.memory_space<vmem>>) semaphore(%run_scoped3A_106 : memref<!tpu.dma_semaphore, #tpu.memory_space<semaphore_mem>>) {add = true}
      %dma_wait3A_112 = arith.constant 9760 : i32
      %dma_wait3A_113 = tpu.memref_slice %arg6[%dma_wait3A_112] : memref<10000xi32, #tpu.memory_space<vmem>> -> memref<80xi32, #tpu.memory_space<vmem>>
      %dma_wait3A_114 = arith.constant 0 : i32
      %dma_wait3A_115 = arith.constant 0 : i32
      %dma_wait3A_116 = tpu.memref_slice %arg15[%dma_wait3A_114, %dma_wait3A_115] : memref<10000x64xf32, #tpu.memory_space<vmem_shared>> -> memref<10000x64xf32, #tpu.memory_space<vmem_shared>>
      tpu.wait_indirect_dma semaphore(%run_scoped3A_106 : memref<!tpu.dma_semaphore, #tpu.memory_space<semaphore_mem>>) src(%arg9 : memref<80x64xf32, #tpu.memory_space<vmem>>) dst(%dma_wait3A_116 : memref<10000x64xf32, #tpu.memory_space<vmem_shared>>)
      tpu.yield
    }) : () -> ()
    %dma_wait3A_70 = arith.constant 0 : i32
    %dma_wait3A_71 = tpu.memref_slice %arg5[%dma_wait3A_70] : memref<10000xi32, #tpu.memory_space<vmem>> -> memref<80xi32, #tpu.memory_space<vmem>>
    %dma_wait3A_72 = arith.constant 0 : i32
    %dma_wait3A_73 = arith.constant 0 : i32
    %dma_wait3A_74 = tpu.memref_slice %arg2[%dma_wait3A_72, %dma_wait3A_73] : memref<10000x64xf32, #tpu.memory_space<hbm>> -> memref<10000x64xf32, #tpu.memory_space<hbm>>
    tpu.wait_indirect_dma semaphore(%arg19 : memref<!tpu.dma_semaphore, #tpu.memory_space<semaphore_mem>>) src(%dma_wait3A_74 : memref<10000x64xf32, #tpu.memory_space<hbm>>) dst(%arg10 : memref<80x64xf32, #tpu.memory_space<vmem>>)
    "tpu.region"() ({
      %run_scoped3A_106 = tpu.sem_alloc : memref<!tpu.dma_semaphore, #tpu.memory_space<semaphore_mem>>
      %dma_start3A_107 = arith.constant 9840 : i32
      %dma_start3A_108 = tpu.memref_slice %arg6[%dma_start3A_107] : memref<10000xi32, #tpu.memory_space<vmem>> -> memref<80xi32, #tpu.memory_space<vmem>>
      %dma_start3A_109 = arith.constant 0 : i32
      %dma_start3A_110 = arith.constant 0 : i32
      %dma_start3A_111 = tpu.memref_slice %arg15[%dma_start3A_109, %dma_start3A_110] : memref<10000x64xf32, #tpu.memory_space<vmem_shared>> -> memref<10000x64xf32, #tpu.memory_space<vmem_shared>>
      tpu.enqueue_indirect_dma source(%arg10 : memref<80x64xf32, #tpu.memory_space<vmem>>) target(%dma_start3A_111 : memref<10000x64xf32, #tpu.memory_space<vmem_shared>>) offsets(%dma_start3A_108 : memref<80xi32, #tpu.memory_space<vmem>>) semaphore(%run_scoped3A_106 : memref<!tpu.dma_semaphore, #tpu.memory_space<semaphore_mem>>) {add = true}
      %dma_wait3A_112 = arith.constant 9840 : i32
      %dma_wait3A_113 = tpu.memref_slice %arg6[%dma_wait3A_112] : memref<10000xi32, #tpu.memory_space<vmem>> -> memref<80xi32, #tpu.memory_space<vmem>>
      %dma_wait3A_114 = arith.constant 0 : i32
      %dma_wait3A_115 = arith.constant 0 : i32
      %dma_wait3A_116 = tpu.memref_slice %arg15[%dma_wait3A_114, %dma_wait3A_115] : memref<10000x64xf32, #tpu.memory_space<vmem_shared>> -> memref<10000x64xf32, #tpu.memory_space<vmem_shared>>
      tpu.wait_indirect_dma semaphore(%run_scoped3A_106 : memref<!tpu.dma_semaphore, #tpu.memory_space<semaphore_mem>>) src(%arg10 : memref<80x64xf32, #tpu.memory_space<vmem>>) dst(%dma_wait3A_116 : memref<10000x64xf32, #tpu.memory_space<vmem_shared>>)
      tpu.yield
    }) : () -> ()
    %dma_wait3A_75 = arith.constant 0 : i32
    %dma_wait3A_76 = tpu.memref_slice %arg5[%dma_wait3A_75] : memref<10000xi32, #tpu.memory_space<vmem>> -> memref<80xi32, #tpu.memory_space<vmem>>
    %dma_wait3A_77 = arith.constant 0 : i32
    %dma_wait3A_78 = arith.constant 0 : i32
    %dma_wait3A_79 = tpu.memref_slice %arg2[%dma_wait3A_77, %dma_wait3A_78] : memref<10000x64xf32, #tpu.memory_space<hbm>> -> memref<10000x64xf32, #tpu.memory_space<hbm>>
    tpu.wait_indirect_dma semaphore(%arg20 : memref<!tpu.dma_semaphore, #tpu.memory_space<semaphore_mem>>) src(%dma_wait3A_79 : memref<10000x64xf32, #tpu.memory_space<hbm>>) dst(%arg11 : memref<80x64xf32, #tpu.memory_space<vmem>>)
    "tpu.region"() ({
      %run_scoped3A_106 = tpu.sem_alloc : memref<!tpu.dma_semaphore, #tpu.memory_space<semaphore_mem>>
      %dma_start3A_107 = arith.constant 9920 : i32
      %dma_start3A_108 = tpu.memref_slice %arg6[%dma_start3A_107] : memref<10000xi32, #tpu.memory_space<vmem>> -> memref<80xi32, #tpu.memory_space<vmem>>
      %dma_start3A_109 = arith.constant 0 : i32
      %dma_start3A_110 = arith.constant 0 : i32
      %dma_start3A_111 = tpu.memref_slice %arg15[%dma_start3A_109, %dma_start3A_110] : memref<10000x64xf32, #tpu.memory_space<vmem_shared>> -> memref<10000x64xf32, #tpu.memory_space<vmem_shared>>
      tpu.enqueue_indirect_dma source(%arg11 : memref<80x64xf32, #tpu.memory_space<vmem>>) target(%dma_start3A_111 : memref<10000x64xf32, #tpu.memory_space<vmem_shared>>) offsets(%dma_start3A_108 : memref<80xi32, #tpu.memory_space<vmem>>) semaphore(%run_scoped3A_106 : memref<!tpu.dma_semaphore, #tpu.memory_space<semaphore_mem>>) {add = true}
      %dma_wait3A_112 = arith.constant 9920 : i32
      %dma_wait3A_113 = tpu.memref_slice %arg6[%dma_wait3A_112] : memref<10000xi32, #tpu.memory_space<vmem>> -> memref<80xi32, #tpu.memory_space<vmem>>
      %dma_wait3A_114 = arith.constant 0 : i32
      %dma_wait3A_115 = arith.constant 0 : i32
      %dma_wait3A_116 = tpu.memref_slice %arg15[%dma_wait3A_114, %dma_wait3A_115] : memref<10000x64xf32, #tpu.memory_space<vmem_shared>> -> memref<10000x64xf32, #tpu.memory_space<vmem_shared>>
      tpu.wait_indirect_dma semaphore(%run_scoped3A_106 : memref<!tpu.dma_semaphore, #tpu.memory_space<semaphore_mem>>) src(%arg11 : memref<80x64xf32, #tpu.memory_space<vmem>>) dst(%dma_wait3A_116 : memref<10000x64xf32, #tpu.memory_space<vmem_shared>>)
      tpu.yield
    }) : () -> ()
    %dma_wait3A_80 = arith.constant 0 : i32
    %dma_wait3A_81 = tpu.memref_slice %arg5[%dma_wait3A_80] : memref<10000xi32, #tpu.memory_space<vmem>> -> memref<80xi32, #tpu.memory_space<vmem>>
    %dma_wait3A_82 = arith.constant 0 : i32
    %dma_wait3A_83 = arith.constant 0 : i32
    %dma_wait3A_84 = tpu.memref_slice %arg2[%dma_wait3A_82, %dma_wait3A_83] : memref<10000x64xf32, #tpu.memory_space<hbm>> -> memref<10000x64xf32, #tpu.memory_space<hbm>>
    tpu.wait_indirect_dma semaphore(%arg21 : memref<!tpu.dma_semaphore, #tpu.memory_space<semaphore_mem>>) src(%dma_wait3A_84 : memref<10000x64xf32, #tpu.memory_space<hbm>>) dst(%arg12 : memref<80x64xf32, #tpu.memory_space<vmem>>)
    %dma_wait3A_85 = arith.constant 0 : i32
    %dma_wait3A_86 = tpu.memref_slice %arg5[%dma_wait3A_85] : memref<10000xi32, #tpu.memory_space<vmem>> -> memref<80xi32, #tpu.memory_space<vmem>>
    %dma_wait3A_87 = arith.constant 0 : i32
    %dma_wait3A_88 = arith.constant 0 : i32
    %dma_wait3A_89 = tpu.memref_slice %arg2[%dma_wait3A_87, %dma_wait3A_88] : memref<10000x64xf32, #tpu.memory_space<hbm>> -> memref<10000x64xf32, #tpu.memory_space<hbm>>
    tpu.wait_indirect_dma semaphore(%arg22 : memref<!tpu.dma_semaphore, #tpu.memory_space<semaphore_mem>>) src(%dma_wait3A_89 : memref<10000x64xf32, #tpu.memory_space<hbm>>) dst(%arg13 : memref<80x64xf32, #tpu.memory_space<vmem>>)
    %dma_wait3A_90 = arith.constant 0 : i32
    %dma_wait3A_91 = tpu.memref_slice %arg5[%dma_wait3A_90] : memref<10000xi32, #tpu.memory_space<vmem>> -> memref<80xi32, #tpu.memory_space<vmem>>
    %dma_wait3A_92 = arith.constant 0 : i32
    %dma_wait3A_93 = arith.constant 0 : i32
    %dma_wait3A_94 = tpu.memref_slice %arg2[%dma_wait3A_92, %dma_wait3A_93] : memref<10000x64xf32, #tpu.memory_space<hbm>> -> memref<10000x64xf32, #tpu.memory_space<hbm>>
    tpu.wait_indirect_dma semaphore(%arg23 : memref<!tpu.dma_semaphore, #tpu.memory_space<semaphore_mem>>) src(%dma_wait3A_94 : memref<10000x64xf32, #tpu.memory_space<hbm>>) dst(%arg14 : memref<80x64xf32, #tpu.memory_space<vmem>>)
    %barrier3A_95 = arith.constant 0 : index
    tpu.barrier barrier_id(%barrier3A_95)
    %ne3A_96 = arith.constant 15 : i32
    %ne3A_97 = arith.cmpi ne, %arg1, %ne3A_96 : i32
    %convert_element_type3A_98 = arith.extui %ne3A_97 : i1 to i32
    %cond3A_99 = arith.constant 0 : i32
    %cond3A_100 = arith.cmpi ne, %convert_element_type3A_98, %cond3A_99 : i32
    scf.if %cond3A_100 {
      %mul3A_106 = arith.constant 632 : i32
      %mul3A_107 = arith.muli %arg1, %mul3A_106 : i32
      %mul3A_108 = arith.constant 632 : i32
      %mul3A_109 = arith.muli %arg1, %mul3A_108 : i32
      "tpu.region"() ({
        %run_scoped3A_110 = tpu.sem_alloc : memref<!tpu.dma_semaphore, #tpu.memory_space<semaphore_mem>>
        %dma_start3A_111 = arith.constant 0 : i32
        %dma_start3A_112 = tpu.memref_slice %arg4[%arg0, %mul3A_109, %dma_start3A_111] : memref<2x10000x64xf32, #tpu.memory_space<hbm>> -> memref<1x632x64xf32, #tpu.memory_space<hbm>>
        %dma_start3A_113 = tpu.memref_squeeze %dma_start3A_112 : memref<1x632x64xf32, #tpu.memory_space<hbm>> -> memref<632x64xf32, #tpu.memory_space<hbm>>
        %dma_start3A_114 = arith.constant 0 : i32
        %dma_start3A_115 = tpu.memref_slice %arg15[%mul3A_107, %dma_start3A_114] : memref<10000x64xf32, #tpu.memory_space<vmem_shared>> -> memref<632x64xf32, #tpu.memory_space<vmem_shared>>
        tpu.enqueue_dma source(%dma_start3A_115 : memref<632x64xf32, #tpu.memory_space<vmem_shared>>) target(%dma_start3A_113 : memref<632x64xf32, #tpu.memory_space<hbm>>) target_semaphore(%run_scoped3A_110 : memref<!tpu.dma_semaphore, #tpu.memory_space<semaphore_mem>>)
        %dma_wait3A_116 = arith.constant 0 : i32
        %dma_wait3A_117 = tpu.memref_slice %arg4[%arg0, %mul3A_109, %dma_wait3A_116] : memref<2x10000x64xf32, #tpu.memory_space<hbm>> -> memref<1x632x64xf32, #tpu.memory_space<hbm>>
        %dma_wait3A_118 = tpu.memref_squeeze %dma_wait3A_117 : memref<1x632x64xf32, #tpu.memory_space<hbm>> -> memref<632x64xf32, #tpu.memory_space<hbm>>
        %dma_wait3A_119 = arith.constant 0 : i32
        %dma_wait3A_120 = tpu.memref_slice %arg15[%mul3A_107, %dma_wait3A_119] : memref<10000x64xf32, #tpu.memory_space<vmem_shared>> -> memref<632x64xf32, #tpu.memory_space<vmem_shared>>
        tpu.wait_dma2 semaphore(%run_scoped3A_110 : memref<!tpu.dma_semaphore, #tpu.memory_space<semaphore_mem>>) src(%dma_wait3A_120 : memref<632x64xf32, #tpu.memory_space<vmem_shared>>) dst(%dma_wait3A_118 : memref<632x64xf32, #tpu.memory_space<hbm>>)
        tpu.yield
      }) : () -> ()
    } else {
    }
    %eq3A_101 = arith.constant 15 : i32
    %eq3A_102 = arith.cmpi eq, %arg1, %eq3A_101 : i32
    %convert_element_type3A_103 = arith.extui %eq3A_102 : i1 to i32
    %cond3A_104 = arith.constant 0 : i32
    %cond3A_105 = arith.cmpi ne, %convert_element_type3A_103, %cond3A_104 : i32
    scf.if %cond3A_105 {
      "tpu.region"() ({
        %run_scoped3A_106 = tpu.sem_alloc : memref<!tpu.dma_semaphore, #tpu.memory_space<semaphore_mem>>
        %dma_start3A_107 = arith.constant 9480 : i32
        %dma_start3A_108 = arith.constant 0 : i32
        %dma_start3A_109 = tpu.memref_slice %arg4[%arg0, %dma_start3A_107, %dma_start3A_108] : memref<2x10000x64xf32, #tpu.memory_space<hbm>> -> memref<1x520x64xf32, #tpu.memory_space<hbm>>
        %dma_start3A_110 = tpu.memref_squeeze %dma_start3A_109 : memref<1x520x64xf32, #tpu.memory_space<hbm>> -> memref<520x64xf32, #tpu.memory_space<hbm>>
        %dma_start3A_111 = arith.constant 9480 : i32
        %dma_start3A_112 = arith.constant 0 : i32
        %dma_start3A_113 = tpu.memref_slice %arg15[%dma_start3A_111, %dma_start3A_112] : memref<10000x64xf32, #tpu.memory_space<vmem_shared>> -> memref<520x64xf32, #tpu.memory_space<vmem_shared>>
        tpu.enqueue_dma source(%dma_start3A_113 : memref<520x64xf32, #tpu.memory_space<vmem_shared>>) target(%dma_start3A_110 : memref<520x64xf32, #tpu.memory_space<hbm>>) target_semaphore(%run_scoped3A_106 : memref<!tpu.dma_semaphore, #tpu.memory_space<semaphore_mem>>)
        %dma_wait3A_114 = arith.constant 9480 : i32
        %dma_wait3A_115 = arith.constant 0 : i32
        %dma_wait3A_116 = tpu.memref_slice %arg4[%arg0, %dma_wait3A_114, %dma_wait3A_115] : memref<2x10000x64xf32, #tpu.memory_space<hbm>> -> memref<1x520x64xf32, #tpu.memory_space<hbm>>
        %dma_wait3A_117 = tpu.memref_squeeze %dma_wait3A_116 : memref<1x520x64xf32, #tpu.memory_space<hbm>> -> memref<520x64xf32, #tpu.memory_space<hbm>>
        %dma_wait3A_118 = arith.constant 9480 : i32
        %dma_wait3A_119 = arith.constant 0 : i32
        %dma_wait3A_120 = tpu.memref_slice %arg15[%dma_wait3A_118, %dma_wait3A_119] : memref<10000x64xf32, #tpu.memory_space<vmem_shared>> -> memref<520x64xf32, #tpu.memory_space<vmem_shared>>
        tpu.wait_dma2 semaphore(%run_scoped3A_106 : memref<!tpu.dma_semaphore, #tpu.memory_space<semaphore_mem>>) src(%dma_wait3A_120 : memref<520x64xf32, #tpu.memory_space<vmem_shared>>) dst(%dma_wait3A_117 : memref<520x64xf32, #tpu.memory_space<hbm>>)
        tpu.yield
      }) : () -> ()
    } else {
    }
    return
  }
}

#map = affine_map<(d0, d1) -> (0, 0)>
#map1 = affine_map<(d0, d1) -> (0, 0, 0)>
module attributes {stable_mosaic.version = 14 : i64} {
  func.func @agg(%arg0: i32, %arg1: i32, %arg2: memref<10000x64xf32, #tpu.memory_space<hbm>>, %arg3: memref<2x320000xi32, #tpu.memory_space<hbm>>, %arg4: memref<2x10000x64xf32, #tpu.memory_space<hbm>>, %arg5: memref<10000xi32, #tpu.memory_space<vmem>>, %arg6: memref<10000xi32, #tpu.memory_space<vmem>>, %arg7: memref<80x64xf32, #tpu.memory_space<vmem>>, %arg8: memref<80x64xf32, #tpu.memory_space<vmem>>, %arg9: memref<80x64xf32, #tpu.memory_space<vmem>>, %arg10: memref<80x64xf32, #tpu.memory_space<vmem>>, %arg11: memref<80x64xf32, #tpu.memory_space<vmem>>, %arg12: memref<80x64xf32, #tpu.memory_space<vmem>>, %arg13: memref<80x64xf32, #tpu.memory_space<vmem>>, %arg14: memref<80x64xf32, #tpu.memory_space<vmem>>, %arg15: memref<10000x64xf32, #tpu.memory_space<vmem_shared>>, %arg16: memref<!tpu.dma_semaphore, #tpu.memory_space<semaphore_mem>>, %arg17: memref<!tpu.dma_semaphore, #tpu.memory_space<semaphore_mem>>, %arg18: memref<!tpu.dma_semaphore, #tpu.memory_space<semaphore_mem>>, %arg19: memref<!tpu.dma_semaphore, #tpu.memory_space<semaphore_mem>>, %arg20: memref<!tpu.dma_semaphore, #tpu.memory_space<semaphore_mem>>, %arg21: memref<!tpu.dma_semaphore, #tpu.memory_space<semaphore_mem>>, %arg22: memref<!tpu.dma_semaphore, #tpu.memory_space<semaphore_mem>>, %arg23: memref<!tpu.dma_semaphore, #tpu.memory_space<semaphore_mem>>) attributes {dimension_semantics = [#tpu.dimension_semantics<core_parallel>, #tpu.dimension_semantics<subcore_parallel>], iteration_bounds = array<i64: 2, 16>, scalar_prefetch = 0 : i64, scratch_operands = 19 : i64, tpu.core_type = #tpu.core_type<sc_vector_subcore>, window_params = [{transform_indices = #map}, {transform_indices = #map}, {transform_indices = #map1}]} {
    %mul3A = arith.constant 16 : i32
    %mul3A_0 = arith.muli %arg0, %mul3A : i32
    %add3A = arith.addi %mul3A_0, %arg1 : i32
    %ne3A = arith.constant 15 : i32
    %ne3A_1 = arith.cmpi ne, %arg1, %ne3A : i32
    %convert_element_type3A = arith.extui %ne3A_1 : i1 to i32
    %cond3A = arith.constant 0 : i32
    %cond3A_2 = arith.cmpi ne, %convert_element_type3A, %cond3A : i32
    scf.if %cond3A_2 {
      %mul3A_106 = arith.constant 632 : i32
      %mul3A_107 = arith.muli %arg1, %mul3A_106 : i32
      %mul3A_108 = arith.constant 632 : i32
      %mul3A_109 = arith.muli %arg1, %mul3A_108 : i32
      "tpu.region"() ({
        %run_scoped3A_110 = tpu.sem_alloc : memref<!tpu.dma_semaphore, #tpu.memory_space<semaphore_mem>>
        %dma_start3A_111 = arith.constant 0 : i32
        %dma_start3A_112 = tpu.memref_slice %arg15[%mul3A_109, %dma_start3A_111] : memref<10000x64xf32, #tpu.memory_space<vmem_shared>> -> memref<632x64xf32, #tpu.memory_space<vmem_shared>>
        %dma_start3A_113 = arith.constant 0 : i32
        %dma_start3A_114 = tpu.memref_slice %arg2[%mul3A_107, %dma_start3A_113] : memref<10000x64xf32, #tpu.memory_space<hbm>> -> memref<632x64xf32, #tpu.memory_space<hbm>>
        tpu.enqueue_dma source(%dma_start3A_114 : memref<632x64xf32, #tpu.memory_space<hbm>>) target(%dma_start3A_112 : memref<632x64xf32, #tpu.memory_space<vmem_shared>>) target_semaphore(%run_scoped3A_110 : memref<!tpu.dma_semaphore, #tpu.memory_space<semaphore_mem>>)
        %dma_wait3A_115 = arith.constant 0 : i32
        %dma_wait3A_116 = tpu.memref_slice %arg15[%mul3A_109, %dma_wait3A_115] : memref<10000x64xf32, #tpu.memory_space<vmem_shared>> -> memref<632x64xf32, #tpu.memory_space<vmem_shared>>
        %dma_wait3A_117 = arith.constant 0 : i32
        %dma_wait3A_118 = tpu.memref_slice %arg2[%mul3A_107, %dma_wait3A_117] : memref<10000x64xf32, #tpu.memory_space<hbm>> -> memref<632x64xf32, #tpu.memory_space<hbm>>
        tpu.wait_dma2 semaphore(%run_scoped3A_110 : memref<!tpu.dma_semaphore, #tpu.memory_space<semaphore_mem>>) src(%dma_wait3A_118 : memref<632x64xf32, #tpu.memory_space<hbm>>) dst(%dma_wait3A_116 : memref<632x64xf32, #tpu.memory_space<vmem_shared>>)
        tpu.yield
      }) : () -> ()
    } else {
    }
    %eq3A = arith.constant 15 : i32
    %eq3A_3 = arith.cmpi eq, %arg1, %eq3A : i32
    %convert_element_type3A_4 = arith.extui %eq3A_3 : i1 to i32
    %cond3A_5 = arith.constant 0 : i32
    %cond3A_6 = arith.cmpi ne, %convert_element_type3A_4, %cond3A_5 : i32
    scf.if %cond3A_6 {
      "tpu.region"() ({
        %run_scoped3A_106 = tpu.sem_alloc : memref<!tpu.dma_semaphore, #tpu.memory_space<semaphore_mem>>
        %dma_start3A_107 = arith.constant 9480 : i32
        %dma_start3A_108 = arith.constant 0 : i32
        %dma_start3A_109 = tpu.memref_slice %arg15[%dma_start3A_107, %dma_start3A_108] : memref<10000x64xf32, #tpu.memory_space<vmem_shared>> -> memref<520x64xf32, #tpu.memory_space<vmem_shared>>
        %dma_start3A_110 = arith.constant 9480 : i32
        %dma_start3A_111 = arith.constant 0 : i32
        %dma_start3A_112 = tpu.memref_slice %arg2[%dma_start3A_110, %dma_start3A_111] : memref<10000x64xf32, #tpu.memory_space<hbm>> -> memref<520x64xf32, #tpu.memory_space<hbm>>
        tpu.enqueue_dma source(%dma_start3A_112 : memref<520x64xf32, #tpu.memory_space<hbm>>) target(%dma_start3A_109 : memref<520x64xf32, #tpu.memory_space<vmem_shared>>) target_semaphore(%run_scoped3A_106 : memref<!tpu.dma_semaphore, #tpu.memory_space<semaphore_mem>>)
        %dma_wait3A_113 = arith.constant 9480 : i32
        %dma_wait3A_114 = arith.constant 0 : i32
        %dma_wait3A_115 = tpu.memref_slice %arg15[%dma_wait3A_113, %dma_wait3A_114] : memref<10000x64xf32, #tpu.memory_space<vmem_shared>> -> memref<520x64xf32, #tpu.memory_space<vmem_shared>>
        %dma_wait3A_116 = arith.constant 9480 : i32
        %dma_wait3A_117 = arith.constant 0 : i32
        %dma_wait3A_118 = tpu.memref_slice %arg2[%dma_wait3A_116, %dma_wait3A_117] : memref<10000x64xf32, #tpu.memory_space<hbm>> -> memref<520x64xf32, #tpu.memory_space<hbm>>
        tpu.wait_dma2 semaphore(%run_scoped3A_106 : memref<!tpu.dma_semaphore, #tpu.memory_space<semaphore_mem>>) src(%dma_wait3A_118 : memref<520x64xf32, #tpu.memory_space<hbm>>) dst(%dma_wait3A_115 : memref<520x64xf32, #tpu.memory_space<vmem_shared>>)
        tpu.yield
      }) : () -> ()
    } else {
    }
    %mul3A_7 = arith.constant 10000 : i32
    %mul3A_8 = arith.muli %add3A, %mul3A_7 : i32
    %run_scoped3A = arith.constant 0 : i32
    "tpu.region"() ({
      %run_scoped3A_106 = tpu.sem_alloc : memref<!tpu.dma_semaphore, #tpu.memory_space<semaphore_mem>>
      %dma_start3A_107 = tpu.memref_slice %arg3[%run_scoped3A, %mul3A_8] : memref<2x320000xi32, #tpu.memory_space<hbm>> -> memref<1x10000xi32, #tpu.memory_space<hbm>>
      %dma_start3A_108 = tpu.memref_squeeze %dma_start3A_107 : memref<1x10000xi32, #tpu.memory_space<hbm>> -> memref<10000xi32, #tpu.memory_space<hbm>>
      %dma_start3A_109 = tpu.memref_slice %arg3[%run_scoped3A, %mul3A_8] : memref<2x320000xi32, #tpu.memory_space<hbm>> -> memref<1x10000xi32, #tpu.memory_space<hbm>>
      %dma_start3A_110 = tpu.memref_squeeze %dma_start3A_109 : memref<1x10000xi32, #tpu.memory_space<hbm>> -> memref<10000xi32, #tpu.memory_space<hbm>>
      tpu.enqueue_dma source(%dma_start3A_110 : memref<10000xi32, #tpu.memory_space<hbm>>) target(%arg5 : memref<10000xi32, #tpu.memory_space<vmem>>) target_semaphore(%run_scoped3A_106 : memref<!tpu.dma_semaphore, #tpu.memory_space<semaphore_mem>>)
      %dma_wait3A_111 = tpu.memref_slice %arg3[%run_scoped3A, %mul3A_8] : memref<2x320000xi32, #tpu.memory_space<hbm>> -> memref<1x10000xi32, #tpu.memory_space<hbm>>
      %dma_wait3A_112 = tpu.memref_squeeze %dma_wait3A_111 : memref<1x10000xi32, #tpu.memory_space<hbm>> -> memref<10000xi32, #tpu.memory_space<hbm>>
      %dma_wait3A_113 = tpu.memref_slice %arg3[%run_scoped3A, %mul3A_8] : memref<2x320000xi32, #tpu.memory_space<hbm>> -> memref<1x10000xi32, #tpu.memory_space<hbm>>
      %dma_wait3A_114 = tpu.memref_squeeze %dma_wait3A_113 : memref<1x10000xi32, #tpu.memory_space<hbm>> -> memref<10000xi32, #tpu.memory_space<hbm>>
      tpu.wait_dma2 semaphore(%run_scoped3A_106 : memref<!tpu.dma_semaphore, #tpu.memory_space<semaphore_mem>>) src(%dma_wait3A_114 : memref<10000xi32, #tpu.memory_space<hbm>>) dst(%arg5 : memref<10000xi32, #tpu.memory_space<vmem>>)
      tpu.yield
    }) : () -> ()
    %mul3A_9 = arith.constant 10000 : i32
    %mul3A_10 = arith.muli %add3A, %mul3A_9 : i32
    %run_scoped3A_11 = arith.constant 1 : i32
    "tpu.region"() ({
      %run_scoped3A_106 = tpu.sem_alloc : memref<!tpu.dma_semaphore, #tpu.memory_space<semaphore_mem>>
      %dma_start3A_107 = tpu.memref_slice %arg3[%run_scoped3A_11, %mul3A_10] : memref<2x320000xi32, #tpu.memory_space<hbm>> -> memref<1x10000xi32, #tpu.memory_space<hbm>>
      %dma_start3A_108 = tpu.memref_squeeze %dma_start3A_107 : memref<1x10000xi32, #tpu.memory_space<hbm>> -> memref<10000xi32, #tpu.memory_space<hbm>>
      %dma_start3A_109 = tpu.memref_slice %arg3[%run_scoped3A_11, %mul3A_10] : memref<2x320000xi32, #tpu.memory_space<hbm>> -> memref<1x10000xi32, #tpu.memory_space<hbm>>
      %dma_start3A_110 = tpu.memref_squeeze %dma_start3A_109 : memref<1x10000xi32, #tpu.memory_space<hbm>> -> memref<10000xi32, #tpu.memory_space<hbm>>
      tpu.enqueue_dma source(%dma_start3A_110 : memref<10000xi32, #tpu.memory_space<hbm>>) target(%arg6 : memref<10000xi32, #tpu.memory_space<vmem>>) target_semaphore(%run_scoped3A_106 : memref<!tpu.dma_semaphore, #tpu.memory_space<semaphore_mem>>)
      %dma_wait3A_111 = tpu.memref_slice %arg3[%run_scoped3A_11, %mul3A_10] : memref<2x320000xi32, #tpu.memory_space<hbm>> -> memref<1x10000xi32, #tpu.memory_space<hbm>>
      %dma_wait3A_112 = tpu.memref_squeeze %dma_wait3A_111 : memref<1x10000xi32, #tpu.memory_space<hbm>> -> memref<10000xi32, #tpu.memory_space<hbm>>
      %dma_wait3A_113 = tpu.memref_slice %arg3[%run_scoped3A_11, %mul3A_10] : memref<2x320000xi32, #tpu.memory_space<hbm>> -> memref<1x10000xi32, #tpu.memory_space<hbm>>
      %dma_wait3A_114 = tpu.memref_squeeze %dma_wait3A_113 : memref<1x10000xi32, #tpu.memory_space<hbm>> -> memref<10000xi32, #tpu.memory_space<hbm>>
      tpu.wait_dma2 semaphore(%run_scoped3A_106 : memref<!tpu.dma_semaphore, #tpu.memory_space<semaphore_mem>>) src(%dma_wait3A_114 : memref<10000xi32, #tpu.memory_space<hbm>>) dst(%arg6 : memref<10000xi32, #tpu.memory_space<vmem>>)
      tpu.yield
    }) : () -> ()
    %barrier3A = arith.constant 0 : index
    tpu.barrier barrier_id(%barrier3A)
    %dma_start3A = arith.constant 0 : i32
    %dma_start3A_12 = tpu.memref_slice %arg5[%dma_start3A] : memref<10000xi32, #tpu.memory_space<vmem>> -> memref<80xi32, #tpu.memory_space<vmem>>
    %dma_start3A_13 = arith.constant 0 : i32
    %dma_start3A_14 = arith.constant 0 : i32
    %dma_start3A_15 = tpu.memref_slice %arg2[%dma_start3A_13, %dma_start3A_14] : memref<10000x64xf32, #tpu.memory_space<hbm>> -> memref<10000x64xf32, #tpu.memory_space<hbm>>
    tpu.enqueue_indirect_dma source(%dma_start3A_15 : memref<10000x64xf32, #tpu.memory_space<hbm>>) target(%arg7 : memref<80x64xf32, #tpu.memory_space<vmem>>) offsets(%dma_start3A_12 : memref<80xi32, #tpu.memory_space<vmem>>) semaphore(%arg16 : memref<!tpu.dma_semaphore, #tpu.memory_space<semaphore_mem>>)
    %dma_start3A_16 = arith.constant 80 : i32
    %dma_start3A_17 = tpu.memref_slice %arg5[%dma_start3A_16] : memref<10000xi32, #tpu.memory_space<vmem>> -> memref<80xi32, #tpu.memory_space<vmem>>
    %dma_start3A_18 = arith.constant 0 : i32
    %dma_start3A_19 = arith.constant 0 : i32
    %dma_start3A_20 = tpu.memref_slice %arg2[%dma_start3A_18, %dma_start3A_19] : memref<10000x64xf32, #tpu.memory_space<hbm>> -> memref<10000x64xf32, #tpu.memory_space<hbm>>
    tpu.enqueue_indirect_dma source(%dma_start3A_20 : memref<10000x64xf32, #tpu.memory_space<hbm>>) target(%arg8 : memref<80x64xf32, #tpu.memory_space<vmem>>) offsets(%dma_start3A_17 : memref<80xi32, #tpu.memory_space<vmem>>) semaphore(%arg17 : memref<!tpu.dma_semaphore, #tpu.memory_space<semaphore_mem>>)
    %dma_start3A_21 = arith.constant 160 : i32
    %dma_start3A_22 = tpu.memref_slice %arg5[%dma_start3A_21] : memref<10000xi32, #tpu.memory_space<vmem>> -> memref<80xi32, #tpu.memory_space<vmem>>
    %dma_start3A_23 = arith.constant 0 : i32
    %dma_start3A_24 = arith.constant 0 : i32
    %dma_start3A_25 = tpu.memref_slice %arg2[%dma_start3A_23, %dma_start3A_24] : memref<10000x64xf32, #tpu.memory_space<hbm>> -> memref<10000x64xf32, #tpu.memory_space<hbm>>
    tpu.enqueue_indirect_dma source(%dma_start3A_25 : memref<10000x64xf32, #tpu.memory_space<hbm>>) target(%arg9 : memref<80x64xf32, #tpu.memory_space<vmem>>) offsets(%dma_start3A_22 : memref<80xi32, #tpu.memory_space<vmem>>) semaphore(%arg18 : memref<!tpu.dma_semaphore, #tpu.memory_space<semaphore_mem>>)
    %dma_start3A_26 = arith.constant 240 : i32
    %dma_start3A_27 = tpu.memref_slice %arg5[%dma_start3A_26] : memref<10000xi32, #tpu.memory_space<vmem>> -> memref<80xi32, #tpu.memory_space<vmem>>
    %dma_start3A_28 = arith.constant 0 : i32
    %dma_start3A_29 = arith.constant 0 : i32
    %dma_start3A_30 = tpu.memref_slice %arg2[%dma_start3A_28, %dma_start3A_29] : memref<10000x64xf32, #tpu.memory_space<hbm>> -> memref<10000x64xf32, #tpu.memory_space<hbm>>
    tpu.enqueue_indirect_dma source(%dma_start3A_30 : memref<10000x64xf32, #tpu.memory_space<hbm>>) target(%arg10 : memref<80x64xf32, #tpu.memory_space<vmem>>) offsets(%dma_start3A_27 : memref<80xi32, #tpu.memory_space<vmem>>) semaphore(%arg19 : memref<!tpu.dma_semaphore, #tpu.memory_space<semaphore_mem>>)
    %dma_start3A_31 = arith.constant 320 : i32
    %dma_start3A_32 = tpu.memref_slice %arg5[%dma_start3A_31] : memref<10000xi32, #tpu.memory_space<vmem>> -> memref<80xi32, #tpu.memory_space<vmem>>
    %dma_start3A_33 = arith.constant 0 : i32
    %dma_start3A_34 = arith.constant 0 : i32
    %dma_start3A_35 = tpu.memref_slice %arg2[%dma_start3A_33, %dma_start3A_34] : memref<10000x64xf32, #tpu.memory_space<hbm>> -> memref<10000x64xf32, #tpu.memory_space<hbm>>
    tpu.enqueue_indirect_dma source(%dma_start3A_35 : memref<10000x64xf32, #tpu.memory_space<hbm>>) target(%arg11 : memref<80x64xf32, #tpu.memory_space<vmem>>) offsets(%dma_start3A_32 : memref<80xi32, #tpu.memory_space<vmem>>) semaphore(%arg20 : memref<!tpu.dma_semaphore, #tpu.memory_space<semaphore_mem>>)
    %dma_start3A_36 = arith.constant 400 : i32
    %dma_start3A_37 = tpu.memref_slice %arg5[%dma_start3A_36] : memref<10000xi32, #tpu.memory_space<vmem>> -> memref<80xi32, #tpu.memory_space<vmem>>
    %dma_start3A_38 = arith.constant 0 : i32
    %dma_start3A_39 = arith.constant 0 : i32
    %dma_start3A_40 = tpu.memref_slice %arg2[%dma_start3A_38, %dma_start3A_39] : memref<10000x64xf32, #tpu.memory_space<hbm>> -> memref<10000x64xf32, #tpu.memory_space<hbm>>
    tpu.enqueue_indirect_dma source(%dma_start3A_40 : memref<10000x64xf32, #tpu.memory_space<hbm>>) target(%arg12 : memref<80x64xf32, #tpu.memory_space<vmem>>) offsets(%dma_start3A_37 : memref<80xi32, #tpu.memory_space<vmem>>) semaphore(%arg21 : memref<!tpu.dma_semaphore, #tpu.memory_space<semaphore_mem>>)
    %dma_start3A_41 = arith.constant 480 : i32
    %dma_start3A_42 = tpu.memref_slice %arg5[%dma_start3A_41] : memref<10000xi32, #tpu.memory_space<vmem>> -> memref<80xi32, #tpu.memory_space<vmem>>
    %dma_start3A_43 = arith.constant 0 : i32
    %dma_start3A_44 = arith.constant 0 : i32
    %dma_start3A_45 = tpu.memref_slice %arg2[%dma_start3A_43, %dma_start3A_44] : memref<10000x64xf32, #tpu.memory_space<hbm>> -> memref<10000x64xf32, #tpu.memory_space<hbm>>
    tpu.enqueue_indirect_dma source(%dma_start3A_45 : memref<10000x64xf32, #tpu.memory_space<hbm>>) target(%arg13 : memref<80x64xf32, #tpu.memory_space<vmem>>) offsets(%dma_start3A_42 : memref<80xi32, #tpu.memory_space<vmem>>) semaphore(%arg22 : memref<!tpu.dma_semaphore, #tpu.memory_space<semaphore_mem>>)
    %dma_start3A_46 = arith.constant 560 : i32
    %dma_start3A_47 = tpu.memref_slice %arg5[%dma_start3A_46] : memref<10000xi32, #tpu.memory_space<vmem>> -> memref<80xi32, #tpu.memory_space<vmem>>
    %dma_start3A_48 = arith.constant 0 : i32
    %dma_start3A_49 = arith.constant 0 : i32
    %dma_start3A_50 = tpu.memref_slice %arg2[%dma_start3A_48, %dma_start3A_49] : memref<10000x64xf32, #tpu.memory_space<hbm>> -> memref<10000x64xf32, #tpu.memory_space<hbm>>
    tpu.enqueue_indirect_dma source(%dma_start3A_50 : memref<10000x64xf32, #tpu.memory_space<hbm>>) target(%arg14 : memref<80x64xf32, #tpu.memory_space<vmem>>) offsets(%dma_start3A_47 : memref<80xi32, #tpu.memory_space<vmem>>) semaphore(%arg23 : memref<!tpu.dma_semaphore, #tpu.memory_space<semaphore_mem>>)
    %scan3A = arith.constant 0 : i32
    %scan3A_51 = arith.constant 0 : i32
    %scan3A_52 = arith.constant 15 : i32
    %scan3A_53 = arith.addi %scan3A_51, %scan3A_52 : i32
    %scan3A_54 = arith.constant 1 : i32
    scf.for %scan3A_106 = %scan3A_51 to %scan3A_53 step %scan3A_54  : i32 {
      %mul3A_107 = arith.constant 8 : i32
      %mul3A_108 = arith.muli %mul3A_107, %scan3A_106 : i32
      %add3A_109 = arith.constant 0 : i32
      %add3A_110 = arith.addi %mul3A_108, %add3A_109 : i32
      %dma_wait3A_111 = arith.constant 0 : i32
      %dma_wait3A_112 = tpu.memref_slice %arg5[%dma_wait3A_111] : memref<10000xi32, #tpu.memory_space<vmem>> -> memref<80xi32, #tpu.memory_space<vmem>>
      %dma_wait3A_113 = arith.constant 0 : i32
      %dma_wait3A_114 = arith.constant 0 : i32
      %dma_wait3A_115 = tpu.memref_slice %arg2[%dma_wait3A_113, %dma_wait3A_114] : memref<10000x64xf32, #tpu.memory_space<hbm>> -> memref<10000x64xf32, #tpu.memory_space<hbm>>
      tpu.wait_indirect_dma semaphore(%arg16 : memref<!tpu.dma_semaphore, #tpu.memory_space<semaphore_mem>>) src(%dma_wait3A_115 : memref<10000x64xf32, #tpu.memory_space<hbm>>) dst(%arg7 : memref<80x64xf32, #tpu.memory_space<vmem>>)
      %mul3A_116 = arith.constant 80 : i32
      %mul3A_117 = arith.muli %add3A_110, %mul3A_116 : i32
      "tpu.region"() ({
        %run_scoped3A_274 = tpu.sem_alloc : memref<!tpu.dma_semaphore, #tpu.memory_space<semaphore_mem>>
        %dma_start3A_275 = tpu.memref_slice %arg6[%mul3A_117] : memref<10000xi32, #tpu.memory_space<vmem>> -> memref<80xi32, #tpu.memory_space<vmem>>
        %dma_start3A_276 = arith.constant 0 : i32
        %dma_start3A_277 = arith.constant 0 : i32
        %dma_start3A_278 = tpu.memref_slice %arg15[%dma_start3A_276, %dma_start3A_277] : memref<10000x64xf32, #tpu.memory_space<vmem_shared>> -> memref<10000x64xf32, #tpu.memory_space<vmem_shared>>
        tpu.enqueue_indirect_dma source(%arg7 : memref<80x64xf32, #tpu.memory_space<vmem>>) target(%dma_start3A_278 : memref<10000x64xf32, #tpu.memory_space<vmem_shared>>) offsets(%dma_start3A_275 : memref<80xi32, #tpu.memory_space<vmem>>) semaphore(%run_scoped3A_274 : memref<!tpu.dma_semaphore, #tpu.memory_space<semaphore_mem>>) {add = true}
        %dma_wait3A_279 = tpu.memref_slice %arg6[%mul3A_117] : memref<10000xi32, #tpu.memory_space<vmem>> -> memref<80xi32, #tpu.memory_space<vmem>>
        %dma_wait3A_280 = arith.constant 0 : i32
        %dma_wait3A_281 = arith.constant 0 : i32
        %dma_wait3A_282 = tpu.memref_slice %arg15[%dma_wait3A_280, %dma_wait3A_281] : memref<10000x64xf32, #tpu.memory_space<vmem_shared>> -> memref<10000x64xf32, #tpu.memory_space<vmem_shared>>
        tpu.wait_indirect_dma semaphore(%run_scoped3A_274 : memref<!tpu.dma_semaphore, #tpu.memory_space<semaphore_mem>>) src(%arg7 : memref<80x64xf32, #tpu.memory_space<vmem>>) dst(%dma_wait3A_282 : memref<10000x64xf32, #tpu.memory_space<vmem_shared>>)
        tpu.yield
      }) : () -> ()
      %add3A_118 = arith.constant 8 : i32
      %add3A_119 = arith.addi %add3A_110, %add3A_118 : i32
      %rem3A = arith.constant 125 : i32
      %rem3A_120 = arith.remsi %add3A_119, %rem3A : i32
      %mul3A_121 = arith.constant 80 : i32
      %mul3A_122 = arith.muli %rem3A_120, %mul3A_121 : i32
      %dma_start3A_123 = tpu.memref_slice %arg5[%mul3A_122] : memref<10000xi32, #tpu.memory_space<vmem>> -> memref<80xi32, #tpu.memory_space<vmem>>
      %dma_start3A_124 = arith.constant 0 : i32
      %dma_start3A_125 = arith.constant 0 : i32
      %dma_start3A_126 = tpu.memref_slice %arg2[%dma_start3A_124, %dma_start3A_125] : memref<10000x64xf32, #tpu.memory_space<hbm>> -> memref<10000x64xf32, #tpu.memory_space<hbm>>
      tpu.enqueue_indirect_dma source(%dma_start3A_126 : memref<10000x64xf32, #tpu.memory_space<hbm>>) target(%arg7 : memref<80x64xf32, #tpu.memory_space<vmem>>) offsets(%dma_start3A_123 : memref<80xi32, #tpu.memory_space<vmem>>) semaphore(%arg16 : memref<!tpu.dma_semaphore, #tpu.memory_space<semaphore_mem>>)
      %mul3A_127 = arith.constant 8 : i32
      %mul3A_128 = arith.muli %mul3A_127, %scan3A_106 : i32
      %add3A_129 = arith.constant 1 : i32
      %add3A_130 = arith.addi %mul3A_128, %add3A_129 : i32
      %dma_wait3A_131 = arith.constant 0 : i32
      %dma_wait3A_132 = tpu.memref_slice %arg5[%dma_wait3A_131] : memref<10000xi32, #tpu.memory_space<vmem>> -> memref<80xi32, #tpu.memory_space<vmem>>
      %dma_wait3A_133 = arith.constant 0 : i32
      %dma_wait3A_134 = arith.constant 0 : i32
      %dma_wait3A_135 = tpu.memref_slice %arg2[%dma_wait3A_133, %dma_wait3A_134] : memref<10000x64xf32, #tpu.memory_space<hbm>> -> memref<10000x64xf32, #tpu.memory_space<hbm>>
      tpu.wait_indirect_dma semaphore(%arg17 : memref<!tpu.dma_semaphore, #tpu.memory_space<semaphore_mem>>) src(%dma_wait3A_135 : memref<10000x64xf32, #tpu.memory_space<hbm>>) dst(%arg8 : memref<80x64xf32, #tpu.memory_space<vmem>>)
      %mul3A_136 = arith.constant 80 : i32
      %mul3A_137 = arith.muli %add3A_130, %mul3A_136 : i32
      "tpu.region"() ({
        %run_scoped3A_274 = tpu.sem_alloc : memref<!tpu.dma_semaphore, #tpu.memory_space<semaphore_mem>>
        %dma_start3A_275 = tpu.memref_slice %arg6[%mul3A_137] : memref<10000xi32, #tpu.memory_space<vmem>> -> memref<80xi32, #tpu.memory_space<vmem>>
        %dma_start3A_276 = arith.constant 0 : i32
        %dma_start3A_277 = arith.constant 0 : i32
        %dma_start3A_278 = tpu.memref_slice %arg15[%dma_start3A_276, %dma_start3A_277] : memref<10000x64xf32, #tpu.memory_space<vmem_shared>> -> memref<10000x64xf32, #tpu.memory_space<vmem_shared>>
        tpu.enqueue_indirect_dma source(%arg8 : memref<80x64xf32, #tpu.memory_space<vmem>>) target(%dma_start3A_278 : memref<10000x64xf32, #tpu.memory_space<vmem_shared>>) offsets(%dma_start3A_275 : memref<80xi32, #tpu.memory_space<vmem>>) semaphore(%run_scoped3A_274 : memref<!tpu.dma_semaphore, #tpu.memory_space<semaphore_mem>>) {add = true}
        %dma_wait3A_279 = tpu.memref_slice %arg6[%mul3A_137] : memref<10000xi32, #tpu.memory_space<vmem>> -> memref<80xi32, #tpu.memory_space<vmem>>
        %dma_wait3A_280 = arith.constant 0 : i32
        %dma_wait3A_281 = arith.constant 0 : i32
        %dma_wait3A_282 = tpu.memref_slice %arg15[%dma_wait3A_280, %dma_wait3A_281] : memref<10000x64xf32, #tpu.memory_space<vmem_shared>> -> memref<10000x64xf32, #tpu.memory_space<vmem_shared>>
        tpu.wait_indirect_dma semaphore(%run_scoped3A_274 : memref<!tpu.dma_semaphore, #tpu.memory_space<semaphore_mem>>) src(%arg8 : memref<80x64xf32, #tpu.memory_space<vmem>>) dst(%dma_wait3A_282 : memref<10000x64xf32, #tpu.memory_space<vmem_shared>>)
        tpu.yield
      }) : () -> ()
      %add3A_138 = arith.constant 8 : i32
      %add3A_139 = arith.addi %add3A_130, %add3A_138 : i32
      %rem3A_140 = arith.constant 125 : i32
      %rem3A_141 = arith.remsi %add3A_139, %rem3A_140 : i32
      %mul3A_142 = arith.constant 80 : i32
      %mul3A_143 = arith.muli %rem3A_141, %mul3A_142 : i32
      %dma_start3A_144 = tpu.memref_slice %arg5[%mul3A_143] : memref<10000xi32, #tpu.memory_space<vmem>> -> memref<80xi32, #tpu.memory_space<vmem>>
      %dma_start3A_145 = arith.constant 0 : i32
      %dma_start3A_146 = arith.constant 0 : i32
      %dma_start3A_147 = tpu.memref_slice %arg2[%dma_start3A_145, %dma_start3A_146] : memref<10000x64xf32, #tpu.memory_space<hbm>> -> memref<10000x64xf32, #tpu.memory_space<hbm>>
      tpu.enqueue_indirect_dma source(%dma_start3A_147 : memref<10000x64xf32, #tpu.memory_space<hbm>>) target(%arg8 : memref<80x64xf32, #tpu.memory_space<vmem>>) offsets(%dma_start3A_144 : memref<80xi32, #tpu.memory_space<vmem>>) semaphore(%arg17 : memref<!tpu.dma_semaphore, #tpu.memory_space<semaphore_mem>>)
      %mul3A_148 = arith.constant 8 : i32
      %mul3A_149 = arith.muli %mul3A_148, %scan3A_106 : i32
      %add3A_150 = arith.constant 2 : i32
      %add3A_151 = arith.addi %mul3A_149, %add3A_150 : i32
      %dma_wait3A_152 = arith.constant 0 : i32
      %dma_wait3A_153 = tpu.memref_slice %arg5[%dma_wait3A_152] : memref<10000xi32, #tpu.memory_space<vmem>> -> memref<80xi32, #tpu.memory_space<vmem>>
      %dma_wait3A_154 = arith.constant 0 : i32
      %dma_wait3A_155 = arith.constant 0 : i32
      %dma_wait3A_156 = tpu.memref_slice %arg2[%dma_wait3A_154, %dma_wait3A_155] : memref<10000x64xf32, #tpu.memory_space<hbm>> -> memref<10000x64xf32, #tpu.memory_space<hbm>>
      tpu.wait_indirect_dma semaphore(%arg18 : memref<!tpu.dma_semaphore, #tpu.memory_space<semaphore_mem>>) src(%dma_wait3A_156 : memref<10000x64xf32, #tpu.memory_space<hbm>>) dst(%arg9 : memref<80x64xf32, #tpu.memory_space<vmem>>)
      %mul3A_157 = arith.constant 80 : i32
      %mul3A_158 = arith.muli %add3A_151, %mul3A_157 : i32
      "tpu.region"() ({
        %run_scoped3A_274 = tpu.sem_alloc : memref<!tpu.dma_semaphore, #tpu.memory_space<semaphore_mem>>
        %dma_start3A_275 = tpu.memref_slice %arg6[%mul3A_158] : memref<10000xi32, #tpu.memory_space<vmem>> -> memref<80xi32, #tpu.memory_space<vmem>>
        %dma_start3A_276 = arith.constant 0 : i32
        %dma_start3A_277 = arith.constant 0 : i32
        %dma_start3A_278 = tpu.memref_slice %arg15[%dma_start3A_276, %dma_start3A_277] : memref<10000x64xf32, #tpu.memory_space<vmem_shared>> -> memref<10000x64xf32, #tpu.memory_space<vmem_shared>>
        tpu.enqueue_indirect_dma source(%arg9 : memref<80x64xf32, #tpu.memory_space<vmem>>) target(%dma_start3A_278 : memref<10000x64xf32, #tpu.memory_space<vmem_shared>>) offsets(%dma_start3A_275 : memref<80xi32, #tpu.memory_space<vmem>>) semaphore(%run_scoped3A_274 : memref<!tpu.dma_semaphore, #tpu.memory_space<semaphore_mem>>) {add = true}
        %dma_wait3A_279 = tpu.memref_slice %arg6[%mul3A_158] : memref<10000xi32, #tpu.memory_space<vmem>> -> memref<80xi32, #tpu.memory_space<vmem>>
        %dma_wait3A_280 = arith.constant 0 : i32
        %dma_wait3A_281 = arith.constant 0 : i32
        %dma_wait3A_282 = tpu.memref_slice %arg15[%dma_wait3A_280, %dma_wait3A_281] : memref<10000x64xf32, #tpu.memory_space<vmem_shared>> -> memref<10000x64xf32, #tpu.memory_space<vmem_shared>>
        tpu.wait_indirect_dma semaphore(%run_scoped3A_274 : memref<!tpu.dma_semaphore, #tpu.memory_space<semaphore_mem>>) src(%arg9 : memref<80x64xf32, #tpu.memory_space<vmem>>) dst(%dma_wait3A_282 : memref<10000x64xf32, #tpu.memory_space<vmem_shared>>)
        tpu.yield
      }) : () -> ()
      %add3A_159 = arith.constant 8 : i32
      %add3A_160 = arith.addi %add3A_151, %add3A_159 : i32
      %rem3A_161 = arith.constant 125 : i32
      %rem3A_162 = arith.remsi %add3A_160, %rem3A_161 : i32
      %mul3A_163 = arith.constant 80 : i32
      %mul3A_164 = arith.muli %rem3A_162, %mul3A_163 : i32
      %dma_start3A_165 = tpu.memref_slice %arg5[%mul3A_164] : memref<10000xi32, #tpu.memory_space<vmem>> -> memref<80xi32, #tpu.memory_space<vmem>>
      %dma_start3A_166 = arith.constant 0 : i32
      %dma_start3A_167 = arith.constant 0 : i32
      %dma_start3A_168 = tpu.memref_slice %arg2[%dma_start3A_166, %dma_start3A_167] : memref<10000x64xf32, #tpu.memory_space<hbm>> -> memref<10000x64xf32, #tpu.memory_space<hbm>>
      tpu.enqueue_indirect_dma source(%dma_start3A_168 : memref<10000x64xf32, #tpu.memory_space<hbm>>) target(%arg9 : memref<80x64xf32, #tpu.memory_space<vmem>>) offsets(%dma_start3A_165 : memref<80xi32, #tpu.memory_space<vmem>>) semaphore(%arg18 : memref<!tpu.dma_semaphore, #tpu.memory_space<semaphore_mem>>)
      %mul3A_169 = arith.constant 8 : i32
      %mul3A_170 = arith.muli %mul3A_169, %scan3A_106 : i32
      %add3A_171 = arith.constant 3 : i32
      %add3A_172 = arith.addi %mul3A_170, %add3A_171 : i32
      %dma_wait3A_173 = arith.constant 0 : i32
      %dma_wait3A_174 = tpu.memref_slice %arg5[%dma_wait3A_173] : memref<10000xi32, #tpu.memory_space<vmem>> -> memref<80xi32, #tpu.memory_space<vmem>>
      %dma_wait3A_175 = arith.constant 0 : i32
      %dma_wait3A_176 = arith.constant 0 : i32
      %dma_wait3A_177 = tpu.memref_slice %arg2[%dma_wait3A_175, %dma_wait3A_176] : memref<10000x64xf32, #tpu.memory_space<hbm>> -> memref<10000x64xf32, #tpu.memory_space<hbm>>
      tpu.wait_indirect_dma semaphore(%arg19 : memref<!tpu.dma_semaphore, #tpu.memory_space<semaphore_mem>>) src(%dma_wait3A_177 : memref<10000x64xf32, #tpu.memory_space<hbm>>) dst(%arg10 : memref<80x64xf32, #tpu.memory_space<vmem>>)
      %mul3A_178 = arith.constant 80 : i32
      %mul3A_179 = arith.muli %add3A_172, %mul3A_178 : i32
      "tpu.region"() ({
        %run_scoped3A_274 = tpu.sem_alloc : memref<!tpu.dma_semaphore, #tpu.memory_space<semaphore_mem>>
        %dma_start3A_275 = tpu.memref_slice %arg6[%mul3A_179] : memref<10000xi32, #tpu.memory_space<vmem>> -> memref<80xi32, #tpu.memory_space<vmem>>
        %dma_start3A_276 = arith.constant 0 : i32
        %dma_start3A_277 = arith.constant 0 : i32
        %dma_start3A_278 = tpu.memref_slice %arg15[%dma_start3A_276, %dma_start3A_277] : memref<10000x64xf32, #tpu.memory_space<vmem_shared>> -> memref<10000x64xf32, #tpu.memory_space<vmem_shared>>
        tpu.enqueue_indirect_dma source(%arg10 : memref<80x64xf32, #tpu.memory_space<vmem>>) target(%dma_start3A_278 : memref<10000x64xf32, #tpu.memory_space<vmem_shared>>) offsets(%dma_start3A_275 : memref<80xi32, #tpu.memory_space<vmem>>) semaphore(%run_scoped3A_274 : memref<!tpu.dma_semaphore, #tpu.memory_space<semaphore_mem>>) {add = true}
        %dma_wait3A_279 = tpu.memref_slice %arg6[%mul3A_179] : memref<10000xi32, #tpu.memory_space<vmem>> -> memref<80xi32, #tpu.memory_space<vmem>>
        %dma_wait3A_280 = arith.constant 0 : i32
        %dma_wait3A_281 = arith.constant 0 : i32
        %dma_wait3A_282 = tpu.memref_slice %arg15[%dma_wait3A_280, %dma_wait3A_281] : memref<10000x64xf32, #tpu.memory_space<vmem_shared>> -> memref<10000x64xf32, #tpu.memory_space<vmem_shared>>
        tpu.wait_indirect_dma semaphore(%run_scoped3A_274 : memref<!tpu.dma_semaphore, #tpu.memory_space<semaphore_mem>>) src(%arg10 : memref<80x64xf32, #tpu.memory_space<vmem>>) dst(%dma_wait3A_282 : memref<10000x64xf32, #tpu.memory_space<vmem_shared>>)
        tpu.yield
      }) : () -> ()
      %add3A_180 = arith.constant 8 : i32
      %add3A_181 = arith.addi %add3A_172, %add3A_180 : i32
      %rem3A_182 = arith.constant 125 : i32
      %rem3A_183 = arith.remsi %add3A_181, %rem3A_182 : i32
      %mul3A_184 = arith.constant 80 : i32
      %mul3A_185 = arith.muli %rem3A_183, %mul3A_184 : i32
      %dma_start3A_186 = tpu.memref_slice %arg5[%mul3A_185] : memref<10000xi32, #tpu.memory_space<vmem>> -> memref<80xi32, #tpu.memory_space<vmem>>
      %dma_start3A_187 = arith.constant 0 : i32
      %dma_start3A_188 = arith.constant 0 : i32
      %dma_start3A_189 = tpu.memref_slice %arg2[%dma_start3A_187, %dma_start3A_188] : memref<10000x64xf32, #tpu.memory_space<hbm>> -> memref<10000x64xf32, #tpu.memory_space<hbm>>
      tpu.enqueue_indirect_dma source(%dma_start3A_189 : memref<10000x64xf32, #tpu.memory_space<hbm>>) target(%arg10 : memref<80x64xf32, #tpu.memory_space<vmem>>) offsets(%dma_start3A_186 : memref<80xi32, #tpu.memory_space<vmem>>) semaphore(%arg19 : memref<!tpu.dma_semaphore, #tpu.memory_space<semaphore_mem>>)
      %mul3A_190 = arith.constant 8 : i32
      %mul3A_191 = arith.muli %mul3A_190, %scan3A_106 : i32
      %add3A_192 = arith.constant 4 : i32
      %add3A_193 = arith.addi %mul3A_191, %add3A_192 : i32
      %dma_wait3A_194 = arith.constant 0 : i32
      %dma_wait3A_195 = tpu.memref_slice %arg5[%dma_wait3A_194] : memref<10000xi32, #tpu.memory_space<vmem>> -> memref<80xi32, #tpu.memory_space<vmem>>
      %dma_wait3A_196 = arith.constant 0 : i32
      %dma_wait3A_197 = arith.constant 0 : i32
      %dma_wait3A_198 = tpu.memref_slice %arg2[%dma_wait3A_196, %dma_wait3A_197] : memref<10000x64xf32, #tpu.memory_space<hbm>> -> memref<10000x64xf32, #tpu.memory_space<hbm>>
      tpu.wait_indirect_dma semaphore(%arg20 : memref<!tpu.dma_semaphore, #tpu.memory_space<semaphore_mem>>) src(%dma_wait3A_198 : memref<10000x64xf32, #tpu.memory_space<hbm>>) dst(%arg11 : memref<80x64xf32, #tpu.memory_space<vmem>>)
      %mul3A_199 = arith.constant 80 : i32
      %mul3A_200 = arith.muli %add3A_193, %mul3A_199 : i32
      "tpu.region"() ({
        %run_scoped3A_274 = tpu.sem_alloc : memref<!tpu.dma_semaphore, #tpu.memory_space<semaphore_mem>>
        %dma_start3A_275 = tpu.memref_slice %arg6[%mul3A_200] : memref<10000xi32, #tpu.memory_space<vmem>> -> memref<80xi32, #tpu.memory_space<vmem>>
        %dma_start3A_276 = arith.constant 0 : i32
        %dma_start3A_277 = arith.constant 0 : i32
        %dma_start3A_278 = tpu.memref_slice %arg15[%dma_start3A_276, %dma_start3A_277] : memref<10000x64xf32, #tpu.memory_space<vmem_shared>> -> memref<10000x64xf32, #tpu.memory_space<vmem_shared>>
        tpu.enqueue_indirect_dma source(%arg11 : memref<80x64xf32, #tpu.memory_space<vmem>>) target(%dma_start3A_278 : memref<10000x64xf32, #tpu.memory_space<vmem_shared>>) offsets(%dma_start3A_275 : memref<80xi32, #tpu.memory_space<vmem>>) semaphore(%run_scoped3A_274 : memref<!tpu.dma_semaphore, #tpu.memory_space<semaphore_mem>>) {add = true}
        %dma_wait3A_279 = tpu.memref_slice %arg6[%mul3A_200] : memref<10000xi32, #tpu.memory_space<vmem>> -> memref<80xi32, #tpu.memory_space<vmem>>
        %dma_wait3A_280 = arith.constant 0 : i32
        %dma_wait3A_281 = arith.constant 0 : i32
        %dma_wait3A_282 = tpu.memref_slice %arg15[%dma_wait3A_280, %dma_wait3A_281] : memref<10000x64xf32, #tpu.memory_space<vmem_shared>> -> memref<10000x64xf32, #tpu.memory_space<vmem_shared>>
        tpu.wait_indirect_dma semaphore(%run_scoped3A_274 : memref<!tpu.dma_semaphore, #tpu.memory_space<semaphore_mem>>) src(%arg11 : memref<80x64xf32, #tpu.memory_space<vmem>>) dst(%dma_wait3A_282 : memref<10000x64xf32, #tpu.memory_space<vmem_shared>>)
        tpu.yield
      }) : () -> ()
      %add3A_201 = arith.constant 8 : i32
      %add3A_202 = arith.addi %add3A_193, %add3A_201 : i32
      %rem3A_203 = arith.constant 125 : i32
      %rem3A_204 = arith.remsi %add3A_202, %rem3A_203 : i32
      %mul3A_205 = arith.constant 80 : i32
      %mul3A_206 = arith.muli %rem3A_204, %mul3A_205 : i32
      %dma_start3A_207 = tpu.memref_slice %arg5[%mul3A_206] : memref<10000xi32, #tpu.memory_space<vmem>> -> memref<80xi32, #tpu.memory_space<vmem>>
      %dma_start3A_208 = arith.constant 0 : i32
      %dma_start3A_209 = arith.constant 0 : i32
      %dma_start3A_210 = tpu.memref_slice %arg2[%dma_start3A_208, %dma_start3A_209] : memref<10000x64xf32, #tpu.memory_space<hbm>> -> memref<10000x64xf32, #tpu.memory_space<hbm>>
      tpu.enqueue_indirect_dma source(%dma_start3A_210 : memref<10000x64xf32, #tpu.memory_space<hbm>>) target(%arg11 : memref<80x64xf32, #tpu.memory_space<vmem>>) offsets(%dma_start3A_207 : memref<80xi32, #tpu.memory_space<vmem>>) semaphore(%arg20 : memref<!tpu.dma_semaphore, #tpu.memory_space<semaphore_mem>>)
      %mul3A_211 = arith.constant 8 : i32
      %mul3A_212 = arith.muli %mul3A_211, %scan3A_106 : i32
      %add3A_213 = arith.constant 5 : i32
      %add3A_214 = arith.addi %mul3A_212, %add3A_213 : i32
      %dma_wait3A_215 = arith.constant 0 : i32
      %dma_wait3A_216 = tpu.memref_slice %arg5[%dma_wait3A_215] : memref<10000xi32, #tpu.memory_space<vmem>> -> memref<80xi32, #tpu.memory_space<vmem>>
      %dma_wait3A_217 = arith.constant 0 : i32
      %dma_wait3A_218 = arith.constant 0 : i32
      %dma_wait3A_219 = tpu.memref_slice %arg2[%dma_wait3A_217, %dma_wait3A_218] : memref<10000x64xf32, #tpu.memory_space<hbm>> -> memref<10000x64xf32, #tpu.memory_space<hbm>>
      tpu.wait_indirect_dma semaphore(%arg21 : memref<!tpu.dma_semaphore, #tpu.memory_space<semaphore_mem>>) src(%dma_wait3A_219 : memref<10000x64xf32, #tpu.memory_space<hbm>>) dst(%arg12 : memref<80x64xf32, #tpu.memory_space<vmem>>)
      %mul3A_220 = arith.constant 80 : i32
      %mul3A_221 = arith.muli %add3A_214, %mul3A_220 : i32
      "tpu.region"() ({
        %run_scoped3A_274 = tpu.sem_alloc : memref<!tpu.dma_semaphore, #tpu.memory_space<semaphore_mem>>
        %dma_start3A_275 = tpu.memref_slice %arg6[%mul3A_221] : memref<10000xi32, #tpu.memory_space<vmem>> -> memref<80xi32, #tpu.memory_space<vmem>>
        %dma_start3A_276 = arith.constant 0 : i32
        %dma_start3A_277 = arith.constant 0 : i32
        %dma_start3A_278 = tpu.memref_slice %arg15[%dma_start3A_276, %dma_start3A_277] : memref<10000x64xf32, #tpu.memory_space<vmem_shared>> -> memref<10000x64xf32, #tpu.memory_space<vmem_shared>>
        tpu.enqueue_indirect_dma source(%arg12 : memref<80x64xf32, #tpu.memory_space<vmem>>) target(%dma_start3A_278 : memref<10000x64xf32, #tpu.memory_space<vmem_shared>>) offsets(%dma_start3A_275 : memref<80xi32, #tpu.memory_space<vmem>>) semaphore(%run_scoped3A_274 : memref<!tpu.dma_semaphore, #tpu.memory_space<semaphore_mem>>) {add = true}
        %dma_wait3A_279 = tpu.memref_slice %arg6[%mul3A_221] : memref<10000xi32, #tpu.memory_space<vmem>> -> memref<80xi32, #tpu.memory_space<vmem>>
        %dma_wait3A_280 = arith.constant 0 : i32
        %dma_wait3A_281 = arith.constant 0 : i32
        %dma_wait3A_282 = tpu.memref_slice %arg15[%dma_wait3A_280, %dma_wait3A_281] : memref<10000x64xf32, #tpu.memory_space<vmem_shared>> -> memref<10000x64xf32, #tpu.memory_space<vmem_shared>>
        tpu.wait_indirect_dma semaphore(%run_scoped3A_274 : memref<!tpu.dma_semaphore, #tpu.memory_space<semaphore_mem>>) src(%arg12 : memref<80x64xf32, #tpu.memory_space<vmem>>) dst(%dma_wait3A_282 : memref<10000x64xf32, #tpu.memory_space<vmem_shared>>)
        tpu.yield
      }) : () -> ()
      %add3A_222 = arith.constant 8 : i32
      %add3A_223 = arith.addi %add3A_214, %add3A_222 : i32
      %rem3A_224 = arith.constant 125 : i32
      %rem3A_225 = arith.remsi %add3A_223, %rem3A_224 : i32
      %mul3A_226 = arith.constant 80 : i32
      %mul3A_227 = arith.muli %rem3A_225, %mul3A_226 : i32
      %dma_start3A_228 = tpu.memref_slice %arg5[%mul3A_227] : memref<10000xi32, #tpu.memory_space<vmem>> -> memref<80xi32, #tpu.memory_space<vmem>>
      %dma_start3A_229 = arith.constant 0 : i32
      %dma_start3A_230 = arith.constant 0 : i32
      %dma_start3A_231 = tpu.memref_slice %arg2[%dma_start3A_229, %dma_start3A_230] : memref<10000x64xf32, #tpu.memory_space<hbm>> -> memref<10000x64xf32, #tpu.memory_space<hbm>>
      tpu.enqueue_indirect_dma source(%dma_start3A_231 : memref<10000x64xf32, #tpu.memory_space<hbm>>) target(%arg12 : memref<80x64xf32, #tpu.memory_space<vmem>>) offsets(%dma_start3A_228 : memref<80xi32, #tpu.memory_space<vmem>>) semaphore(%arg21 : memref<!tpu.dma_semaphore, #tpu.memory_space<semaphore_mem>>)
      %mul3A_232 = arith.constant 8 : i32
      %mul3A_233 = arith.muli %mul3A_232, %scan3A_106 : i32
      %add3A_234 = arith.constant 6 : i32
      %add3A_235 = arith.addi %mul3A_233, %add3A_234 : i32
      %dma_wait3A_236 = arith.constant 0 : i32
      %dma_wait3A_237 = tpu.memref_slice %arg5[%dma_wait3A_236] : memref<10000xi32, #tpu.memory_space<vmem>> -> memref<80xi32, #tpu.memory_space<vmem>>
      %dma_wait3A_238 = arith.constant 0 : i32
      %dma_wait3A_239 = arith.constant 0 : i32
      %dma_wait3A_240 = tpu.memref_slice %arg2[%dma_wait3A_238, %dma_wait3A_239] : memref<10000x64xf32, #tpu.memory_space<hbm>> -> memref<10000x64xf32, #tpu.memory_space<hbm>>
      tpu.wait_indirect_dma semaphore(%arg22 : memref<!tpu.dma_semaphore, #tpu.memory_space<semaphore_mem>>) src(%dma_wait3A_240 : memref<10000x64xf32, #tpu.memory_space<hbm>>) dst(%arg13 : memref<80x64xf32, #tpu.memory_space<vmem>>)
      %mul3A_241 = arith.constant 80 : i32
      %mul3A_242 = arith.muli %add3A_235, %mul3A_241 : i32
      "tpu.region"() ({
        %run_scoped3A_274 = tpu.sem_alloc : memref<!tpu.dma_semaphore, #tpu.memory_space<semaphore_mem>>
        %dma_start3A_275 = tpu.memref_slice %arg6[%mul3A_242] : memref<10000xi32, #tpu.memory_space<vmem>> -> memref<80xi32, #tpu.memory_space<vmem>>
        %dma_start3A_276 = arith.constant 0 : i32
        %dma_start3A_277 = arith.constant 0 : i32
        %dma_start3A_278 = tpu.memref_slice %arg15[%dma_start3A_276, %dma_start3A_277] : memref<10000x64xf32, #tpu.memory_space<vmem_shared>> -> memref<10000x64xf32, #tpu.memory_space<vmem_shared>>
        tpu.enqueue_indirect_dma source(%arg13 : memref<80x64xf32, #tpu.memory_space<vmem>>) target(%dma_start3A_278 : memref<10000x64xf32, #tpu.memory_space<vmem_shared>>) offsets(%dma_start3A_275 : memref<80xi32, #tpu.memory_space<vmem>>) semaphore(%run_scoped3A_274 : memref<!tpu.dma_semaphore, #tpu.memory_space<semaphore_mem>>) {add = true}
        %dma_wait3A_279 = tpu.memref_slice %arg6[%mul3A_242] : memref<10000xi32, #tpu.memory_space<vmem>> -> memref<80xi32, #tpu.memory_space<vmem>>
        %dma_wait3A_280 = arith.constant 0 : i32
        %dma_wait3A_281 = arith.constant 0 : i32
        %dma_wait3A_282 = tpu.memref_slice %arg15[%dma_wait3A_280, %dma_wait3A_281] : memref<10000x64xf32, #tpu.memory_space<vmem_shared>> -> memref<10000x64xf32, #tpu.memory_space<vmem_shared>>
        tpu.wait_indirect_dma semaphore(%run_scoped3A_274 : memref<!tpu.dma_semaphore, #tpu.memory_space<semaphore_mem>>) src(%arg13 : memref<80x64xf32, #tpu.memory_space<vmem>>) dst(%dma_wait3A_282 : memref<10000x64xf32, #tpu.memory_space<vmem_shared>>)
        tpu.yield
      }) : () -> ()
      %add3A_243 = arith.constant 8 : i32
      %add3A_244 = arith.addi %add3A_235, %add3A_243 : i32
      %rem3A_245 = arith.constant 125 : i32
      %rem3A_246 = arith.remsi %add3A_244, %rem3A_245 : i32
      %mul3A_247 = arith.constant 80 : i32
      %mul3A_248 = arith.muli %rem3A_246, %mul3A_247 : i32
      %dma_start3A_249 = tpu.memref_slice %arg5[%mul3A_248] : memref<10000xi32, #tpu.memory_space<vmem>> -> memref<80xi32, #tpu.memory_space<vmem>>
      %dma_start3A_250 = arith.constant 0 : i32
      %dma_start3A_251 = arith.constant 0 : i32
      %dma_start3A_252 = tpu.memref_slice %arg2[%dma_start3A_250, %dma_start3A_251] : memref<10000x64xf32, #tpu.memory_space<hbm>> -> memref<10000x64xf32, #tpu.memory_space<hbm>>
      tpu.enqueue_indirect_dma source(%dma_start3A_252 : memref<10000x64xf32, #tpu.memory_space<hbm>>) target(%arg13 : memref<80x64xf32, #tpu.memory_space<vmem>>) offsets(%dma_start3A_249 : memref<80xi32, #tpu.memory_space<vmem>>) semaphore(%arg22 : memref<!tpu.dma_semaphore, #tpu.memory_space<semaphore_mem>>)
      %mul3A_253 = arith.constant 8 : i32
      %mul3A_254 = arith.muli %mul3A_253, %scan3A_106 : i32
      %add3A_255 = arith.constant 7 : i32
      %add3A_256 = arith.addi %mul3A_254, %add3A_255 : i32
      %dma_wait3A_257 = arith.constant 0 : i32
      %dma_wait3A_258 = tpu.memref_slice %arg5[%dma_wait3A_257] : memref<10000xi32, #tpu.memory_space<vmem>> -> memref<80xi32, #tpu.memory_space<vmem>>
      %dma_wait3A_259 = arith.constant 0 : i32
      %dma_wait3A_260 = arith.constant 0 : i32
      %dma_wait3A_261 = tpu.memref_slice %arg2[%dma_wait3A_259, %dma_wait3A_260] : memref<10000x64xf32, #tpu.memory_space<hbm>> -> memref<10000x64xf32, #tpu.memory_space<hbm>>
      tpu.wait_indirect_dma semaphore(%arg23 : memref<!tpu.dma_semaphore, #tpu.memory_space<semaphore_mem>>) src(%dma_wait3A_261 : memref<10000x64xf32, #tpu.memory_space<hbm>>) dst(%arg14 : memref<80x64xf32, #tpu.memory_space<vmem>>)
      %mul3A_262 = arith.constant 80 : i32
      %mul3A_263 = arith.muli %add3A_256, %mul3A_262 : i32
      "tpu.region"() ({
        %run_scoped3A_274 = tpu.sem_alloc : memref<!tpu.dma_semaphore, #tpu.memory_space<semaphore_mem>>
        %dma_start3A_275 = tpu.memref_slice %arg6[%mul3A_263] : memref<10000xi32, #tpu.memory_space<vmem>> -> memref<80xi32, #tpu.memory_space<vmem>>
        %dma_start3A_276 = arith.constant 0 : i32
        %dma_start3A_277 = arith.constant 0 : i32
        %dma_start3A_278 = tpu.memref_slice %arg15[%dma_start3A_276, %dma_start3A_277] : memref<10000x64xf32, #tpu.memory_space<vmem_shared>> -> memref<10000x64xf32, #tpu.memory_space<vmem_shared>>
        tpu.enqueue_indirect_dma source(%arg14 : memref<80x64xf32, #tpu.memory_space<vmem>>) target(%dma_start3A_278 : memref<10000x64xf32, #tpu.memory_space<vmem_shared>>) offsets(%dma_start3A_275 : memref<80xi32, #tpu.memory_space<vmem>>) semaphore(%run_scoped3A_274 : memref<!tpu.dma_semaphore, #tpu.memory_space<semaphore_mem>>) {add = true}
        %dma_wait3A_279 = tpu.memref_slice %arg6[%mul3A_263] : memref<10000xi32, #tpu.memory_space<vmem>> -> memref<80xi32, #tpu.memory_space<vmem>>
        %dma_wait3A_280 = arith.constant 0 : i32
        %dma_wait3A_281 = arith.constant 0 : i32
        %dma_wait3A_282 = tpu.memref_slice %arg15[%dma_wait3A_280, %dma_wait3A_281] : memref<10000x64xf32, #tpu.memory_space<vmem_shared>> -> memref<10000x64xf32, #tpu.memory_space<vmem_shared>>
        tpu.wait_indirect_dma semaphore(%run_scoped3A_274 : memref<!tpu.dma_semaphore, #tpu.memory_space<semaphore_mem>>) src(%arg14 : memref<80x64xf32, #tpu.memory_space<vmem>>) dst(%dma_wait3A_282 : memref<10000x64xf32, #tpu.memory_space<vmem_shared>>)
        tpu.yield
      }) : () -> ()
      %add3A_264 = arith.constant 8 : i32
      %add3A_265 = arith.addi %add3A_256, %add3A_264 : i32
      %rem3A_266 = arith.constant 125 : i32
      %rem3A_267 = arith.remsi %add3A_265, %rem3A_266 : i32
      %mul3A_268 = arith.constant 80 : i32
      %mul3A_269 = arith.muli %rem3A_267, %mul3A_268 : i32
      %dma_start3A_270 = tpu.memref_slice %arg5[%mul3A_269] : memref<10000xi32, #tpu.memory_space<vmem>> -> memref<80xi32, #tpu.memory_space<vmem>>
      %dma_start3A_271 = arith.constant 0 : i32
      %dma_start3A_272 = arith.constant 0 : i32
      %dma_start3A_273 = tpu.memref_slice %arg2[%dma_start3A_271, %dma_start3A_272] : memref<10000x64xf32, #tpu.memory_space<hbm>> -> memref<10000x64xf32, #tpu.memory_space<hbm>>
      tpu.enqueue_indirect_dma source(%dma_start3A_273 : memref<10000x64xf32, #tpu.memory_space<hbm>>) target(%arg14 : memref<80x64xf32, #tpu.memory_space<vmem>>) offsets(%dma_start3A_270 : memref<80xi32, #tpu.memory_space<vmem>>) semaphore(%arg23 : memref<!tpu.dma_semaphore, #tpu.memory_space<semaphore_mem>>)
    }
    %scan3A_55 = arith.constant 15 : i32
    %dma_wait3A = arith.constant 0 : i32
    %dma_wait3A_56 = tpu.memref_slice %arg5[%dma_wait3A] : memref<10000xi32, #tpu.memory_space<vmem>> -> memref<80xi32, #tpu.memory_space<vmem>>
    %dma_wait3A_57 = arith.constant 0 : i32
    %dma_wait3A_58 = arith.constant 0 : i32
    %dma_wait3A_59 = tpu.memref_slice %arg2[%dma_wait3A_57, %dma_wait3A_58] : memref<10000x64xf32, #tpu.memory_space<hbm>> -> memref<10000x64xf32, #tpu.memory_space<hbm>>
    tpu.wait_indirect_dma semaphore(%arg16 : memref<!tpu.dma_semaphore, #tpu.memory_space<semaphore_mem>>) src(%dma_wait3A_59 : memref<10000x64xf32, #tpu.memory_space<hbm>>) dst(%arg7 : memref<80x64xf32, #tpu.memory_space<vmem>>)
    "tpu.region"() ({
      %run_scoped3A_106 = tpu.sem_alloc : memref<!tpu.dma_semaphore, #tpu.memory_space<semaphore_mem>>
      %dma_start3A_107 = arith.constant 9600 : i32
      %dma_start3A_108 = tpu.memref_slice %arg6[%dma_start3A_107] : memref<10000xi32, #tpu.memory_space<vmem>> -> memref<80xi32, #tpu.memory_space<vmem>>
      %dma_start3A_109 = arith.constant 0 : i32
      %dma_start3A_110 = arith.constant 0 : i32
      %dma_start3A_111 = tpu.memref_slice %arg15[%dma_start3A_109, %dma_start3A_110] : memref<10000x64xf32, #tpu.memory_space<vmem_shared>> -> memref<10000x64xf32, #tpu.memory_space<vmem_shared>>
      tpu.enqueue_indirect_dma source(%arg7 : memref<80x64xf32, #tpu.memory_space<vmem>>) target(%dma_start3A_111 : memref<10000x64xf32, #tpu.memory_space<vmem_shared>>) offsets(%dma_start3A_108 : memref<80xi32, #tpu.memory_space<vmem>>) semaphore(%run_scoped3A_106 : memref<!tpu.dma_semaphore, #tpu.memory_space<semaphore_mem>>) {add = true}
      %dma_wait3A_112 = arith.constant 9600 : i32
      %dma_wait3A_113 = tpu.memref_slice %arg6[%dma_wait3A_112] : memref<10000xi32, #tpu.memory_space<vmem>> -> memref<80xi32, #tpu.memory_space<vmem>>
      %dma_wait3A_114 = arith.constant 0 : i32
      %dma_wait3A_115 = arith.constant 0 : i32
      %dma_wait3A_116 = tpu.memref_slice %arg15[%dma_wait3A_114, %dma_wait3A_115] : memref<10000x64xf32, #tpu.memory_space<vmem_shared>> -> memref<10000x64xf32, #tpu.memory_space<vmem_shared>>
      tpu.wait_indirect_dma semaphore(%run_scoped3A_106 : memref<!tpu.dma_semaphore, #tpu.memory_space<semaphore_mem>>) src(%arg7 : memref<80x64xf32, #tpu.memory_space<vmem>>) dst(%dma_wait3A_116 : memref<10000x64xf32, #tpu.memory_space<vmem_shared>>)
      tpu.yield
    }) : () -> ()
    %dma_wait3A_60 = arith.constant 0 : i32
    %dma_wait3A_61 = tpu.memref_slice %arg5[%dma_wait3A_60] : memref<10000xi32, #tpu.memory_space<vmem>> -> memref<80xi32, #tpu.memory_space<vmem>>
    %dma_wait3A_62 = arith.constant 0 : i32
    %dma_wait3A_63 = arith.constant 0 : i32
    %dma_wait3A_64 = tpu.memref_slice %arg2[%dma_wait3A_62, %dma_wait3A_63] : memref<10000x64xf32, #tpu.memory_space<hbm>> -> memref<10000x64xf32, #tpu.memory_space<hbm>>
    tpu.wait_indirect_dma semaphore(%arg17 : memref<!tpu.dma_semaphore, #tpu.memory_space<semaphore_mem>>) src(%dma_wait3A_64 : memref<10000x64xf32, #tpu.memory_space<hbm>>) dst(%arg8 : memref<80x64xf32, #tpu.memory_space<vmem>>)
    "tpu.region"() ({
      %run_scoped3A_106 = tpu.sem_alloc : memref<!tpu.dma_semaphore, #tpu.memory_space<semaphore_mem>>
      %dma_start3A_107 = arith.constant 9680 : i32
      %dma_start3A_108 = tpu.memref_slice %arg6[%dma_start3A_107] : memref<10000xi32, #tpu.memory_space<vmem>> -> memref<80xi32, #tpu.memory_space<vmem>>
      %dma_start3A_109 = arith.constant 0 : i32
      %dma_start3A_110 = arith.constant 0 : i32
      %dma_start3A_111 = tpu.memref_slice %arg15[%dma_start3A_109, %dma_start3A_110] : memref<10000x64xf32, #tpu.memory_space<vmem_shared>> -> memref<10000x64xf32, #tpu.memory_space<vmem_shared>>
      tpu.enqueue_indirect_dma source(%arg8 : memref<80x64xf32, #tpu.memory_space<vmem>>) target(%dma_start3A_111 : memref<10000x64xf32, #tpu.memory_space<vmem_shared>>) offsets(%dma_start3A_108 : memref<80xi32, #tpu.memory_space<vmem>>) semaphore(%run_scoped3A_106 : memref<!tpu.dma_semaphore, #tpu.memory_space<semaphore_mem>>) {add = true}
      %dma_wait3A_112 = arith.constant 9680 : i32
      %dma_wait3A_113 = tpu.memref_slice %arg6[%dma_wait3A_112] : memref<10000xi32, #tpu.memory_space<vmem>> -> memref<80xi32, #tpu.memory_space<vmem>>
      %dma_wait3A_114 = arith.constant 0 : i32
      %dma_wait3A_115 = arith.constant 0 : i32
      %dma_wait3A_116 = tpu.memref_slice %arg15[%dma_wait3A_114, %dma_wait3A_115] : memref<10000x64xf32, #tpu.memory_space<vmem_shared>> -> memref<10000x64xf32, #tpu.memory_space<vmem_shared>>
      tpu.wait_indirect_dma semaphore(%run_scoped3A_106 : memref<!tpu.dma_semaphore, #tpu.memory_space<semaphore_mem>>) src(%arg8 : memref<80x64xf32, #tpu.memory_space<vmem>>) dst(%dma_wait3A_116 : memref<10000x64xf32, #tpu.memory_space<vmem_shared>>)
      tpu.yield
    }) : () -> ()
    %dma_wait3A_65 = arith.constant 0 : i32
    %dma_wait3A_66 = tpu.memref_slice %arg5[%dma_wait3A_65] : memref<10000xi32, #tpu.memory_space<vmem>> -> memref<80xi32, #tpu.memory_space<vmem>>
    %dma_wait3A_67 = arith.constant 0 : i32
    %dma_wait3A_68 = arith.constant 0 : i32
    %dma_wait3A_69 = tpu.memref_slice %arg2[%dma_wait3A_67, %dma_wait3A_68] : memref<10000x64xf32, #tpu.memory_space<hbm>> -> memref<10000x64xf32, #tpu.memory_space<hbm>>
    tpu.wait_indirect_dma semaphore(%arg18 : memref<!tpu.dma_semaphore, #tpu.memory_space<semaphore_mem>>) src(%dma_wait3A_69 : memref<10000x64xf32, #tpu.memory_space<hbm>>) dst(%arg9 : memref<80x64xf32, #tpu.memory_space<vmem>>)
    "tpu.region"() ({
      %run_scoped3A_106 = tpu.sem_alloc : memref<!tpu.dma_semaphore, #tpu.memory_space<semaphore_mem>>
      %dma_start3A_107 = arith.constant 9760 : i32
      %dma_start3A_108 = tpu.memref_slice %arg6[%dma_start3A_107] : memref<10000xi32, #tpu.memory_space<vmem>> -> memref<80xi32, #tpu.memory_space<vmem>>
      %dma_start3A_109 = arith.constant 0 : i32
      %dma_start3A_110 = arith.constant 0 : i32
      %dma_start3A_111 = tpu.memref_slice %arg15[%dma_start3A_109, %dma_start3A_110] : memref<10000x64xf32, #tpu.memory_space<vmem_shared>> -> memref<10000x64xf32, #tpu.memory_space<vmem_shared>>
      tpu.enqueue_indirect_dma source(%arg9 : memref<80x64xf32, #tpu.memory_space<vmem>>) target(%dma_start3A_111 : memref<10000x64xf32, #tpu.memory_space<vmem_shared>>) offsets(%dma_start3A_108 : memref<80xi32, #tpu.memory_space<vmem>>) semaphore(%run_scoped3A_106 : memref<!tpu.dma_semaphore, #tpu.memory_space<semaphore_mem>>) {add = true}
      %dma_wait3A_112 = arith.constant 9760 : i32
      %dma_wait3A_113 = tpu.memref_slice %arg6[%dma_wait3A_112] : memref<10000xi32, #tpu.memory_space<vmem>> -> memref<80xi32, #tpu.memory_space<vmem>>
      %dma_wait3A_114 = arith.constant 0 : i32
      %dma_wait3A_115 = arith.constant 0 : i32
      %dma_wait3A_116 = tpu.memref_slice %arg15[%dma_wait3A_114, %dma_wait3A_115] : memref<10000x64xf32, #tpu.memory_space<vmem_shared>> -> memref<10000x64xf32, #tpu.memory_space<vmem_shared>>
      tpu.wait_indirect_dma semaphore(%run_scoped3A_106 : memref<!tpu.dma_semaphore, #tpu.memory_space<semaphore_mem>>) src(%arg9 : memref<80x64xf32, #tpu.memory_space<vmem>>) dst(%dma_wait3A_116 : memref<10000x64xf32, #tpu.memory_space<vmem_shared>>)
      tpu.yield
    }) : () -> ()
    %dma_wait3A_70 = arith.constant 0 : i32
    %dma_wait3A_71 = tpu.memref_slice %arg5[%dma_wait3A_70] : memref<10000xi32, #tpu.memory_space<vmem>> -> memref<80xi32, #tpu.memory_space<vmem>>
    %dma_wait3A_72 = arith.constant 0 : i32
    %dma_wait3A_73 = arith.constant 0 : i32
    %dma_wait3A_74 = tpu.memref_slice %arg2[%dma_wait3A_72, %dma_wait3A_73] : memref<10000x64xf32, #tpu.memory_space<hbm>> -> memref<10000x64xf32, #tpu.memory_space<hbm>>
    tpu.wait_indirect_dma semaphore(%arg19 : memref<!tpu.dma_semaphore, #tpu.memory_space<semaphore_mem>>) src(%dma_wait3A_74 : memref<10000x64xf32, #tpu.memory_space<hbm>>) dst(%arg10 : memref<80x64xf32, #tpu.memory_space<vmem>>)
    "tpu.region"() ({
      %run_scoped3A_106 = tpu.sem_alloc : memref<!tpu.dma_semaphore, #tpu.memory_space<semaphore_mem>>
      %dma_start3A_107 = arith.constant 9840 : i32
      %dma_start3A_108 = tpu.memref_slice %arg6[%dma_start3A_107] : memref<10000xi32, #tpu.memory_space<vmem>> -> memref<80xi32, #tpu.memory_space<vmem>>
      %dma_start3A_109 = arith.constant 0 : i32
      %dma_start3A_110 = arith.constant 0 : i32
      %dma_start3A_111 = tpu.memref_slice %arg15[%dma_start3A_109, %dma_start3A_110] : memref<10000x64xf32, #tpu.memory_space<vmem_shared>> -> memref<10000x64xf32, #tpu.memory_space<vmem_shared>>
      tpu.enqueue_indirect_dma source(%arg10 : memref<80x64xf32, #tpu.memory_space<vmem>>) target(%dma_start3A_111 : memref<10000x64xf32, #tpu.memory_space<vmem_shared>>) offsets(%dma_start3A_108 : memref<80xi32, #tpu.memory_space<vmem>>) semaphore(%run_scoped3A_106 : memref<!tpu.dma_semaphore, #tpu.memory_space<semaphore_mem>>) {add = true}
      %dma_wait3A_112 = arith.constant 9840 : i32
      %dma_wait3A_113 = tpu.memref_slice %arg6[%dma_wait3A_112] : memref<10000xi32, #tpu.memory_space<vmem>> -> memref<80xi32, #tpu.memory_space<vmem>>
      %dma_wait3A_114 = arith.constant 0 : i32
      %dma_wait3A_115 = arith.constant 0 : i32
      %dma_wait3A_116 = tpu.memref_slice %arg15[%dma_wait3A_114, %dma_wait3A_115] : memref<10000x64xf32, #tpu.memory_space<vmem_shared>> -> memref<10000x64xf32, #tpu.memory_space<vmem_shared>>
      tpu.wait_indirect_dma semaphore(%run_scoped3A_106 : memref<!tpu.dma_semaphore, #tpu.memory_space<semaphore_mem>>) src(%arg10 : memref<80x64xf32, #tpu.memory_space<vmem>>) dst(%dma_wait3A_116 : memref<10000x64xf32, #tpu.memory_space<vmem_shared>>)
      tpu.yield
    }) : () -> ()
    %dma_wait3A_75 = arith.constant 0 : i32
    %dma_wait3A_76 = tpu.memref_slice %arg5[%dma_wait3A_75] : memref<10000xi32, #tpu.memory_space<vmem>> -> memref<80xi32, #tpu.memory_space<vmem>>
    %dma_wait3A_77 = arith.constant 0 : i32
    %dma_wait3A_78 = arith.constant 0 : i32
    %dma_wait3A_79 = tpu.memref_slice %arg2[%dma_wait3A_77, %dma_wait3A_78] : memref<10000x64xf32, #tpu.memory_space<hbm>> -> memref<10000x64xf32, #tpu.memory_space<hbm>>
    tpu.wait_indirect_dma semaphore(%arg20 : memref<!tpu.dma_semaphore, #tpu.memory_space<semaphore_mem>>) src(%dma_wait3A_79 : memref<10000x64xf32, #tpu.memory_space<hbm>>) dst(%arg11 : memref<80x64xf32, #tpu.memory_space<vmem>>)
    "tpu.region"() ({
      %run_scoped3A_106 = tpu.sem_alloc : memref<!tpu.dma_semaphore, #tpu.memory_space<semaphore_mem>>
      %dma_start3A_107 = arith.constant 9920 : i32
      %dma_start3A_108 = tpu.memref_slice %arg6[%dma_start3A_107] : memref<10000xi32, #tpu.memory_space<vmem>> -> memref<80xi32, #tpu.memory_space<vmem>>
      %dma_start3A_109 = arith.constant 0 : i32
      %dma_start3A_110 = arith.constant 0 : i32
      %dma_start3A_111 = tpu.memref_slice %arg15[%dma_start3A_109, %dma_start3A_110] : memref<10000x64xf32, #tpu.memory_space<vmem_shared>> -> memref<10000x64xf32, #tpu.memory_space<vmem_shared>>
      tpu.enqueue_indirect_dma source(%arg11 : memref<80x64xf32, #tpu.memory_space<vmem>>) target(%dma_start3A_111 : memref<10000x64xf32, #tpu.memory_space<vmem_shared>>) offsets(%dma_start3A_108 : memref<80xi32, #tpu.memory_space<vmem>>) semaphore(%run_scoped3A_106 : memref<!tpu.dma_semaphore, #tpu.memory_space<semaphore_mem>>) {add = true}
      %dma_wait3A_112 = arith.constant 9920 : i32
      %dma_wait3A_113 = tpu.memref_slice %arg6[%dma_wait3A_112] : memref<10000xi32, #tpu.memory_space<vmem>> -> memref<80xi32, #tpu.memory_space<vmem>>
      %dma_wait3A_114 = arith.constant 0 : i32
      %dma_wait3A_115 = arith.constant 0 : i32
      %dma_wait3A_116 = tpu.memref_slice %arg15[%dma_wait3A_114, %dma_wait3A_115] : memref<10000x64xf32, #tpu.memory_space<vmem_shared>> -> memref<10000x64xf32, #tpu.memory_space<vmem_shared>>
      tpu.wait_indirect_dma semaphore(%run_scoped3A_106 : memref<!tpu.dma_semaphore, #tpu.memory_space<semaphore_mem>>) src(%arg11 : memref<80x64xf32, #tpu.memory_space<vmem>>) dst(%dma_wait3A_116 : memref<10000x64xf32, #tpu.memory_space<vmem_shared>>)
      tpu.yield
    }) : () -> ()
    %dma_wait3A_80 = arith.constant 0 : i32
    %dma_wait3A_81 = tpu.memref_slice %arg5[%dma_wait3A_80] : memref<10000xi32, #tpu.memory_space<vmem>> -> memref<80xi32, #tpu.memory_space<vmem>>
    %dma_wait3A_82 = arith.constant 0 : i32
    %dma_wait3A_83 = arith.constant 0 : i32
    %dma_wait3A_84 = tpu.memref_slice %arg2[%dma_wait3A_82, %dma_wait3A_83] : memref<10000x64xf32, #tpu.memory_space<hbm>> -> memref<10000x64xf32, #tpu.memory_space<hbm>>
    tpu.wait_indirect_dma semaphore(%arg21 : memref<!tpu.dma_semaphore, #tpu.memory_space<semaphore_mem>>) src(%dma_wait3A_84 : memref<10000x64xf32, #tpu.memory_space<hbm>>) dst(%arg12 : memref<80x64xf32, #tpu.memory_space<vmem>>)
    %dma_wait3A_85 = arith.constant 0 : i32
    %dma_wait3A_86 = tpu.memref_slice %arg5[%dma_wait3A_85] : memref<10000xi32, #tpu.memory_space<vmem>> -> memref<80xi32, #tpu.memory_space<vmem>>
    %dma_wait3A_87 = arith.constant 0 : i32
    %dma_wait3A_88 = arith.constant 0 : i32
    %dma_wait3A_89 = tpu.memref_slice %arg2[%dma_wait3A_87, %dma_wait3A_88] : memref<10000x64xf32, #tpu.memory_space<hbm>> -> memref<10000x64xf32, #tpu.memory_space<hbm>>
    tpu.wait_indirect_dma semaphore(%arg22 : memref<!tpu.dma_semaphore, #tpu.memory_space<semaphore_mem>>) src(%dma_wait3A_89 : memref<10000x64xf32, #tpu.memory_space<hbm>>) dst(%arg13 : memref<80x64xf32, #tpu.memory_space<vmem>>)
    %dma_wait3A_90 = arith.constant 0 : i32
    %dma_wait3A_91 = tpu.memref_slice %arg5[%dma_wait3A_90] : memref<10000xi32, #tpu.memory_space<vmem>> -> memref<80xi32, #tpu.memory_space<vmem>>
    %dma_wait3A_92 = arith.constant 0 : i32
    %dma_wait3A_93 = arith.constant 0 : i32
    %dma_wait3A_94 = tpu.memref_slice %arg2[%dma_wait3A_92, %dma_wait3A_93] : memref<10000x64xf32, #tpu.memory_space<hbm>> -> memref<10000x64xf32, #tpu.memory_space<hbm>>
    tpu.wait_indirect_dma semaphore(%arg23 : memref<!tpu.dma_semaphore, #tpu.memory_space<semaphore_mem>>) src(%dma_wait3A_94 : memref<10000x64xf32, #tpu.memory_space<hbm>>) dst(%arg14 : memref<80x64xf32, #tpu.memory_space<vmem>>)
    %barrier3A_95 = arith.constant 0 : index
    tpu.barrier barrier_id(%barrier3A_95)
    %ne3A_96 = arith.constant 15 : i32
    %ne3A_97 = arith.cmpi ne, %arg1, %ne3A_96 : i32
    %convert_element_type3A_98 = arith.extui %ne3A_97 : i1 to i32
    %cond3A_99 = arith.constant 0 : i32
    %cond3A_100 = arith.cmpi ne, %convert_element_type3A_98, %cond3A_99 : i32
    scf.if %cond3A_100 {
      %mul3A_106 = arith.constant 632 : i32
      %mul3A_107 = arith.muli %arg1, %mul3A_106 : i32
      %mul3A_108 = arith.constant 632 : i32
      %mul3A_109 = arith.muli %arg1, %mul3A_108 : i32
      "tpu.region"() ({
        %run_scoped3A_110 = tpu.sem_alloc : memref<!tpu.dma_semaphore, #tpu.memory_space<semaphore_mem>>
        %dma_start3A_111 = arith.constant 0 : i32
        %dma_start3A_112 = tpu.memref_slice %arg4[%arg0, %mul3A_109, %dma_start3A_111] : memref<2x10000x64xf32, #tpu.memory_space<hbm>> -> memref<1x632x64xf32, #tpu.memory_space<hbm>>
        %dma_start3A_113 = tpu.memref_squeeze %dma_start3A_112 : memref<1x632x64xf32, #tpu.memory_space<hbm>> -> memref<632x64xf32, #tpu.memory_space<hbm>>
        %dma_start3A_114 = arith.constant 0 : i32
        %dma_start3A_115 = tpu.memref_slice %arg15[%mul3A_107, %dma_start3A_114] : memref<10000x64xf32, #tpu.memory_space<vmem_shared>> -> memref<632x64xf32, #tpu.memory_space<vmem_shared>>
        tpu.enqueue_dma source(%dma_start3A_115 : memref<632x64xf32, #tpu.memory_space<vmem_shared>>) target(%dma_start3A_113 : memref<632x64xf32, #tpu.memory_space<hbm>>) target_semaphore(%run_scoped3A_110 : memref<!tpu.dma_semaphore, #tpu.memory_space<semaphore_mem>>)
        %dma_wait3A_116 = arith.constant 0 : i32
        %dma_wait3A_117 = tpu.memref_slice %arg4[%arg0, %mul3A_109, %dma_wait3A_116] : memref<2x10000x64xf32, #tpu.memory_space<hbm>> -> memref<1x632x64xf32, #tpu.memory_space<hbm>>
        %dma_wait3A_118 = tpu.memref_squeeze %dma_wait3A_117 : memref<1x632x64xf32, #tpu.memory_space<hbm>> -> memref<632x64xf32, #tpu.memory_space<hbm>>
        %dma_wait3A_119 = arith.constant 0 : i32
        %dma_wait3A_120 = tpu.memref_slice %arg15[%mul3A_107, %dma_wait3A_119] : memref<10000x64xf32, #tpu.memory_space<vmem_shared>> -> memref<632x64xf32, #tpu.memory_space<vmem_shared>>
        tpu.wait_dma2 semaphore(%run_scoped3A_110 : memref<!tpu.dma_semaphore, #tpu.memory_space<semaphore_mem>>) src(%dma_wait3A_120 : memref<632x64xf32, #tpu.memory_space<vmem_shared>>) dst(%dma_wait3A_118 : memref<632x64xf32, #tpu.memory_space<hbm>>)
        tpu.yield
      }) : () -> ()
    } else {
    }
    %eq3A_101 = arith.constant 15 : i32
    %eq3A_102 = arith.cmpi eq, %arg1, %eq3A_101 : i32
    %convert_element_type3A_103 = arith.extui %eq3A_102 : i1 to i32
    %cond3A_104 = arith.constant 0 : i32
    %cond3A_105 = arith.cmpi ne, %convert_element_type3A_103, %cond3A_104 : i32
    scf.if %cond3A_105 {
      "tpu.region"() ({
        %run_scoped3A_106 = tpu.sem_alloc : memref<!tpu.dma_semaphore, #tpu.memory_space<semaphore_mem>>
        %dma_start3A_107 = arith.constant 9480 : i32
        %dma_start3A_108 = arith.constant 0 : i32
        %dma_start3A_109 = tpu.memref_slice %arg4[%arg0, %dma_start3A_107, %dma_start3A_108] : memref<2x10000x64xf32, #tpu.memory_space<hbm>> -> memref<1x520x64xf32, #tpu.memory_space<hbm>>
        %dma_start3A_110 = tpu.memref_squeeze %dma_start3A_109 : memref<1x520x64xf32, #tpu.memory_space<hbm>> -> memref<520x64xf32, #tpu.memory_space<hbm>>
        %dma_start3A_111 = arith.constant 9480 : i32
        %dma_start3A_112 = arith.constant 0 : i32
        %dma_start3A_113 = tpu.memref_slice %arg15[%dma_start3A_111, %dma_start3A_112] : memref<10000x64xf32, #tpu.memory_space<vmem_shared>> -> memref<520x64xf32, #tpu.memory_space<vmem_shared>>
        tpu.enqueue_dma source(%dma_start3A_113 : memref<520x64xf32, #tpu.memory_space<vmem_shared>>) target(%dma_start3A_110 : memref<520x64xf32, #tpu.memory_space<hbm>>) target_semaphore(%run_scoped3A_106 : memref<!tpu.dma_semaphore, #tpu.memory_space<semaphore_mem>>)
        %dma_wait3A_114 = arith.constant 9480 : i32
        %dma_wait3A_115 = arith.constant 0 : i32
        %dma_wait3A_116 = tpu.memref_slice %arg4[%arg0, %dma_wait3A_114, %dma_wait3A_115] : memref<2x10000x64xf32, #tpu.memory_space<hbm>> -> memref<1x520x64xf32, #tpu.memory_space<hbm>>
        %dma_wait3A_117 = tpu.memref_squeeze %dma_wait3A_116 : memref<1x520x64xf32, #tpu.memory_space<hbm>> -> memref<520x64xf32, #tpu.memory_space<hbm>>
        %dma_wait3A_118 = arith.constant 9480 : i32
        %dma_wait3A_119 = arith.constant 0 : i32
        %dma_wait3A_120 = tpu.memref_slice %arg15[%dma_wait3A_118, %dma_wait3A_119] : memref<10000x64xf32, #tpu.memory_space<vmem_shared>> -> memref<520x64xf32, #tpu.memory_space<vmem_shared>>
        tpu.wait_dma2 semaphore(%run_scoped3A_106 : memref<!tpu.dma_semaphore, #tpu.memory_space<semaphore_mem>>) src(%dma_wait3A_120 : memref<520x64xf32, #tpu.memory_space<vmem_shared>>) dst(%dma_wait3A_117 : memref<520x64xf32, #tpu.memory_space<hbm>>)
        tpu.yield
      }) : () -> ()
    } else {
    }
    return
  }
}

module attributes {stable_mosaic.version = 14 : i64} {
  func.func @_mlp_body(%arg0: memref<10000x128xf32, #tpu.memory_space<vmem>>, %arg1: memref<2x10000x128xf32, #tpu.memory_space<vmem>>, %arg2: memref<128x64xf32, #tpu.memory_space<vmem>>, %arg3: memref<1x64xf32, #tpu.memory_space<vmem>>, %arg4: memref<64x64xf32, #tpu.memory_space<vmem>>, %arg5: memref<1x64xf32, #tpu.memory_space<vmem>>, %arg6: memref<1x64xf32, #tpu.memory_space<vmem>>, %arg7: memref<1x64xf32, #tpu.memory_space<vmem>>, %arg8: memref<10000x64xf32, #tpu.memory_space<vmem>>) attributes {dimension_semantics = [], scalar_prefetch = 0 : i64, scratch_operands = 0 : i64, tpu.core_type = #tpu.core_type<tc>} {
    %get3A = arith.constant 0 : index
    %get3A_0 = arith.constant 0 : index
    %get3A_1 = vector.load %arg0[%get3A, %get3A_0] : memref<10000x128xf32, #tpu.memory_space<vmem>>, vector<10000x128xf32>
    %get3A_2 = arith.constant 0 : index
    %get3A_3 = arith.constant 0 : index
    %get3A_4 = arith.constant 0 : index
    %get3A_5 = vector.load %arg1[%get3A_2, %get3A_3, %get3A_4] : memref<2x10000x128xf32, #tpu.memory_space<vmem>>, vector<1x10000x128xf32>
    %get3A_6 = vector.shape_cast %get3A_5 : vector<1x10000x128xf32> to vector<10000x128xf32>
    %get3A_7 = arith.constant 1 : index
    %get3A_8 = arith.constant 0 : index
    %get3A_9 = arith.constant 0 : index
    %get3A_10 = vector.load %arg1[%get3A_7, %get3A_8, %get3A_9] : memref<2x10000x128xf32, #tpu.memory_space<vmem>>, vector<1x10000x128xf32>
    %get3A_11 = vector.shape_cast %get3A_10 : vector<1x10000x128xf32> to vector<10000x128xf32>
    %get3A_12 = arith.constant 0 : index
    %get3A_13 = arith.constant 0 : index
    %get3A_14 = vector.load %arg2[%get3A_12, %get3A_13] : memref<128x64xf32, #tpu.memory_space<vmem>>, vector<128x64xf32>
    %get3A_15 = arith.constant 0 : index
    %get3A_16 = arith.constant 0 : index
    %get3A_17 = vector.load %arg3[%get3A_15, %get3A_16] : memref<1x64xf32, #tpu.memory_space<vmem>>, vector<1x64xf32>
    %get3A_18 = arith.constant 0 : index
    %get3A_19 = arith.constant 0 : index
    %get3A_20 = vector.load %arg4[%get3A_18, %get3A_19] : memref<64x64xf32, #tpu.memory_space<vmem>>, vector<64x64xf32>
    %get3A_21 = arith.constant 0 : index
    %get3A_22 = arith.constant 0 : index
    %get3A_23 = vector.load %arg5[%get3A_21, %get3A_22] : memref<1x64xf32, #tpu.memory_space<vmem>>, vector<1x64xf32>
    %get3A_24 = arith.constant 0 : index
    %get3A_25 = arith.constant 0 : index
    %get3A_26 = vector.load %arg6[%get3A_24, %get3A_25] : memref<1x64xf32, #tpu.memory_space<vmem>>, vector<1x64xf32>
    %get3A_27 = arith.constant 0 : index
    %get3A_28 = arith.constant 0 : index
    %get3A_29 = vector.load %arg7[%get3A_27, %get3A_28] : memref<1x64xf32, #tpu.memory_space<vmem>>, vector<1x64xf32>
    %add3A = arith.addf %get3A_6, %get3A_11 : vector<10000x128xf32>
    %sub3A = arith.subf %add3A, %get3A_1 : vector<10000x128xf32>
    %dot_general3A = arith.constant dense<0.000000e+00> : vector<10000x64xf32>
    %dot_general3A_30 = tpu.matmul %sub3A, %get3A_14, %dot_general3A {dimension_numbers = #tpu.dot_dimension_numbers<[1], [0], [0], [1], [0, 0, 1, 1], [], []>, transpose_lhs_hint = false} : vector<10000x128xf32>, vector<128x64xf32>, vector<10000x64xf32> -> vector<10000x64xf32>
    %add3A_31 = vector.broadcast %get3A_17 : vector<1x64xf32> to vector<10000x64xf32>
    %add3A_32 = arith.addf %dot_general3A_30, %add3A_31 : vector<10000x64xf32>
    %max3A = arith.constant 0.000000e+00 : f32
    %max3A_33 = vector.broadcast %max3A : f32 to vector<10000x64xf32>
    %max3A_34 = arith.maximumf %add3A_32, %max3A_33 : vector<10000x64xf32>
    %dot_general3A_35 = arith.constant dense<0.000000e+00> : vector<10000x64xf32>
    %dot_general3A_36 = tpu.matmul %max3A_34, %get3A_20, %dot_general3A_35 {dimension_numbers = #tpu.dot_dimension_numbers<[1], [0], [0], [1], [0, 0, 1, 1], [], []>, transpose_lhs_hint = false} : vector<10000x64xf32>, vector<64x64xf32>, vector<10000x64xf32> -> vector<10000x64xf32>
    %add3A_37 = vector.broadcast %get3A_23 : vector<1x64xf32> to vector<10000x64xf32>
    %add3A_38 = arith.addf %dot_general3A_36, %add3A_37 : vector<10000x64xf32>
    %reduce_sum3A = arith.constant dense<0.000000e+00> : vector<64xf32>
    %reduce_sum3A_39 = vector.multi_reduction <add>, %add3A_38, %reduce_sum3A [0] : vector<10000x64xf32> to vector<64xf32>
    %broadcast_in_dim3A = vector.shape_cast %reduce_sum3A_39 : vector<64xf32> to vector<1x64xf32>
    %div3A = arith.constant 1.000000e+04 : f32
    %div3A_40 = vector.broadcast %div3A : f32 to vector<1x64xf32>
    %div3A_41 = arith.divf %broadcast_in_dim3A, %div3A_40 : vector<1x64xf32>
    %sub3A_42 = vector.broadcast %div3A_41 : vector<1x64xf32> to vector<10000x64xf32>
    %sub3A_43 = arith.subf %add3A_38, %sub3A_42 : vector<10000x64xf32>
    %mul3A = arith.mulf %sub3A_43, %sub3A_43 : vector<10000x64xf32>
    %reduce_sum3A_44 = arith.constant dense<0.000000e+00> : vector<64xf32>
    %reduce_sum3A_45 = vector.multi_reduction <add>, %mul3A, %reduce_sum3A_44 [0] : vector<10000x64xf32> to vector<64xf32>
    %broadcast_in_dim3A_46 = vector.shape_cast %reduce_sum3A_45 : vector<64xf32> to vector<1x64xf32>
    %div3A_47 = arith.constant 1.000000e+04 : f32
    %div3A_48 = vector.broadcast %div3A_47 : f32 to vector<1x64xf32>
    %div3A_49 = arith.divf %broadcast_in_dim3A_46, %div3A_48 : vector<1x64xf32>
    %add3A_50 = arith.constant 9.99999974E-6 : f32
    %add3A_51 = vector.broadcast %add3A_50 : f32 to vector<1x64xf32>
    %add3A_52 = arith.addf %div3A_49, %add3A_51 : vector<1x64xf32>
    %sqrt3A = math.sqrt %add3A_52 : vector<1x64xf32>
    %div3A_53 = vector.broadcast %sqrt3A : vector<1x64xf32> to vector<10000x64xf32>
    %div3A_54 = arith.divf %sub3A_43, %div3A_53 : vector<10000x64xf32>
    %mul3A_55 = vector.broadcast %get3A_26 : vector<1x64xf32> to vector<10000x64xf32>
    %mul3A_56 = arith.mulf %div3A_54, %mul3A_55 : vector<10000x64xf32>
    %add3A_57 = vector.broadcast %get3A_29 : vector<1x64xf32> to vector<10000x64xf32>
    %add3A_58 = arith.addf %mul3A_56, %add3A_57 : vector<10000x64xf32>
    %max3A_59 = arith.constant 0.000000e+00 : f32
    %max3A_60 = vector.broadcast %max3A_59 : f32 to vector<10000x64xf32>
    %max3A_61 = arith.maximumf %add3A_58, %max3A_60 : vector<10000x64xf32>
    %swap3A = arith.constant 0 : index
    %swap3A_62 = arith.constant 0 : index
    %swap3A_63 = vector.load %arg8[%swap3A, %swap3A_62] : memref<10000x64xf32, #tpu.memory_space<vmem>>, vector<10000x64xf32>
    tpu.vector_store %arg8[%swap3A, %swap3A_62], %max3A_61 {strides = array<i32>} : memref<10000x64xf32, #tpu.memory_space<vmem>>, vector<10000x64xf32>,
    return
  }
}

module attributes {stable_mosaic.version = 14 : i64} {
  func.func @_mlp_body(%arg0: memref<10000x64xf32, #tpu.memory_space<vmem>>, %arg1: memref<2x10000x64xf32, #tpu.memory_space<vmem>>, %arg2: memref<64x64xf32, #tpu.memory_space<vmem>>, %arg3: memref<1x64xf32, #tpu.memory_space<vmem>>, %arg4: memref<64x64xf32, #tpu.memory_space<vmem>>, %arg5: memref<1x64xf32, #tpu.memory_space<vmem>>, %arg6: memref<1x64xf32, #tpu.memory_space<vmem>>, %arg7: memref<1x64xf32, #tpu.memory_space<vmem>>, %arg8: memref<10000x64xf32, #tpu.memory_space<vmem>>) attributes {dimension_semantics = [], scalar_prefetch = 0 : i64, scratch_operands = 0 : i64, tpu.core_type = #tpu.core_type<tc>} {
    %get3A = arith.constant 0 : index
    %get3A_0 = arith.constant 0 : index
    %get3A_1 = vector.load %arg0[%get3A, %get3A_0] : memref<10000x64xf32, #tpu.memory_space<vmem>>, vector<10000x64xf32>
    %get3A_2 = arith.constant 0 : index
    %get3A_3 = arith.constant 0 : index
    %get3A_4 = arith.constant 0 : index
    %get3A_5 = vector.load %arg1[%get3A_2, %get3A_3, %get3A_4] : memref<2x10000x64xf32, #tpu.memory_space<vmem>>, vector<1x10000x64xf32>
    %get3A_6 = vector.shape_cast %get3A_5 : vector<1x10000x64xf32> to vector<10000x64xf32>
    %get3A_7 = arith.constant 1 : index
    %get3A_8 = arith.constant 0 : index
    %get3A_9 = arith.constant 0 : index
    %get3A_10 = vector.load %arg1[%get3A_7, %get3A_8, %get3A_9] : memref<2x10000x64xf32, #tpu.memory_space<vmem>>, vector<1x10000x64xf32>
    %get3A_11 = vector.shape_cast %get3A_10 : vector<1x10000x64xf32> to vector<10000x64xf32>
    %get3A_12 = arith.constant 0 : index
    %get3A_13 = arith.constant 0 : index
    %get3A_14 = vector.load %arg2[%get3A_12, %get3A_13] : memref<64x64xf32, #tpu.memory_space<vmem>>, vector<64x64xf32>
    %get3A_15 = arith.constant 0 : index
    %get3A_16 = arith.constant 0 : index
    %get3A_17 = vector.load %arg3[%get3A_15, %get3A_16] : memref<1x64xf32, #tpu.memory_space<vmem>>, vector<1x64xf32>
    %get3A_18 = arith.constant 0 : index
    %get3A_19 = arith.constant 0 : index
    %get3A_20 = vector.load %arg4[%get3A_18, %get3A_19] : memref<64x64xf32, #tpu.memory_space<vmem>>, vector<64x64xf32>
    %get3A_21 = arith.constant 0 : index
    %get3A_22 = arith.constant 0 : index
    %get3A_23 = vector.load %arg5[%get3A_21, %get3A_22] : memref<1x64xf32, #tpu.memory_space<vmem>>, vector<1x64xf32>
    %get3A_24 = arith.constant 0 : index
    %get3A_25 = arith.constant 0 : index
    %get3A_26 = vector.load %arg6[%get3A_24, %get3A_25] : memref<1x64xf32, #tpu.memory_space<vmem>>, vector<1x64xf32>
    %get3A_27 = arith.constant 0 : index
    %get3A_28 = arith.constant 0 : index
    %get3A_29 = vector.load %arg7[%get3A_27, %get3A_28] : memref<1x64xf32, #tpu.memory_space<vmem>>, vector<1x64xf32>
    %add3A = arith.addf %get3A_6, %get3A_11 : vector<10000x64xf32>
    %sub3A = arith.subf %add3A, %get3A_1 : vector<10000x64xf32>
    %dot_general3A = arith.constant dense<0.000000e+00> : vector<10000x64xf32>
    %dot_general3A_30 = tpu.matmul %sub3A, %get3A_14, %dot_general3A {dimension_numbers = #tpu.dot_dimension_numbers<[1], [0], [0], [1], [0, 0, 1, 1], [], []>, transpose_lhs_hint = false} : vector<10000x64xf32>, vector<64x64xf32>, vector<10000x64xf32> -> vector<10000x64xf32>
    %add3A_31 = vector.broadcast %get3A_17 : vector<1x64xf32> to vector<10000x64xf32>
    %add3A_32 = arith.addf %dot_general3A_30, %add3A_31 : vector<10000x64xf32>
    %max3A = arith.constant 0.000000e+00 : f32
    %max3A_33 = vector.broadcast %max3A : f32 to vector<10000x64xf32>
    %max3A_34 = arith.maximumf %add3A_32, %max3A_33 : vector<10000x64xf32>
    %dot_general3A_35 = arith.constant dense<0.000000e+00> : vector<10000x64xf32>
    %dot_general3A_36 = tpu.matmul %max3A_34, %get3A_20, %dot_general3A_35 {dimension_numbers = #tpu.dot_dimension_numbers<[1], [0], [0], [1], [0, 0, 1, 1], [], []>, transpose_lhs_hint = false} : vector<10000x64xf32>, vector<64x64xf32>, vector<10000x64xf32> -> vector<10000x64xf32>
    %add3A_37 = vector.broadcast %get3A_23 : vector<1x64xf32> to vector<10000x64xf32>
    %add3A_38 = arith.addf %dot_general3A_36, %add3A_37 : vector<10000x64xf32>
    %reduce_sum3A = arith.constant dense<0.000000e+00> : vector<64xf32>
    %reduce_sum3A_39 = vector.multi_reduction <add>, %add3A_38, %reduce_sum3A [0] : vector<10000x64xf32> to vector<64xf32>
    %broadcast_in_dim3A = vector.shape_cast %reduce_sum3A_39 : vector<64xf32> to vector<1x64xf32>
    %div3A = arith.constant 1.000000e+04 : f32
    %div3A_40 = vector.broadcast %div3A : f32 to vector<1x64xf32>
    %div3A_41 = arith.divf %broadcast_in_dim3A, %div3A_40 : vector<1x64xf32>
    %sub3A_42 = vector.broadcast %div3A_41 : vector<1x64xf32> to vector<10000x64xf32>
    %sub3A_43 = arith.subf %add3A_38, %sub3A_42 : vector<10000x64xf32>
    %mul3A = arith.mulf %sub3A_43, %sub3A_43 : vector<10000x64xf32>
    %reduce_sum3A_44 = arith.constant dense<0.000000e+00> : vector<64xf32>
    %reduce_sum3A_45 = vector.multi_reduction <add>, %mul3A, %reduce_sum3A_44 [0] : vector<10000x64xf32> to vector<64xf32>
    %broadcast_in_dim3A_46 = vector.shape_cast %reduce_sum3A_45 : vector<64xf32> to vector<1x64xf32>
    %div3A_47 = arith.constant 1.000000e+04 : f32
    %div3A_48 = vector.broadcast %div3A_47 : f32 to vector<1x64xf32>
    %div3A_49 = arith.divf %broadcast_in_dim3A_46, %div3A_48 : vector<1x64xf32>
    %add3A_50 = arith.constant 9.99999974E-6 : f32
    %add3A_51 = vector.broadcast %add3A_50 : f32 to vector<1x64xf32>
    %add3A_52 = arith.addf %div3A_49, %add3A_51 : vector<1x64xf32>
    %sqrt3A = math.sqrt %add3A_52 : vector<1x64xf32>
    %div3A_53 = vector.broadcast %sqrt3A : vector<1x64xf32> to vector<10000x64xf32>
    %div3A_54 = arith.divf %sub3A_43, %div3A_53 : vector<10000x64xf32>
    %mul3A_55 = vector.broadcast %get3A_26 : vector<1x64xf32> to vector<10000x64xf32>
    %mul3A_56 = arith.mulf %div3A_54, %mul3A_55 : vector<10000x64xf32>
    %add3A_57 = vector.broadcast %get3A_29 : vector<1x64xf32> to vector<10000x64xf32>
    %add3A_58 = arith.addf %mul3A_56, %add3A_57 : vector<10000x64xf32>
    %max3A_59 = arith.constant 0.000000e+00 : f32
    %max3A_60 = vector.broadcast %max3A_59 : f32 to vector<10000x64xf32>
    %max3A_61 = arith.maximumf %add3A_58, %max3A_60 : vector<10000x64xf32>
    %swap3A = arith.constant 0 : index
    %swap3A_62 = arith.constant 0 : index
    %swap3A_63 = vector.load %arg8[%swap3A, %swap3A_62] : memref<10000x64xf32, #tpu.memory_space<vmem>>, vector<10000x64xf32>
    tpu.vector_store %arg8[%swap3A, %swap3A_62], %max3A_61 {strides = array<i32>} : memref<10000x64xf32, #tpu.memory_space<vmem>>, vector<10000x64xf32>,
    return
  }
}

module attributes {stable_mosaic.version = 14 : i64} {
  func.func @_last_body(%arg0: memref<10000x64xf32, #tpu.memory_space<vmem>>, %arg1: memref<2x10000x64xf32, #tpu.memory_space<vmem>>, %arg2: memref<64x64xf32, #tpu.memory_space<vmem>>, %arg3: memref<1x64xf32, #tpu.memory_space<vmem>>, %arg4: memref<64x64xf32, #tpu.memory_space<vmem>>, %arg5: memref<1x64xf32, #tpu.memory_space<vmem>>, %arg6: memref<1x64xf32, #tpu.memory_space<vmem>>, %arg7: memref<1x64xf32, #tpu.memory_space<vmem>>, %arg8: memref<10000x64xf32, #tpu.memory_space<vmem>>, %arg9: memref<1x10000xi32, #tpu.memory_space<vmem>>, %arg10: memref<192x64xf32, #tpu.memory_space<vmem>>, %arg11: memref<1x64xf32, #tpu.memory_space<vmem>>, %arg12: memref<64x32xf32, #tpu.memory_space<vmem>>, %arg13: memref<1x32xf32, #tpu.memory_space<vmem>>, %arg14: memref<32x2xf32, #tpu.memory_space<vmem>>, %arg15: memref<1x2xf32, #tpu.memory_space<vmem>>, %arg16: memref<64x2xf32, #tpu.memory_space<vmem>>) attributes {dimension_semantics = [], scalar_prefetch = 0 : i64, scratch_operands = 0 : i64, tpu.core_type = #tpu.core_type<tc>} {
    %get3A = arith.constant 0 : index
    %get3A_0 = arith.constant 0 : index
    %get3A_1 = vector.load %arg0[%get3A, %get3A_0] : memref<10000x64xf32, #tpu.memory_space<vmem>>, vector<10000x64xf32>
    %get3A_2 = arith.constant 0 : index
    %get3A_3 = arith.constant 0 : index
    %get3A_4 = arith.constant 0 : index
    %get3A_5 = vector.load %arg1[%get3A_2, %get3A_3, %get3A_4] : memref<2x10000x64xf32, #tpu.memory_space<vmem>>, vector<1x10000x64xf32>
    %get3A_6 = vector.shape_cast %get3A_5 : vector<1x10000x64xf32> to vector<10000x64xf32>
    %get3A_7 = arith.constant 1 : index
    %get3A_8 = arith.constant 0 : index
    %get3A_9 = arith.constant 0 : index
    %get3A_10 = vector.load %arg1[%get3A_7, %get3A_8, %get3A_9] : memref<2x10000x64xf32, #tpu.memory_space<vmem>>, vector<1x10000x64xf32>
    %get3A_11 = vector.shape_cast %get3A_10 : vector<1x10000x64xf32> to vector<10000x64xf32>
    %get3A_12 = arith.constant 0 : index
    %get3A_13 = arith.constant 0 : index
    %get3A_14 = vector.load %arg2[%get3A_12, %get3A_13] : memref<64x64xf32, #tpu.memory_space<vmem>>, vector<64x64xf32>
    %get3A_15 = arith.constant 0 : index
    %get3A_16 = arith.constant 0 : index
    %get3A_17 = vector.load %arg3[%get3A_15, %get3A_16] : memref<1x64xf32, #tpu.memory_space<vmem>>, vector<1x64xf32>
    %get3A_18 = arith.constant 0 : index
    %get3A_19 = arith.constant 0 : index
    %get3A_20 = vector.load %arg4[%get3A_18, %get3A_19] : memref<64x64xf32, #tpu.memory_space<vmem>>, vector<64x64xf32>
    %get3A_21 = arith.constant 0 : index
    %get3A_22 = arith.constant 0 : index
    %get3A_23 = vector.load %arg5[%get3A_21, %get3A_22] : memref<1x64xf32, #tpu.memory_space<vmem>>, vector<1x64xf32>
    %get3A_24 = arith.constant 0 : index
    %get3A_25 = arith.constant 0 : index
    %get3A_26 = vector.load %arg6[%get3A_24, %get3A_25] : memref<1x64xf32, #tpu.memory_space<vmem>>, vector<1x64xf32>
    %get3A_27 = arith.constant 0 : index
    %get3A_28 = arith.constant 0 : index
    %get3A_29 = vector.load %arg7[%get3A_27, %get3A_28] : memref<1x64xf32, #tpu.memory_space<vmem>>, vector<1x64xf32>
    %add3A = arith.addf %get3A_6, %get3A_11 : vector<10000x64xf32>
    %sub3A = arith.subf %add3A, %get3A_1 : vector<10000x64xf32>
    %dot_general3A = arith.constant dense<0.000000e+00> : vector<10000x64xf32>
    %dot_general3A_30 = tpu.matmul %sub3A, %get3A_14, %dot_general3A {dimension_numbers = #tpu.dot_dimension_numbers<[1], [0], [0], [1], [0, 0, 1, 1], [], []>, transpose_lhs_hint = false} : vector<10000x64xf32>, vector<64x64xf32>, vector<10000x64xf32> -> vector<10000x64xf32>
    %add3A_31 = vector.broadcast %get3A_17 : vector<1x64xf32> to vector<10000x64xf32>
    %add3A_32 = arith.addf %dot_general3A_30, %add3A_31 : vector<10000x64xf32>
    %max3A = arith.constant 0.000000e+00 : f32
    %max3A_33 = vector.broadcast %max3A : f32 to vector<10000x64xf32>
    %max3A_34 = arith.maximumf %add3A_32, %max3A_33 : vector<10000x64xf32>
    %dot_general3A_35 = arith.constant dense<0.000000e+00> : vector<10000x64xf32>
    %dot_general3A_36 = tpu.matmul %max3A_34, %get3A_20, %dot_general3A_35 {dimension_numbers = #tpu.dot_dimension_numbers<[1], [0], [0], [1], [0, 0, 1, 1], [], []>, transpose_lhs_hint = false} : vector<10000x64xf32>, vector<64x64xf32>, vector<10000x64xf32> -> vector<10000x64xf32>
    %add3A_37 = vector.broadcast %get3A_23 : vector<1x64xf32> to vector<10000x64xf32>
    %add3A_38 = arith.addf %dot_general3A_36, %add3A_37 : vector<10000x64xf32>
    %reduce_sum3A = arith.constant dense<0.000000e+00> : vector<64xf32>
    %reduce_sum3A_39 = vector.multi_reduction <add>, %add3A_38, %reduce_sum3A [0] : vector<10000x64xf32> to vector<64xf32>
    %broadcast_in_dim3A = vector.shape_cast %reduce_sum3A_39 : vector<64xf32> to vector<1x64xf32>
    %div3A = arith.constant 1.000000e+04 : f32
    %div3A_40 = vector.broadcast %div3A : f32 to vector<1x64xf32>
    %div3A_41 = arith.divf %broadcast_in_dim3A, %div3A_40 : vector<1x64xf32>
    %sub3A_42 = vector.broadcast %div3A_41 : vector<1x64xf32> to vector<10000x64xf32>
    %sub3A_43 = arith.subf %add3A_38, %sub3A_42 : vector<10000x64xf32>
    %mul3A = arith.mulf %sub3A_43, %sub3A_43 : vector<10000x64xf32>
    %reduce_sum3A_44 = arith.constant dense<0.000000e+00> : vector<64xf32>
    %reduce_sum3A_45 = vector.multi_reduction <add>, %mul3A, %reduce_sum3A_44 [0] : vector<10000x64xf32> to vector<64xf32>
    %broadcast_in_dim3A_46 = vector.shape_cast %reduce_sum3A_45 : vector<64xf32> to vector<1x64xf32>
    %div3A_47 = arith.constant 1.000000e+04 : f32
    %div3A_48 = vector.broadcast %div3A_47 : f32 to vector<1x64xf32>
    %div3A_49 = arith.divf %broadcast_in_dim3A_46, %div3A_48 : vector<1x64xf32>
    %add3A_50 = arith.constant 9.99999974E-6 : f32
    %add3A_51 = vector.broadcast %add3A_50 : f32 to vector<1x64xf32>
    %add3A_52 = arith.addf %div3A_49, %add3A_51 : vector<1x64xf32>
    %sqrt3A = math.sqrt %add3A_52 : vector<1x64xf32>
    %div3A_53 = vector.broadcast %sqrt3A : vector<1x64xf32> to vector<10000x64xf32>
    %div3A_54 = arith.divf %sub3A_43, %div3A_53 : vector<10000x64xf32>
    %mul3A_55 = vector.broadcast %get3A_26 : vector<1x64xf32> to vector<10000x64xf32>
    %mul3A_56 = arith.mulf %div3A_54, %mul3A_55 : vector<10000x64xf32>
    %add3A_57 = vector.broadcast %get3A_29 : vector<1x64xf32> to vector<10000x64xf32>
    %add3A_58 = arith.addf %mul3A_56, %add3A_57 : vector<10000x64xf32>
    %max3A_59 = arith.constant 0.000000e+00 : f32
    %max3A_60 = vector.broadcast %max3A_59 : f32 to vector<10000x64xf32>
    %max3A_61 = arith.maximumf %add3A_58, %max3A_60 : vector<10000x64xf32>
    %get3A_62 = arith.constant 0 : index
    %get3A_63 = arith.constant 0 : index
    %get3A_64 = vector.load %arg8[%get3A_62, %get3A_63] : memref<10000x64xf32, #tpu.memory_space<vmem>>, vector<10000x64xf32>
    %concatenate3A = tpu.concatenate %get3A_64, %get3A_1, %max3A_61 in 1 : vector<10000x64xf32>, vector<10000x64xf32>, vector<10000x64xf32> -> vector<10000x192xf32>
    %get3A_65 = arith.constant 0 : index
    %get3A_66 = arith.constant 0 : index
    %get3A_67 = vector.load %arg10[%get3A_65, %get3A_66] : memref<192x64xf32, #tpu.memory_space<vmem>>, vector<192x64xf32>
    %dot_general3A_68 = arith.constant dense<0.000000e+00> : vector<10000x64xf32>
    %dot_general3A_69 = tpu.matmul %concatenate3A, %get3A_67, %dot_general3A_68 {dimension_numbers = #tpu.dot_dimension_numbers<[1], [0], [0], [1], [0, 0, 1, 1], [], []>, transpose_lhs_hint = false} : vector<10000x192xf32>, vector<192x64xf32>, vector<10000x64xf32> -> vector<10000x64xf32>
    %get3A_70 = arith.constant 0 : index
    %get3A_71 = arith.constant 0 : index
    %get3A_72 = vector.load %arg11[%get3A_70, %get3A_71] : memref<1x64xf32, #tpu.memory_space<vmem>>, vector<1x64xf32>
    %add3A_73 = vector.broadcast %get3A_72 : vector<1x64xf32> to vector<10000x64xf32>
    %add3A_74 = arith.addf %dot_general3A_69, %add3A_73 : vector<10000x64xf32>
    %iota3A = tpu.iota {dimensions = array<i32: 0>} : vector<64x10000xi32>
    %get3A_75 = arith.constant 0 : index
    %get3A_76 = arith.constant 0 : index
    %get3A_77 = vector.load %arg9[%get3A_75, %get3A_76] : memref<1x10000xi32, #tpu.memory_space<vmem>>, vector<1x10000xi32>
    %eq3A = vector.broadcast %get3A_77 : vector<1x10000xi32> to vector<64x10000xi32>
    %eq3A_78 = arith.cmpi eq, %iota3A, %eq3A : vector<64x10000xi32>
    %convert_element_type3A = arith.extui %eq3A_78 : vector<64x10000xi1> to vector<64x10000xi32>
    %convert_element_type3A_79 = arith.sitofp %convert_element_type3A : vector<64x10000xi32> to vector<64x10000xf32>
    %dot_general3A_80 = arith.constant dense<0.000000e+00> : vector<64x64xf32>
    %dot_general3A_81 = tpu.matmul %convert_element_type3A_79, %add3A_74, %dot_general3A_80 {dimension_numbers = #tpu.dot_dimension_numbers<[1], [0], [0], [1], [0, 0, 1, 1], [], []>, precision = #tpu.contract_precision<fp32>, transpose_lhs_hint = false} : vector<64x10000xf32>, vector<10000x64xf32>, vector<64x64xf32> -> vector<64x64xf32>
    %get3A_82 = arith.constant 0 : index
    %get3A_83 = arith.constant 0 : index
    %get3A_84 = vector.load %arg12[%get3A_82, %get3A_83] : memref<64x32xf32, #tpu.memory_space<vmem>>, vector<64x32xf32>
    %dot_general3A_85 = arith.constant dense<0.000000e+00> : vector<64x32xf32>
    %dot_general3A_86 = tpu.matmul %dot_general3A_81, %get3A_84, %dot_general3A_85 {dimension_numbers = #tpu.dot_dimension_numbers<[1], [0], [0], [1], [0, 0, 1, 1], [], []>, transpose_lhs_hint = false} : vector<64x64xf32>, vector<64x32xf32>, vector<64x32xf32> -> vector<64x32xf32>
    %get3A_87 = arith.constant 0 : index
    %get3A_88 = arith.constant 0 : index
    %get3A_89 = vector.load %arg13[%get3A_87, %get3A_88] : memref<1x32xf32, #tpu.memory_space<vmem>>, vector<1x32xf32>
    %add3A_90 = vector.broadcast %get3A_89 : vector<1x32xf32> to vector<64x32xf32>
    %add3A_91 = arith.addf %dot_general3A_86, %add3A_90 : vector<64x32xf32>
    %max3A_92 = arith.constant 0.000000e+00 : f32
    %max3A_93 = vector.broadcast %max3A_92 : f32 to vector<64x32xf32>
    %max3A_94 = arith.maximumf %add3A_91, %max3A_93 : vector<64x32xf32>
    %get3A_95 = arith.constant 0 : index
    %get3A_96 = arith.constant 0 : index
    %get3A_97 = vector.load %arg14[%get3A_95, %get3A_96] : memref<32x2xf32, #tpu.memory_space<vmem>>, vector<32x2xf32>
    %dot_general3A_98 = arith.constant dense<0.000000e+00> : vector<64x2xf32>
    %dot_general3A_99 = tpu.matmul %max3A_94, %get3A_97, %dot_general3A_98 {dimension_numbers = #tpu.dot_dimension_numbers<[1], [0], [0], [1], [0, 0, 1, 1], [], []>, transpose_lhs_hint = false} : vector<64x32xf32>, vector<32x2xf32>, vector<64x2xf32> -> vector<64x2xf32>
    %get3A_100 = arith.constant 0 : index
    %get3A_101 = arith.constant 0 : index
    %get3A_102 = vector.load %arg15[%get3A_100, %get3A_101] : memref<1x2xf32, #tpu.memory_space<vmem>>, vector<1x2xf32>
    %add3A_103 = vector.broadcast %get3A_102 : vector<1x2xf32> to vector<64x2xf32>
    %add3A_104 = arith.addf %dot_general3A_99, %add3A_103 : vector<64x2xf32>
    %swap3A = arith.constant 0 : index
    %swap3A_105 = arith.constant 0 : index
    %swap3A_106 = vector.load %arg16[%swap3A, %swap3A_105] : memref<64x2xf32, #tpu.memory_space<vmem>>, vector<64x2xf32>
    tpu.vector_store %arg16[%swap3A, %swap3A_105], %add3A_104 {strides = array<i32>} : memref<64x2xf32, #tpu.memory_space<vmem>>, vector<64x2xf32>,
    return
  }
}

</mosaic_0001>

<sc_bundles>
// kernel: kernel.11.cloned.1.call-start
scs
__scs_entry_jumppad:
0x0: {  	(pc) =	sbr.rel $0x88, $3  }
0x1: {  	(tag) =	ssettag $0x0;
	lr =	simm.s32 $0x1  }
0x2: {  	[smem:$0x3F86] =	sst lr;
	_ =	strace $0xD0000000  }
0x3: {  	_ = 	snop  }
0x4: {  	_ = 	snop  }
0x5: {  	_ = 	snop  }
0x6: {  	_ = 	snop  }
0x7: {  	_ = 	snop  }
__scs_overlays_trampoline_lowered:
0x8: {  	[smem:$0x3F95] =	sst s0  }
0x9: {  	[smem:$0x3F96] =	sst s1  }
0xa: {  	[smem:$0x3F97] =	sst s2  }
0xb: {  	[smem:$0x3F98] =	sst s3  }
0xc: {  	[smem:$0x3F99] =	sst s4  }
0xd: {  	[smem:$0x3F9A] =	sst s5  }
0xe: {  	[smem:$0x3F9B] =	sst s6  }
0xf: {  	[smem:$0x3F9C] =	sst s7  }
0x10: {  	[smem:$0x3F9D] =	sst s8  }
0x11: {  	[smem:$0x3F9E] =	sst s9;
	s0 =	simm.s32 @!p0 $0x0  }
0x12: {  	s1 =	sld [smem:$0x3F84];
	s0 =	simm.s32 @p0 $0x1  }
0x13: {  	[smem:$0x3F9F] =	sst s0;
	s0 =	simm.s32 @!p1 $0x0  }
0x14: {  	s2 =	sld [smem:$0x3F83];
	s0 =	simm.s32 @p1 $0x1  }
0x15: {  	[smem:$0x3FA0] =	sst s0;
	s0 =	simm.s32 @!p2 $0x0  }
0x16: {  	s3 =	sld [smem:$0x3FDB];
	s0 =	simm.s32 @p2 $0x1  }
0x17: {  	s4 =	simm.s32 $0x1BF5;
	[smem:$0x3FA2] =	sst s0  }
0x18: {  	s0 =	sld [smem:$0x3F85];
	_ =	swait.ge [sflag:s4], $0x0  }
0x19: {  	s7 =	sld [smem:$0x3F86]  }
0x1a: {  	s8 =	sadd.s32 $0xFFFFE003, lr  }
0x1b: {  	s9 =	sadd.s32 $0xFFFFFEF7, lr;
	s5 =	simm.s32 $0xFFFFFFFF;
	p2 =	slt.u32 s8, $0xFFFFF086  }
0x1c: {  	p1 =	slt.u32 s9, $0xF7A;
	s5 =	simm.s32 @!p2 $0x0  }
0x1d: {  	s5 =	simm.s32 @p1 $0x1;
	p0 =	seq.s32 s7, s2  }
0x1e: {  	s7 =	smul.u32 @!p0 $0xF7A, s2;
	p2 =	seq.s32 @!p0 s5, $0x0  }
0x1f: {  	s9 =	smul.u32 $0xF7A, s1;
	s8 =	simm.s32 @!p0 $0x1BF5;
	p2 =	por !p2, p0  }
0x20: {  	[sflag:s8] =	ssyncset.s32 @!p0 $0xFFFFF086;
	s6 =	sadd.s32 @!p0 s3, s7;
	s7 =	simm.s32 @!p0 $0x108  }
0x21: {  	s3 =	sadd.s32 s3, s9;
	s6 =	sadd.s32 @!p0 $0x88, s6;
	s7 =	simm.s32 @p2 $0x1082  }
0x22: {  	[simem:s7], [sflag:s8] =	dma.local @!p0 [hbm:s6], $0xF7A  }
0x23: {  	s9 =	sor.u32 $0xD0000000, s2;
	s6 =	simm.s32 $0x108;
	_ =	swait.ge @!p0 [sflag:s8], $0x0  }
0x24: {  	s3 =	sadd.s32 $0x88, s3;
	s6 =	simm.s32 @!p1 $0x1082;
	[sflag:s4] =	ssyncset.s32 $0xFFFFF086  }
0x25: {  	[simem:s6], [sflag:s4] =	dma.local [hbm:s3], $0xF7A  }
0x26: {  	[smem:$0x3F86] =	sst s1;
	(tag) =	ssettag s2;
	_ =	strace s9  }
0x27: {  	s1 =	sld [smem:$0x3F96]  }
0x28: {  	s2 =	sld [smem:$0x3F97]  }
0x29: {  	s4 =	sld [smem:$0x3F99]  }
0x2a: {  	p0 =	seq.s32 s5, $0x0;
	s5 =	sld [smem:$0x3F9A]  }
0x2b: {  	s6 =	sld [smem:$0x3F9B]  }
0x2c: {  	s7 =	sld [smem:$0x3F9C]  }
0x2d: {  	s3 =	simm.s32 $0x108;
	s8 =	sld [smem:$0x3F9D]  }
0x2e: {  	s3 =	simm.s32 @!p0 $0x1082;
	s9 =	sld [smem:$0x3F9E]  }
0x2f: {  	lr =	sadd.s32 s0, s3;
	s0 =	sld [smem:$0x3F95]  }
0x30: {  	s3 =	sld [smem:$0x3F98]  }
0x31: {  	[smem:$0x3FA1] =	sst s10  }
0x32: {  	s10 =	sld [smem:$0x3F9F];
	_ =	sdelay $0x3  }
0x33: {  	p0 =	seq.s32 s10, $0x1;
	s10 =	sld [smem:$0x3FA1];
	_ =	sdelay $0x3  }
0x34: {  	[smem:$0x3FA1] =	sst s10  }
0x35: {  	s10 =	sld [smem:$0x3FA0];
	_ =	sdelay $0x3  }
0x36: {  	p1 =	seq.s32 s10, $0x1;
	s10 =	sld [smem:$0x3FA1];
	_ =	sdelay $0x3  }
0x37: {  	[smem:$0x3FA1] =	sst s10  }
0x38: {  	s10 =	sld [smem:$0x3FA2]  }
0x39: {  	_ = 	snop;
	(pc) =	sbr.ind lr, $3  }
0x3a: {  	_ = 	snop  }
0x3b: {  	_ = 	snop  }
0x3c: {  	p2 =	seq.s32 s10, $0x1;
	s10 =	sld [smem:$0x3FA1]  }
0x3d: {  	_ =	shalt  }
0x3e: {  	_ =	shalt  }
0x3f: {  	_ =	shalt  }
0x40: {  	_ =	shalt  }
0x41: {  	_ =	shalt  }
0x42: {  	_ =	shalt  }
0x43: {  	_ =	shalt  }
0x44: {  	_ =	shalt  }
0x45: {  	_ =	shalt  }
0x46: {  	_ =	shalt  }
0x47: {  	_ =	shalt  }
0x48: {  	_ =	shalt  }
0x49: {  	_ =	shalt  }
0x4a: {  	_ =	shalt  }
0x4b: {  	_ =	shalt  }
0x4c: {  	_ =	shalt  }
0x4d: {  	_ =	shalt  }
0x4e: {  	_ =	shalt  }
0x4f: {  	_ =	shalt  }
0x50: {  	_ =	shalt  }
0x51: {  	_ =	shalt  }
0x52: {  	_ =	shalt  }
0x53: {  	_ =	shalt  }
0x54: {  	_ =	shalt  }
0x55: {  	_ =	shalt  }
0x56: {  	_ =	shalt  }
0x57: {  	_ =	shalt  }
0x58: {  	_ =	shalt  }
0x59: {  	_ =	shalt  }
0x5a: {  	_ =	shalt  }
0x5b: {  	_ =	shalt  }
0x5c: {  	_ =	shalt  }
0x5d: {  	_ =	shalt  }
0x5e: {  	_ =	shalt  }
0x5f: {  	_ =	shalt  }
0x60: {  	_ =	shalt  }
0x61: {  	_ =	shalt  }
0x62: {  	_ =	shalt  }
0x63: {  	_ =	shalt  }
0x64: {  	_ =	shalt  }
0x65: {  	_ =	shalt  }
0x66: {  	_ =	shalt  }
0x67: {  	_ =	shalt  }
0x68: {  	_ =	shalt  }
0x69: {  	_ =	shalt  }
0x6a: {  	_ =	shalt  }
0x6b: {  	_ =	shalt  }
0x6c: {  	_ =	shalt  }
0x6d: {  	_ =	shalt  }
0x6e: {  	_ =	shalt  }
0x6f: {  	_ =	shalt  }
0x70: {  	_ =	shalt  }
0x71: {  	_ =	shalt  }
0x72: {  	_ =	shalt  }
0x73: {  	_ =	shalt  }
0x74: {  	_ =	shalt  }
0x75: {  	_ =	shalt  }
0x76: {  	_ =	shalt  }
0x77: {  	_ =	shalt  }
0x78: {  	_ =	shalt  }
0x79: {  	_ =	shalt  }
0x7a: {  	_ =	shalt  }
0x7b: {  	_ =	shalt  }
0x7c: {  	_ =	shalt  }
0x7d: {  	_ =	shalt  }
0x7e: {  	_ =	shalt  }
0x7f: {  	_ =	shalt  }
0x80: {  	_ =	shalt  }
0x81: {  	_ =	shalt  }
0x82: {  	_ =	shalt  }
0x83: {  	_ =	shalt  }
0x84: {  	_ =	shalt  }
0x85: {  	_ =	shalt  }
0x86: {  	_ =	shalt  }
0x87: {  	_ =	shalt  }
.Lfunc_end0:
.L_simem_size_0:
called_computation.1_lowered:
.L_overlay_start_0:
0x88: {  	s2 =	sld [smem:$0x3FD9]  }
0x89: {  	s3 =	sld [smem:$0x3FFE];
	_ =	sdelay $0x1  }
0x8a: {  	s1 =	srdreg.scid  }
0x8b: {  	s0 =	sand.u32 $0x1, s1  }
0x8c: {  	s16 =	sshll.u32 s0, $0xA;
	s2 =	sadd.s32 s3, s2  }
0x8d: {  	s2 =	sadd.s32 s2, s16  }
0x8e: {  	[smem:$0x3FAD] =	sst s2  }
0x8f: {  	_ = 	snop  }
0x90: {  	(tm) =	ssettm $0x1  }
0x91: {  	s17 =	sld [smem:$0x3FFB];
	_ =	sdelay $0x3  }
0x92: {  	_ =	strace s17  }
0x93: {  	s2 =	sld [smem:$0x3FFC];
	_ =	sdelay $0x3  }
0x94: {  	_ =	strace s2  }
0x95: {  	s2 =	sld [smem:$0x3FFD];
	_ =	sdelay $0x3  }
0x96: {  	_ =	strace s2  }
0x97: {  	_ =	strace $0x8FFFFFFF  }
0x98: {  	s18 =	sld [smem:$0x3FDB];
	_ =	sdelay $0x1  }
0x99: {  	s19 =	simm.s32 $_scs_section_size  }
0x9a: {  	s4 =	simm.s32 $_size__tile_overlayer_lowered;
	s5 =	simm.s32 $_tile_overlayer_lowered  }
0x9b: {  	s22 =	simm.s32 $0x1BFF;
	s21 =	sshll.u32 s5, $0x1;
	s2 =	sadd.s32 s19, s18  }
0x9c: {  	s6 =	simm.s32 $0x0;
	s20 =	sshll.u32 s4, $0x1;
	s4 =	sadd.s32 s21, s2  }
0x9d: {  	[timem:s6], [sflag:s22] =	dma.local [hbm:s4], s20  }
0x9e: {  	_ =	swait.ge [sflag:s22], s20  }
0x9f: {  	s3 =	ssub.s32 $0x0, s20;
	[sflag:s22] =	ssyncset.done $0x0  }
0xa0: {  	[sflag:s22] =	ssyncadd.s32 s3;
	_ =	sdelay $0x1  }
0xa1: {  	s23 =	simm.s32 $0x1B8B  }
0xa2: {  	_ =	swait.ge [sflag:s23], $0x1  }
0xa3: {  	[sflag:s23] =	ssyncset.done $0x0  }
0xa4: {  	s25 =	simm.s32 $0x1B8E;
	s24 =	sld [smem:$0x3FFE];
	[sflag:s23] =	ssyncadd.s32 $0xFFFFFFFF  }
0xa5: {  	s26 =	simm.s32 $execute0_lowered;
	[smem:$0x3FD2] =	sst s25  }
0xa6: {  	s4 =	sshll.u32 s26, $0x1;
	_ =	strace $0x80000049;
	[dreg:$0x1] =	wrdreg $0xFFFFFFFF  }
0xa7: {  	s28 =	simm.s32 $_size_execute0_lowered;
	s2 =	sadd.s32 s2, s4;
	[dreg:$0x0] =	wrdreg $0x0  }
0xa8: {  	s4 =	sshll.u32 s28, $0x1;
	[dreg:$0x2] =	wrdreg s2  }
0xa9: {  	[dreg:$0x3] =	wrdreg s4  }
0xaa: {  	[dreg:$0x4] =	wrdreg $0xC0  }
0xab: {  	_ =	task [dreg:s6], $0x5FFFF  }
0xac: {  	[dreg:$0x1] =	wrdreg $0xFFFFFFFF  }
0xad: {  	[dreg:$0x0] =	wrdreg $0x60  }
0xae: {  	[dreg:$0x2] =	wrdreg s24  }
0xaf: {  	[dreg:$0x3] =	wrdreg $0xEE200  }
0xb0: {  	[dreg:$0x4] =	wrdreg $0x9  }
0xb1: {  	_ =	task.clear_ibuf [dreg:s6], $0x5FFFF;
	_ =	strace $0x90000049  }
0xb2: {  	s29 =	simm.s32 $0x9;
	_ =	strace $0x8000004B  }
0xb3: {  	_ =	swait.ge [sflag:s29], $0x1  }
0xb4: {  	[sflag:s29] =	ssyncadd.s32 $0xFFFFFFFF  }
0xb5: {  	_ =	strace $0x9000004B  }
0xb6: {  	_ =	sfence  }
0xb7: {  	s30 =	sld [smem:$0x0];
	_ =	sdelay $0x2  }
0xb8: {  	s31 =	sshll.u32 s1, $0xD;
	s1 =	sshrl.u32 s1, $0x2  }
0xb9: {  	s3 =	sand.u32 $0x4000, s31;
	s1 =	sadd.s32 s1, s30  }
0xba: {  	s0 =	sor.u32 s3, s0;
	s1 =	sshll.u32 s1, $0x11  }
0xbb: {  	s0 =	sor.u32 s1, s0  }
0xbc: {  	s0 =	sadd.s32 $0x8F2B, s0  }
0xbd: {  	[sflag:s0] =	ssyncadd.remote.s32 $0x1  }
0xbe: {  	_ =	sfence.sel $0xFFFF  }
0xbf: {  	[dreg:$0x0] =	wrdreg $0xFFFFFFFF;
	(pc) =	sbr.abs _section_cstart, $3  }
0xc0: {  	[dreg:$0x1] =	wrdreg $0xFFFFFFFF  }
0xc1: {  	_ =	task.clear_ibuf [dreg:s6], $0x2FFFF;
	_ =	strace $0x9FFFFFFF  }
0xc2: {  	(tm) =	ssettm $0x7FFFFFFF  }
0xc3: {  	_ =	shalt  }
tec
execute0_lowered:
.L_overlay_start_1:
0x0: {  	(tag) =	ssettag $0x1  }
0x1: {  	s0 =	srdreg.scid;
	s1 =	rddreg [dreg:$0x0]  }
0x2: {  	s2 =	rddreg [dreg:$0x1];
	s13 =	stileid.u32  }
0x3: {  	s3 =	simm.s32 $0x0;
	s15 =	simm.s32 $0x9;
	s17 =	simm.s32 $0x50  }
0x4: {  	s18 =	simm.s32 $0x4E20;
	s19 =	simm.s32 $0x6220;
	s20 =	simm.s32 $0xA0  }
0x5: {  	s21 =	simm.s32 $0x7620;
	s23 =	simm.s32 $0x8A20;
	s28 =	simm.s32 $0xB220  }
0x6: {  	s30 =	simm.s32 $0xC620;
	s16 =	simm.s32 $0x2;
	s22 =	simm.s32 $0x3  }
0x7: {  	s24 =	simm.s32 $0x4;
	s29 =	simm.s32 $0x6;
	s31 =	simm.s32 $0x7  }
0x8: {  	s0 =	sand.u32 $0x1, s0;
	[smem:$0x7FF] =	sst s3;
	s8 =	smul.u32 $0x9E00, s13  }
0x9: {  	s9 =	sadd.s32 $0x2BC00, s1;
	s12 =	sadd.s32 $0x94200, s2;
	p0 =	seq.s32 s13, $0xF  }
0xa: {  	s4 =	sshll.u32 s0, $0x4;
	_ =	strace $0x8000004A;
	s6 =	ssub.s32 $0x2, s0  }
0xb: {  	s0 =	smul.u32 $0x9C400, s0;
	s12 =	sshrl.u32 @p0 s12, $0x3;
	s4 =	sor.u32 s13, s4  }
0xc: {  	s7 =	sshrl.u32 s6, $0x1;
	s10 =	sshrl.u32 s8, $0x3;
	s5 =	smul.u32 $0x2710, s4  }
0xd: {  	s4 =	sadd.s32 $0x18200, s1;
	s6 =	ssub.s32 s6, s7;
	s7 =	sadd.s32 s8, s2  }
0xe: {  	s26 =	sadd.s32 s8, s0;
	s0 =	sshrl.u32 s0, $0x3;
	s10 =	sadd.s32 s4, s10  }
0xf: {  	s0 =	sadd.s32 s9, s0;
	s11 =	smax.u32 s6, $0x1;
	s14 =	sshrl.u32 @!p0 s7, $0x3  }
0x10: {  	s6 =	simm.s32 $0x0;
	s5 =	sshrl.u32 s5, $0x3;
	[dreg:$0x3] =	wrdreg s10  }
0x11: {  	s10 =	sadd.s32 $0x12840, s0;
	s0 =	sshll.u32 @!p0 s13, $0x6;
	s5 =	sadd.s32 s5, s1  }
0x12: {  	s1 =	sadd.s32 $0x2AA40, s1;
	s13 =	sor.u32 @!p0 $0x1C09, s0;
	s0 =	simm.s32 $0xDA20  }
0x13: {  	[dreg:$0x4] =	wrdreg s1;
	s25 =	sadd.s32 $0x4800, s5;
	s5 =	sadd.s32 $0xE440, s5  }
0x14: {  	s1 =	sshrl.u32 s26, $0x3;
	s26 =	simm.s32 $0x5;
	[dreg:$0x5] =	wrdreg s25  }
0x15: {  	[dreg:$0x6] =	wrdreg s5;
	s1 =	sadd.s32 s9, s1;
	s25 =	simm.s32 $0x9E20  }
0x16: {  	s5 =	simm.s32 $0x8;
	[dreg:$0x7] =	wrdreg s1;
	s1 =	simm.s32 $0x1  }
.LBB2_1:
0x17: {  	s7 =	simm.s32 @p0 $0x1FC9;
	s8 =	rddreg [dreg:$0x4]  }
0x18: {  	[spmem:s12], [sflag:s7] =	dma.local @p0 [hbm:s8], $0x1040  }
0x19: {  	s7 =	simm.s32 @p0 $0x9  }
0x1a: {  	_ =	swait.ge @p0 [sflag:s7], $0x1040  }
0x1b: {  	[sflag:s7] =	ssyncset.done @p0 $0x0  }
0x1c: {  	[sflag:s7] =	ssyncadd.s32 @p0 $0xFFFFEFC0;
	s7 =	rddreg [dreg:$0x3]  }
0x1d: {  	[spmem:s14], [sflag:s13] =	dma.local @!p0 [hbm:s7], $0x13C0  }
0x1e: {  	s7 =	simm.s32 @!p0 $0x9  }
0x1f: {  	_ =	swait.ge @!p0 [sflag:s7], $0x13C0  }
0x20: {  	[sflag:s7] =	ssyncset.done @!p0 $0x0  }
0x21: {  	s9 =	rddreg [dreg:$0x5];
	[sflag:s7] =	ssyncadd.s32 @!p0 $0xFFFFEC40  }
0x22: {  	[tilespmem:s3], [sflag:$0x9] =	stream.linear.gather [hbm4b:s9+s3], $0x2710, $0x38;
	[tilespmem:$0x18A60] =	vst v63  }
0x23: {  	_ =	swait.ge [sflag:s15], $0x2710  }
0x24: {  	[sflag:s15] =	ssyncset.done $0x0  }
0x25: {  	s9 =	simm.s32 $0x2710;
	s8 =	rddreg [dreg:$0x6];
	[sflag:s15] =	ssyncadd.s32 $0xFFFFD8F0  }
0x26: {  	[tilespmem:s9], [sflag:$0x9] =	stream.linear.gather [hbm4b:s8+s3], $0x2710, $0x38;
	[tilespmem:$0x18A60] =	vst v63  }
0x27: {  	_ =	swait.ge [sflag:s15], $0x2710  }
0x28: {  	[sflag:s15] =	ssyncset.done $0x0  }
0x29: {  	[sflag:s15] =	ssyncadd.s32 $0xFFFFD8F0  }
0x2a: {  	[bflag:$0x0] =	sbarrier.arrive $0xFFFF  }
0x2b: {  	[tilespmem:s18], [sflag:$0x1] =	stream.indirect.gather [hbm4b:s4+s17], $0x40, s3, s17, $0xb8;
	[tilespmem:$0x18A60] =	vst v63  }
0x2c: {  	_ = 	snop  }
0x2d: {  	[tilespmem:s19], [sflag:$0x2] =	stream.indirect.gather [hbm4b:s4+s17], $0x40, s17, s17, $0xb8;
	[tilespmem:$0x18A60] =	vst v63  }
0x2e: {  	_ = 	snop  }
0x2f: {  	[tilespmem:s21], [sflag:$0x3] =	stream.indirect.gather [hbm4b:s4+s17], $0x40, s20, s17, $0xb8;
	[tilespmem:$0x18A60] =	vst v63  }
0x30: {  	s8 =	simm.s32 $0xF0  }
0x31: {  	[tilespmem:s23], [sflag:$0x4] =	stream.indirect.gather [hbm4b:s4+s17], $0x40, s8, s17, $0xb8;
	[tilespmem:$0x18A60] =	vst v63  }
0x32: {  	s9 =	simm.s32 $0x140  }
0x33: {  	[tilespmem:s25], [sflag:$0x5] =	stream.indirect.gather [hbm4b:s4+s17], $0x40, s9, s17, $0xb8;
	[tilespmem:$0x18A60] =	vst v63  }
0x34: {  	s8 =	simm.s32 $0x190  }
0x35: {  	[tilespmem:s28], [sflag:$0x6] =	stream.indirect.gather [hbm4b:s4+s17], $0x40, s8, s17, $0xb8;
	[tilespmem:$0x18A60] =	vst v63  }
0x36: {  	s9 =	simm.s32 $0x1E0  }
0x37: {  	[tilespmem:s30], [sflag:$0x7] =	stream.indirect.gather [hbm4b:s4+s17], $0x40, s9, s17, $0xb8;
	[tilespmem:$0x18A60] =	vst v63  }
0x38: {  	s8 =	simm.s32 $0x230  }
0x39: {  	[tilespmem:s0], [sflag:$0x8] =	stream.indirect.gather [hbm4b:s4+s17], $0x40, s8, s17, $0xb8;
	[tilespmem:$0x18A60] =	vst v63  }
0x3a: {  	_ =	swait.ge [sflag:s1], $0x1400  }
0x3b: {  	[sflag:s1] =	ssyncset.done $0x0  }
0x3c: {  	s9 =	simm.s32 $0x2710;
	[sflag:s1] =	ssyncadd.s32 $0xFFFFEC00  }
0x3d: {  	[spmem:s2] =	stream.indirect.scatter.add.f32 [tilespmem:s18], [sflag:$0x9], $0x40, s9, s17, $0xb8;
	[tilespmem:$0x18A60] =	vst v63  }
0x3e: {  	_ =	swait.ge [sflag:s15], $0x1400  }
0x3f: {  	[sflag:s15] =	ssyncset.done $0x0  }
0x40: {  	s8 =	simm.s32 $0x280;
	[sflag:s15] =	ssyncadd.s32 $0xFFFFEC00  }
0x41: {  	[tilespmem:s18], [sflag:$0x1] =	stream.indirect.gather [hbm4b:s4+s17], $0x40, s8, s17, $0xb8;
	[tilespmem:$0x18A60] =	vst v63  }
0x42: {  	_ =	swait.ge [sflag:s16], $0x1400  }
0x43: {  	[sflag:s16] =	ssyncset.done $0x0  }
0x44: {  	s9 =	simm.s32 $0x2760;
	[sflag:s16] =	ssyncadd.s32 $0xFFFFEC00  }
0x45: {  	[spmem:s2] =	stream.indirect.scatter.add.f32 [tilespmem:s19], [sflag:$0x9], $0x40, s9, s17, $0xb8;
	[tilespmem:$0x18A60] =	vst v63  }
0x46: {  	_ =	swait.ge [sflag:s15], $0x1400  }
0x47: {  	[sflag:s15] =	ssyncset.done $0x0  }
0x48: {  	s8 =	simm.s32 $0x2D0;
	[sflag:s15] =	ssyncadd.s32 $0xFFFFEC00  }
0x49: {  	[tilespmem:s19], [sflag:$0x2] =	stream.indirect.gather [hbm4b:s4+s17], $0x40, s8, s17, $0xb8;
	[tilespmem:$0x18A60] =	vst v63  }
0x4a: {  	_ =	swait.ge [sflag:s22], $0x1400  }
0x4b: {  	[sflag:s22] =	ssyncset.done $0x0  }
0x4c: {  	s9 =	simm.s32 $0x27B0;
	[sflag:s22] =	ssyncadd.s32 $0xFFFFEC00  }
0x4d: {  	[spmem:s2] =	stream.indirect.scatter.add.f32 [tilespmem:s21], [sflag:$0x9], $0x40, s9, s17, $0xb8;
	[tilespmem:$0x18A60] =	vst v63  }
0x4e: {  	_ =	swait.ge [sflag:s15], $0x1400  }
0x4f: {  	[sflag:s15] =	ssyncset.done $0x0  }
0x50: {  	s8 =	simm.s32 $0x320;
	[sflag:s15] =	ssyncadd.s32 $0xFFFFEC00  }
0x51: {  	[tilespmem:s21], [sflag:$0x3] =	stream.indirect.gather [hbm4b:s4+s17], $0x40, s8, s17, $0xb8;
	[tilespmem:$0x18A60] =	vst v63  }
0x52: {  	_ =	swait.ge [sflag:s24], $0x1400  }
0x53: {  	[sflag:s24] =	ssyncset.done $0x0  }
0x54: {  	s9 =	simm.s32 $0x2800;
	[sflag:s24] =	ssyncadd.s32 $0xFFFFEC00  }
0x55: {  	[spmem:s2] =	stream.indirect.scatter.add.f32 [tilespmem:s23], [sflag:$0x9], $0x40, s9, s17, $0xb8;
	[tilespmem:$0x18A60] =	vst v63  }
0x56: {  	_ =	swait.ge [sflag:s15], $0x1400  }
0x57: {  	[sflag:s15] =	ssyncset.done $0x0  }
0x58: {  	s8 =	simm.s32 $0x370;
	[sflag:s15] =	ssyncadd.s32 $0xFFFFEC00  }
0x59: {  	[tilespmem:s23], [sflag:$0x4] =	stream.indirect.gather [hbm4b:s4+s17], $0x40, s8, s17, $0xb8;
	[tilespmem:$0x18A60] =	vst v63  }
0x5a: {  	_ =	swait.ge [sflag:s26], $0x1400  }
0x5b: {  	[sflag:s26] =	ssyncset.done $0x0  }
0x5c: {  	s9 =	simm.s32 $0x2850;
	[sflag:s26] =	ssyncadd.s32 $0xFFFFEC00  }
0x5d: {  	[spmem:s2] =	stream.indirect.scatter.add.f32 [tilespmem:s25], [sflag:$0x9], $0x40, s9, s17, $0xb8;
	[tilespmem:$0x18A60] =	vst v63  }
0x5e: {  	_ =	swait.ge [sflag:s15], $0x1400  }
0x5f: {  	[sflag:s15] =	ssyncset.done $0x0  }
0x60: {  	s8 =	simm.s32 $0x3C0;
	[sflag:s15] =	ssyncadd.s32 $0xFFFFEC00  }
0x61: {  	[tilespmem:s25], [sflag:$0x5] =	stream.indirect.gather [hbm4b:s4+s17], $0x40, s8, s17, $0xb8;
	[tilespmem:$0x18A60] =	vst v63  }
0x62: {  	_ =	swait.ge [sflag:s29], $0x1400  }
0x63: {  	[sflag:s29] =	ssyncset.done $0x0  }
0x64: {  	s9 =	simm.s32 $0x28A0;
	[sflag:s29] =	ssyncadd.s32 $0xFFFFEC00  }
0x65: {  	[spmem:s2] =	stream.indirect.scatter.add.f32 [tilespmem:s28], [sflag:$0x9], $0x40, s9, s17, $0xb8;
	[tilespmem:$0x18A60] =	vst v63  }
0x66: {  	_ =	swait.ge [sflag:s15], $0x1400  }
0x67: {  	[sflag:s15] =	ssyncset.done $0x0  }
0x68: {  	s8 =	simm.s32 $0x410;
	[sflag:s15] =	ssyncadd.s32 $0xFFFFEC00  }
0x69: {  	[tilespmem:s28], [sflag:$0x6] =	stream.indirect.gather [hbm4b:s4+s17], $0x40, s8, s17, $0xb8;
	[tilespmem:$0x18A60] =	vst v63  }
0x6a: {  	_ =	swait.ge [sflag:s31], $0x1400  }
0x6b: {  	[sflag:s31] =	ssyncset.done $0x0  }
0x6c: {  	s9 =	simm.s32 $0x28F0;
	[sflag:s31] =	ssyncadd.s32 $0xFFFFEC00  }
0x6d: {  	[spmem:s2] =	stream.indirect.scatter.add.f32 [tilespmem:s30], [sflag:$0x9], $0x40, s9, s17, $0xb8;
	[tilespmem:$0x18A60] =	vst v63  }
0x6e: {  	_ =	swait.ge [sflag:s15], $0x1400  }
0x6f: {  	[sflag:s15] =	ssyncset.done $0x0  }
0x70: {  	s8 =	simm.s32 $0x460;
	[sflag:s15] =	ssyncadd.s32 $0xFFFFEC00  }
0x71: {  	[tilespmem:s30], [sflag:$0x7] =	stream.indirect.gather [hbm4b:s4+s17], $0x40, s8, s17, $0xb8;
	[tilespmem:$0x18A60] =	vst v63  }
0x72: {  	_ =	swait.ge [sflag:s5], $0x1400  }
0x73: {  	[sflag:s5] =	ssyncset.done $0x0  }
0x74: {  	s9 =	simm.s32 $0x2940;
	[sflag:s5] =	ssyncadd.s32 $0xFFFFEC00  }
0x75: {  	[spmem:s2] =	stream.indirect.scatter.add.f32 [tilespmem:s0], [sflag:$0x9], $0x40, s9, s17, $0xb8;
	[tilespmem:$0x18A60] =	vst v63  }
0x76: {  	_ =	swait.ge [sflag:s15], $0x1400  }
0x77: {  	[sflag:s15] =	ssyncset.done $0x0  }
0x78: {  	s7 =	simm.s32 $0xA00;
	s8 =	simm.s32 $0x4B0;
	[sflag:s15] =	ssyncadd.s32 $0xFFFFEC00  }
.LBB2_2:
0x79: {  	[tilespmem:s0], [sflag:$0x8] =	stream.indirect.gather [hbm4b:s4+s17], $0x40, s8, s17, $0xb8;
	[tilespmem:$0x18A60] =	vst v63  }
0x7a: {  	s8 =	smov.u32 s7;
	s7 =	sadd.s32 $0xA00, s7;
	_ =	swait.ge [sflag:s1], $0x1400  }
0x7b: {  	s8 =	sshra.s32 s8, $0x2;
	p1 =	sne.s32 s7, $0x8C00;
	[sflag:s1] =	ssyncset.done $0x0  }
0x7c: {  	s9 =	sadd.s32 $0x2710, s8;
	[sflag:s1] =	ssyncadd.s32 $0xFFFFEC00  }
0x7d: {  	[spmem:s2] =	stream.indirect.scatter.add.f32 [tilespmem:s18], [sflag:$0x9], $0x40, s9, s17, $0xb8;
	[tilespmem:$0x18A60] =	vst v63  }
0x7e: {  	_ =	swait.ge [sflag:s15], $0x1400  }
0x7f: {  	[sflag:s15] =	ssyncset.done $0x0  }
0x80: {  	s9 =	sadd.s32 $0x280, s8;
	[sflag:s15] =	ssyncadd.s32 $0xFFFFEC00  }
0x81: {  	[tilespmem:s18], [sflag:$0x1] =	stream.indirect.gather [hbm4b:s4+s17], $0x40, s9, s17, $0xb8;
	[tilespmem:$0x18A60] =	vst v63  }
0x82: {  	_ =	swait.ge [sflag:s16], $0x1400  }
0x83: {  	[sflag:s16] =	ssyncset.done $0x0  }
0x84: {  	s9 =	sadd.s32 $0x2760, s8;
	[sflag:s16] =	ssyncadd.s32 $0xFFFFEC00  }
0x85: {  	[spmem:s2] =	stream.indirect.scatter.add.f32 [tilespmem:s19], [sflag:$0x9], $0x40, s9, s17, $0xb8;
	[tilespmem:$0x18A60] =	vst v63  }
0x86: {  	_ =	swait.ge [sflag:s15], $0x1400  }
0x87: {  	[sflag:s15] =	ssyncset.done $0x0  }
0x88: {  	s9 =	sadd.s32 $0x2D0, s8;
	[sflag:s15] =	ssyncadd.s32 $0xFFFFEC00  }
0x89: {  	[tilespmem:s19], [sflag:$0x2] =	stream.indirect.gather [hbm4b:s4+s17], $0x40, s9, s17, $0xb8;
	[tilespmem:$0x18A60] =	vst v63  }
0x8a: {  	_ =	swait.ge [sflag:s22], $0x1400  }
0x8b: {  	[sflag:s22] =	ssyncset.done $0x0  }
0x8c: {  	s9 =	sadd.s32 $0x27B0, s8;
	[sflag:s22] =	ssyncadd.s32 $0xFFFFEC00  }
0x8d: {  	[spmem:s2] =	stream.indirect.scatter.add.f32 [tilespmem:s21], [sflag:$0x9], $0x40, s9, s17, $0xb8;
	[tilespmem:$0x18A60] =	vst v63  }
0x8e: {  	_ =	swait.ge [sflag:s15], $0x1400  }
0x8f: {  	[sflag:s15] =	ssyncset.done $0x0  }
0x90: {  	s9 =	sadd.s32 $0x320, s8;
	[sflag:s15] =	ssyncadd.s32 $0xFFFFEC00  }
0x91: {  	[tilespmem:s21], [sflag:$0x3] =	stream.indirect.gather [hbm4b:s4+s17], $0x40, s9, s17, $0xb8;
	[tilespmem:$0x18A60] =	vst v63  }
0x92: {  	_ =	swait.ge [sflag:s24], $0x1400  }
0x93: {  	[sflag:s24] =	ssyncset.done $0x0  }
0x94: {  	s9 =	sadd.s32 $0x2800, s8;
	[sflag:s24] =	ssyncadd.s32 $0xFFFFEC00  }
0x95: {  	[spmem:s2] =	stream.indirect.scatter.add.f32 [tilespmem:s23], [sflag:$0x9], $0x40, s9, s17, $0xb8;
	[tilespmem:$0x18A60] =	vst v63  }
0x96: {  	_ =	swait.ge [sflag:s15], $0x1400  }
0x97: {  	[sflag:s15] =	ssyncset.done $0x0  }
0x98: {  	s9 =	sadd.s32 $0x370, s8;
	[sflag:s15] =	ssyncadd.s32 $0xFFFFEC00  }
0x99: {  	[tilespmem:s23], [sflag:$0x4] =	stream.indirect.gather [hbm4b:s4+s17], $0x40, s9, s17, $0xb8;
	[tilespmem:$0x18A60] =	vst v63  }
0x9a: {  	_ =	swait.ge [sflag:s26], $0x1400  }
0x9b: {  	[sflag:s26] =	ssyncset.done $0x0  }
0x9c: {  	s9 =	sadd.s32 $0x2850, s8;
	[sflag:s26] =	ssyncadd.s32 $0xFFFFEC00  }
0x9d: {  	[spmem:s2] =	stream.indirect.scatter.add.f32 [tilespmem:s25], [sflag:$0x9], $0x40, s9, s17, $0xb8;
	[tilespmem:$0x18A60] =	vst v63  }
0x9e: {  	_ =	swait.ge [sflag:s15], $0x1400  }
0x9f: {  	[sflag:s15] =	ssyncset.done $0x0  }
0xa0: {  	s9 =	sadd.s32 $0x3C0, s8;
	[sflag:s15] =	ssyncadd.s32 $0xFFFFEC00  }
0xa1: {  	[tilespmem:s25], [sflag:$0x5] =	stream.indirect.gather [hbm4b:s4+s17], $0x40, s9, s17, $0xb8;
	[tilespmem:$0x18A60] =	vst v63  }
0xa2: {  	_ =	swait.ge [sflag:s29], $0x1400  }
0xa3: {  	[sflag:s29] =	ssyncset.done $0x0  }
0xa4: {  	s9 =	sadd.s32 $0x28A0, s8;
	[sflag:s29] =	ssyncadd.s32 $0xFFFFEC00  }
0xa5: {  	[spmem:s2] =	stream.indirect.scatter.add.f32 [tilespmem:s28], [sflag:$0x9], $0x40, s9, s17, $0xb8;
	[tilespmem:$0x18A60] =	vst v63  }
0xa6: {  	_ =	swait.ge [sflag:s15], $0x1400  }
0xa7: {  	[sflag:s15] =	ssyncset.done $0x0  }
0xa8: {  	s9 =	sadd.s32 $0x410, s8;
	[sflag:s15] =	ssyncadd.s32 $0xFFFFEC00  }
0xa9: {  	[tilespmem:s28], [sflag:$0x6] =	stream.indirect.gather [hbm4b:s4+s17], $0x40, s9, s17, $0xb8;
	[tilespmem:$0x18A60] =	vst v63  }
0xaa: {  	_ =	swait.ge [sflag:s31], $0x1400  }
0xab: {  	[sflag:s31] =	ssyncset.done $0x0  }
0xac: {  	s9 =	sadd.s32 $0x28F0, s8;
	[sflag:s31] =	ssyncadd.s32 $0xFFFFEC00  }
0xad: {  	[spmem:s2] =	stream.indirect.scatter.add.f32 [tilespmem:s30], [sflag:$0x9], $0x40, s9, s17, $0xb8;
	[tilespmem:$0x18A60] =	vst v63  }
0xae: {  	_ =	swait.ge [sflag:s15], $0x1400  }
0xaf: {  	[sflag:s15] =	ssyncset.done $0x0  }
0xb0: {  	s9 =	sadd.s32 $0x460, s8;
	[sflag:s15] =	ssyncadd.s32 $0xFFFFEC00  }
0xb1: {  	[tilespmem:s30], [sflag:$0x7] =	stream.indirect.gather [hbm4b:s4+s17], $0x40, s9, s17, $0xb8;
	[tilespmem:$0x18A60] =	vst v63  }
0xb2: {  	_ =	swait.ge [sflag:s5], $0x1400  }
0xb3: {  	[sflag:s5] =	ssyncset.done $0x0  }
.Ltmp0:
0xb4: {  	s9 =	sadd.s32 $0x2940, s8;
	[sflag:s5] =	ssyncadd.s32 $0xFFFFEC00;
	(pc) =	sbr.rel @p1 .LBB2_2-.Ltmp0, $4  }
0xb5: {  	[spmem:s2] =	stream.indirect.scatter.add.f32 [tilespmem:s0], [sflag:$0x9], $0x40, s9, s17, $0xb8;
	[tilespmem:$0x18A60] =	vst v63  }
0xb6: {  	_ =	swait.ge [sflag:s15], $0x1400  }
0xb7: {  	[sflag:s15] =	ssyncset.done $0x0  }
0xb8: {  	s8 =	sadd.s32 $0x4B0, s8;
	[sflag:s15] =	ssyncadd.s32 $0xFFFFEC00  }
0xb9: {  	[tilespmem:s0], [sflag:$0x8] =	stream.indirect.gather [hbm4b:s4+s17], $0x40, s8, s17, $0xb8;
	[tilespmem:$0x18A60] =	vst v63  }
0xba: {  	_ =	swait.ge [sflag:s1], $0x1400  }
0xbb: {  	s7 =	sshra.s32 s7, $0x2;
	[sflag:s1] =	ssyncset.done $0x0  }
0xbc: {  	s9 =	sadd.s32 $0x2710, s7;
	[sflag:s1] =	ssyncadd.s32 $0xFFFFEC00  }
0xbd: {  	[spmem:s2] =	stream.indirect.scatter.add.f32 [tilespmem:s18], [sflag:$0x9], $0x40, s9, s17, $0xb8;
	[tilespmem:$0x18A60] =	vst v63  }
0xbe: {  	_ =	swait.ge [sflag:s15], $0x1400  }
0xbf: {  	[sflag:s15] =	ssyncset.done $0x0  }
0xc0: {  	s9 =	sadd.s32 $0x280, s7;
	[sflag:s15] =	ssyncadd.s32 $0xFFFFEC00  }
0xc1: {  	[tilespmem:s18], [sflag:$0x1] =	stream.indirect.gather [hbm4b:s4+s17], $0x40, s9, s17, $0xb8;
	[tilespmem:$0x18A60] =	vst v63  }
0xc2: {  	_ =	swait.ge [sflag:s16], $0x1400  }
0xc3: {  	[sflag:s16] =	ssyncset.done $0x0  }
0xc4: {  	s9 =	sadd.s32 $0x2760, s7;
	[sflag:s16] =	ssyncadd.s32 $0xFFFFEC00  }
0xc5: {  	[spmem:s2] =	stream.indirect.scatter.add.f32 [tilespmem:s19], [sflag:$0x9], $0x40, s9, s17, $0xb8;
	[tilespmem:$0x18A60] =	vst v63  }
0xc6: {  	_ =	swait.ge [sflag:s15], $0x1400  }
0xc7: {  	[sflag:s15] =	ssyncset.done $0x0  }
0xc8: {  	s9 =	sadd.s32 $0x2D0, s7;
	[sflag:s15] =	ssyncadd.s32 $0xFFFFEC00  }
0xc9: {  	[tilespmem:s19], [sflag:$0x2] =	stream.indirect.gather [hbm4b:s4+s17], $0x40, s9, s17, $0xb8;
	[tilespmem:$0x18A60] =	vst v63  }
0xca: {  	_ =	swait.ge [sflag:s22], $0x1400  }
0xcb: {  	[sflag:s22] =	ssyncset.done $0x0  }
0xcc: {  	s9 =	sadd.s32 $0x27B0, s7;
	[sflag:s22] =	ssyncadd.s32 $0xFFFFEC00  }
0xcd: {  	[spmem:s2] =	stream.indirect.scatter.add.f32 [tilespmem:s21], [sflag:$0x9], $0x40, s9, s17, $0xb8;
	[tilespmem:$0x18A60] =	vst v63  }
0xce: {  	_ =	swait.ge [sflag:s15], $0x1400  }
0xcf: {  	[sflag:s15] =	ssyncset.done $0x0  }
0xd0: {  	s9 =	sadd.s32 $0x320, s7;
	[sflag:s15] =	ssyncadd.s32 $0xFFFFEC00  }
0xd1: {  	[tilespmem:s21], [sflag:$0x3] =	stream.indirect.gather [hbm4b:s4+s17], $0x40, s9, s17, $0xb8;
	[tilespmem:$0x18A60] =	vst v63  }
0xd2: {  	_ =	swait.ge [sflag:s24], $0x1400  }
0xd3: {  	[sflag:s24] =	ssyncset.done $0x0  }
0xd4: {  	s9 =	sadd.s32 $0x2800, s7;
	[sflag:s24] =	ssyncadd.s32 $0xFFFFEC00  }
0xd5: {  	[spmem:s2] =	stream.indirect.scatter.add.f32 [tilespmem:s23], [sflag:$0x9], $0x40, s9, s17, $0xb8;
	[tilespmem:$0x18A60] =	vst v63  }
0xd6: {  	_ =	swait.ge [sflag:s15], $0x1400  }
0xd7: {  	[sflag:s15] =	ssyncset.done $0x0  }
0xd8: {  	s9 =	sadd.s32 $0x370, s7;
	[sflag:s15] =	ssyncadd.s32 $0xFFFFEC00  }
0xd9: {  	[tilespmem:s23], [sflag:$0x4] =	stream.indirect.gather [hbm4b:s4+s17], $0x40, s9, s17, $0xb8;
	[tilespmem:$0x18A60] =	vst v63  }
0xda: {  	_ =	swait.ge [sflag:s26], $0x1400  }
0xdb: {  	[sflag:s26] =	ssyncset.done $0x0  }
0xdc: {  	s9 =	sadd.s32 $0x2850, s7;
	[sflag:s26] =	ssyncadd.s32 $0xFFFFEC00  }
0xdd: {  	[spmem:s2] =	stream.indirect.scatter.add.f32 [tilespmem:s25], [sflag:$0x9], $0x40, s9, s17, $0xb8;
	[tilespmem:$0x18A60] =	vst v63  }
0xde: {  	_ =	swait.ge [sflag:s15], $0x1400  }
0xdf: {  	[sflag:s15] =	ssyncset.done $0x0  }
0xe0: {  	s9 =	sadd.s32 $0x3C0, s7;
	[sflag:s15] =	ssyncadd.s32 $0xFFFFEC00  }
0xe1: {  	[tilespmem:s25], [sflag:$0x5] =	stream.indirect.gather [hbm4b:s4+s17], $0x40, s9, s17, $0xb8;
	[tilespmem:$0x18A60] =	vst v63  }
0xe2: {  	_ =	swait.ge [sflag:s29], $0x1400  }
0xe3: {  	[sflag:s29] =	ssyncset.done $0x0  }
0xe4: {  	s9 =	sadd.s32 $0x28A0, s7;
	[sflag:s29] =	ssyncadd.s32 $0xFFFFEC00  }
0xe5: {  	[spmem:s2] =	stream.indirect.scatter.add.f32 [tilespmem:s28], [sflag:$0x9], $0x40, s9, s17, $0xb8;
	[tilespmem:$0x18A60] =	vst v63  }
0xe6: {  	_ =	swait.ge [sflag:s15], $0x1400  }
0xe7: {  	[sflag:s15] =	ssyncset.done $0x0  }
0xe8: {  	[sflag:s15] =	ssyncadd.s32 $0xFFFFEC00  }
0xe9: {  	[tilespmem:s28], [sflag:$0x6] =	stream.indirect.gather [hbm4b:s4+s17], $0x40, s3, s17, $0xb8;
	[tilespmem:$0x18A60] =	vst v63  }
0xea: {  	_ =	swait.ge [sflag:s31], $0x1400  }
0xeb: {  	[sflag:s31] =	ssyncset.done $0x0  }
0xec: {  	s9 =	sadd.s32 $0x28F0, s7;
	[sflag:s31] =	ssyncadd.s32 $0xFFFFEC00  }
0xed: {  	[spmem:s2] =	stream.indirect.scatter.add.f32 [tilespmem:s30], [sflag:$0x9], $0x40, s9, s17, $0xb8;
	[tilespmem:$0x18A60] =	vst v63  }
0xee: {  	_ =	swait.ge [sflag:s15], $0x1400  }
0xef: {  	[sflag:s15] =	ssyncset.done $0x0  }
0xf0: {  	[sflag:s15] =	ssyncadd.s32 $0xFFFFEC00  }
0xf1: {  	[tilespmem:s30], [sflag:$0x7] =	stream.indirect.gather [hbm4b:s4+s17], $0x40, s17, s17, $0xb8;
	[tilespmem:$0x18A60] =	vst v63  }
0xf2: {  	_ =	swait.ge [sflag:s5], $0x1400  }
0xf3: {  	[sflag:s5] =	ssyncset.done $0x0  }
0xf4: {  	s7 =	sadd.s32 $0x2940, s7;
	[sflag:s5] =	ssyncadd.s32 $0xFFFFEC00  }
0xf5: {  	[spmem:s2] =	stream.indirect.scatter.add.f32 [tilespmem:s0], [sflag:$0x9], $0x40, s7, s17, $0xb8;
	[tilespmem:$0x18A60] =	vst v63  }
0xf6: {  	_ =	swait.ge [sflag:s15], $0x1400  }
0xf7: {  	[sflag:s15] =	ssyncset.done $0x0  }
0xf8: {  	[sflag:s15] =	ssyncadd.s32 $0xFFFFEC00  }
0xf9: {  	[tilespmem:s0], [sflag:$0x8] =	stream.indirect.gather [hbm4b:s4+s17], $0x40, s20, s17, $0xb8;
	[tilespmem:$0x18A60] =	vst v63  }
0xfa: {  	_ =	swait.ge [sflag:s1], $0x1400  }
0xfb: {  	[sflag:s1] =	ssyncset.done $0x0  }
0xfc: {  	s9 =	simm.s32 $0x4C90;
	[sflag:s1] =	ssyncadd.s32 $0xFFFFEC00  }
0xfd: {  	[spmem:s2] =	stream.indirect.scatter.add.f32 [tilespmem:s18], [sflag:$0x9], $0x40, s9, s17, $0xb8;
	[tilespmem:$0x18A60] =	vst v63  }
0xfe: {  	_ =	swait.ge [sflag:s15], $0x1400  }
0xff: {  	[sflag:s15] =	ssyncset.done $0x0  }
0x100: {  	[sflag:s15] =	ssyncadd.s32 $0xFFFFEC00  }
0x101: {  	_ =	swait.ge [sflag:s16], $0x1400  }
0x102: {  	[sflag:s16] =	ssyncset.done $0x0  }
0x103: {  	s8 =	simm.s32 $0x4CE0;
	[sflag:s16] =	ssyncadd.s32 $0xFFFFEC00  }
0x104: {  	[spmem:s2] =	stream.indirect.scatter.add.f32 [tilespmem:s19], [sflag:$0x9], $0x40, s8, s17, $0xb8;
	[tilespmem:$0x18A60] =	vst v63  }
0x105: {  	_ =	swait.ge [sflag:s15], $0x1400  }
0x106: {  	[sflag:s15] =	ssyncset.done $0x0  }
0x107: {  	[sflag:s15] =	ssyncadd.s32 $0xFFFFEC00  }
0x108: {  	_ =	swait.ge [sflag:s22], $0x1400  }
0x109: {  	[sflag:s22] =	ssyncset.done $0x0  }
0x10a: {  	s9 =	simm.s32 $0x4D30;
	[sflag:s22] =	ssyncadd.s32 $0xFFFFEC00  }
0x10b: {  	[spmem:s2] =	stream.indirect.scatter.add.f32 [tilespmem:s21], [sflag:$0x9], $0x40, s9, s17, $0xb8;
	[tilespmem:$0x18A60] =	vst v63  }
0x10c: {  	_ =	swait.ge [sflag:s15], $0x1400  }
0x10d: {  	[sflag:s15] =	ssyncset.done $0x0  }
0x10e: {  	[sflag:s15] =	ssyncadd.s32 $0xFFFFEC00  }
0x10f: {  	_ =	swait.ge [sflag:s24], $0x1400  }
0x110: {  	[sflag:s24] =	ssyncset.done $0x0  }
0x111: {  	s8 =	simm.s32 $0x4D80;
	[sflag:s24] =	ssyncadd.s32 $0xFFFFEC00  }
0x112: {  	[spmem:s2] =	stream.indirect.scatter.add.f32 [tilespmem:s23], [sflag:$0x9], $0x40, s8, s17, $0xb8;
	[tilespmem:$0x18A60] =	vst v63  }
0x113: {  	_ =	swait.ge [sflag:s15], $0x1400  }
0x114: {  	[sflag:s15] =	ssyncset.done $0x0  }
0x115: {  	[sflag:s15] =	ssyncadd.s32 $0xFFFFEC00  }
0x116: {  	_ =	swait.ge [sflag:s26], $0x1400  }
0x117: {  	[sflag:s26] =	ssyncset.done $0x0  }
0x118: {  	s9 =	simm.s32 $0x4DD0;
	[sflag:s26] =	ssyncadd.s32 $0xFFFFEC00  }
0x119: {  	[spmem:s2] =	stream.indirect.scatter.add.f32 [tilespmem:s25], [sflag:$0x9], $0x40, s9, s17, $0xb8;
	[tilespmem:$0x18A60] =	vst v63  }
0x11a: {  	_ =	swait.ge [sflag:s15], $0x1400  }
0x11b: {  	[sflag:s15] =	ssyncset.done $0x0  }
0x11c: {  	[sflag:s15] =	ssyncadd.s32 $0xFFFFEC00  }
0x11d: {  	_ =	swait.ge [sflag:s29], $0x1400  }
0x11e: {  	[sflag:s29] =	ssyncset.done $0x0  }
0x11f: {  	[sflag:s29] =	ssyncadd.s32 $0xFFFFEC00  }
0x120: {  	_ =	swait.ge [sflag:s31], $0x1400  }
0x121: {  	[sflag:s31] =	ssyncset.done $0x0  }
0x122: {  	[sflag:s31] =	ssyncadd.s32 $0xFFFFEC00  }
0x123: {  	_ =	swait.ge [sflag:s5], $0x1400  }
0x124: {  	[sflag:s5] =	ssyncset.done $0x0  }
0x125: {  	[sflag:s5] =	ssyncadd.s32 $0xFFFFEC00  }
0x126: {  	s7 =	simm.s32 @p0 $0x1FC9;
	[bflag:$0x0] =	sbarrier.arrive $0xFFFF  }
0x127: {  	[hbm:s10], [sflag:s7] =	dma.local @p0 [spmem:s12], $0x1040  }
0x128: {  	s7 =	simm.s32 @p0 $0x9  }
0x129: {  	_ =	swait.ge @p0 [sflag:s7], $0x1040  }
0x12a: {  	s6 =	sadd.s32 $0x1, s6;
	[sflag:s7] =	ssyncset.done @p0 $0x0  }
0x12b: {  	p1 =	sne.s32 s6, s11;
	[sflag:s7] =	ssyncadd.s32 @p0 $0xFFFFEFC0;
	s7 =	rddreg [dreg:$0x7]  }
0x12c: {  	[hbm:s7], [sflag:s13] =	dma.local @!p0 [spmem:s14], $0x13C0  }
.Ltmp1:
0x12d: {  	_ = 	snop;
	(pc) =	sbr.rel @p1 .LBB2_1-.Ltmp1, $4  }
0x12e: {  	s7 =	simm.s32 @!p0 $0x9  }
0x12f: {  	_ =	swait.ge @!p0 [sflag:s7], $0x13C0  }
0x130: {  	[sflag:s7] =	ssyncset.done @!p0 $0x0  }
0x131: {  	[sflag:s7] =	ssyncadd.s32 @!p0 $0xFFFFEC40  }
0x132: {  	_ =	sfence.sel $0x180000  }
0x133: {  	[bflag:$0x0] =	sbarrier.arrive $0xFFFF  }
0x134: {  	_ =	strace $0x9000004A  }
0x135: {  	s0 =	stileid.u32;
	[bflag:$0x2] =	sbarrier.arrive $0xFFFF  }
0x136: {  	p0 =	sne.s32 s0, $0x0;
	s0 =	rddreg [dreg:$0x2]  }
0x137: {  	s0 =	sadd.s32 @!p0 $0x100000, s0  }
0x138: {  	[sflag:s0] =	ssyncadd.tile.s32 @!p0 $0x1;
	_ =	shalt  }
.Lfunc_end2:
_tile_overlayer_lowered:
.L_overlay_start_2:
0x139: {  	(tag) =	ssettag $0x2  }
0x13a: {  	s0 =	rddreg [dreg:$0x0];
	s2 =	stileid.u32  }
0x13b: {  	s1 =	rddreg [dreg:$0x1];
	p0 =	sne.s32 s2, $0x0  }
0x13c: {  	s3 =	rddreg [dreg:$0x2];
	[bflag:$0x3] =	sbarrier.arrive $0xFFFF;
	s2 =	simm.s32 @!p0 $0x1C09  }
0x13d: {  	[timem:s3], [sflag:s2] =	dma.local @!p0 [hbm:s0], s1  }
0x13e: {  	s0 =	simm.s32 @!p0 $0x9  }
0x13f: {  	_ =	swait.ge @!p0 [sflag:s0], s1  }
0x140: {  	s1 =	ssub.s32 @!p0 $0x0, s1;
	[sflag:s0] =	ssyncset.done @!p0 $0x0  }
0x141: {  	[sflag:s0] =	ssyncadd.s32 @!p0 s1  }
0x142: {  	[bflag:$0x3] =	sbarrier.arrive $0xFFFF  }
0x143: {  	_ =	shalt  }

// kernel: kernel.14.cloned.1.call-start
scs
__scs_entry_jumppad:
0x0: {  	(pc) =	sbr.rel $0x88, $3  }
0x1: {  	(tag) =	ssettag $0x0;
	lr =	simm.s32 $0x1  }
0x2: {  	[smem:$0x3F86] =	sst lr;
	_ =	strace $0xD0000000  }
0x3: {  	_ = 	snop  }
0x4: {  	_ = 	snop  }
0x5: {  	_ = 	snop  }
0x6: {  	_ = 	snop  }
0x7: {  	_ = 	snop  }
__scs_overlays_trampoline_lowered:
0x8: {  	[smem:$0x3F95] =	sst s0  }
0x9: {  	[smem:$0x3F96] =	sst s1  }
0xa: {  	[smem:$0x3F97] =	sst s2  }
0xb: {  	[smem:$0x3F98] =	sst s3  }
0xc: {  	[smem:$0x3F99] =	sst s4  }
0xd: {  	[smem:$0x3F9A] =	sst s5  }
0xe: {  	[smem:$0x3F9B] =	sst s6  }
0xf: {  	[smem:$0x3F9C] =	sst s7  }
0x10: {  	[smem:$0x3F9D] =	sst s8  }
0x11: {  	[smem:$0x3F9E] =	sst s9;
	s0 =	simm.s32 @!p0 $0x0  }
0x12: {  	s1 =	sld [smem:$0x3F84];
	s0 =	simm.s32 @p0 $0x1  }
0x13: {  	[smem:$0x3F9F] =	sst s0;
	s0 =	simm.s32 @!p1 $0x0  }
0x14: {  	s2 =	sld [smem:$0x3F83];
	s0 =	simm.s32 @p1 $0x1  }
0x15: {  	[smem:$0x3FA0] =	sst s0;
	s0 =	simm.s32 @!p2 $0x0  }
0x16: {  	s3 =	sld [smem:$0x3FDB];
	s0 =	simm.s32 @p2 $0x1  }
0x17: {  	s4 =	simm.s32 $0x1BF5;
	[smem:$0x3FA2] =	sst s0  }
0x18: {  	s0 =	sld [smem:$0x3F85];
	_ =	swait.ge [sflag:s4], $0x0  }
0x19: {  	s7 =	sld [smem:$0x3F86]  }
0x1a: {  	s8 =	sadd.s32 $0xFFFFE003, lr  }
0x1b: {  	s9 =	sadd.s32 $0xFFFFFEF7, lr;
	s5 =	simm.s32 $0xFFFFFFFF;
	p2 =	slt.u32 s8, $0xFFFFF086  }
0x1c: {  	p1 =	slt.u32 s9, $0xF7A;
	s5 =	simm.s32 @!p2 $0x0  }
0x1d: {  	s5 =	simm.s32 @p1 $0x1;
	p0 =	seq.s32 s7, s2  }
0x1e: {  	s7 =	smul.u32 @!p0 $0xF7A, s2;
	p2 =	seq.s32 @!p0 s5, $0x0  }
0x1f: {  	s9 =	smul.u32 $0xF7A, s1;
	s8 =	simm.s32 @!p0 $0x1BF5;
	p2 =	por !p2, p0  }
0x20: {  	[sflag:s8] =	ssyncset.s32 @!p0 $0xFFFFF086;
	s6 =	sadd.s32 @!p0 s3, s7;
	s7 =	simm.s32 @!p0 $0x108  }
0x21: {  	s3 =	sadd.s32 s3, s9;
	s6 =	sadd.s32 @!p0 $0x88, s6;
	s7 =	simm.s32 @p2 $0x1082  }
0x22: {  	[simem:s7], [sflag:s8] =	dma.local @!p0 [hbm:s6], $0xF7A  }
0x23: {  	s9 =	sor.u32 $0xD0000000, s2;
	s6 =	simm.s32 $0x108;
	_ =	swait.ge @!p0 [sflag:s8], $0x0  }
0x24: {  	s3 =	sadd.s32 $0x88, s3;
	s6 =	simm.s32 @!p1 $0x1082;
	[sflag:s4] =	ssyncset.s32 $0xFFFFF086  }
0x25: {  	[simem:s6], [sflag:s4] =	dma.local [hbm:s3], $0xF7A  }
0x26: {  	[smem:$0x3F86] =	sst s1;
	(tag) =	ssettag s2;
	_ =	strace s9  }
0x27: {  	s1 =	sld [smem:$0x3F96]  }
0x28: {  	s2 =	sld [smem:$0x3F97]  }
0x29: {  	s4 =	sld [smem:$0x3F99]  }
0x2a: {  	p0 =	seq.s32 s5, $0x0;
	s5 =	sld [smem:$0x3F9A]  }
0x2b: {  	s6 =	sld [smem:$0x3F9B]  }
0x2c: {  	s7 =	sld [smem:$0x3F9C]  }
0x2d: {  	s3 =	simm.s32 $0x108;
	s8 =	sld [smem:$0x3F9D]  }
0x2e: {  	s3 =	simm.s32 @!p0 $0x1082;
	s9 =	sld [smem:$0x3F9E]  }
0x2f: {  	lr =	sadd.s32 s0, s3;
	s0 =	sld [smem:$0x3F95]  }
0x30: {  	s3 =	sld [smem:$0x3F98]  }
0x31: {  	[smem:$0x3FA1] =	sst s10  }
0x32: {  	s10 =	sld [smem:$0x3F9F];
	_ =	sdelay $0x3  }
0x33: {  	p0 =	seq.s32 s10, $0x1;
	s10 =	sld [smem:$0x3FA1];
	_ =	sdelay $0x3  }
0x34: {  	[smem:$0x3FA1] =	sst s10  }
0x35: {  	s10 =	sld [smem:$0x3FA0];
	_ =	sdelay $0x3  }
0x36: {  	p1 =	seq.s32 s10, $0x1;
	s10 =	sld [smem:$0x3FA1];
	_ =	sdelay $0x3  }
0x37: {  	[smem:$0x3FA1] =	sst s10  }
0x38: {  	s10 =	sld [smem:$0x3FA2]  }
0x39: {  	_ = 	snop;
	(pc) =	sbr.ind lr, $3  }
0x3a: {  	_ = 	snop  }
0x3b: {  	_ = 	snop  }
0x3c: {  	p2 =	seq.s32 s10, $0x1;
	s10 =	sld [smem:$0x3FA1]  }
0x3d: {  	_ =	shalt  }
0x3e: {  	_ =	shalt  }
0x3f: {  	_ =	shalt  }
0x40: {  	_ =	shalt  }
0x41: {  	_ =	shalt  }
0x42: {  	_ =	shalt  }
0x43: {  	_ =	shalt  }
0x44: {  	_ =	shalt  }
0x45: {  	_ =	shalt  }
0x46: {  	_ =	shalt  }
0x47: {  	_ =	shalt  }
0x48: {  	_ =	shalt  }
0x49: {  	_ =	shalt  }
0x4a: {  	_ =	shalt  }
0x4b: {  	_ =	shalt  }
0x4c: {  	_ =	shalt  }
0x4d: {  	_ =	shalt  }
0x4e: {  	_ =	shalt  }
0x4f: {  	_ =	shalt  }
0x50: {  	_ =	shalt  }
0x51: {  	_ =	shalt  }
0x52: {  	_ =	shalt  }
0x53: {  	_ =	shalt  }
0x54: {  	_ =	shalt  }
0x55: {  	_ =	shalt  }
0x56: {  	_ =	shalt  }
0x57: {  	_ =	shalt  }
0x58: {  	_ =	shalt  }
0x59: {  	_ =	shalt  }
0x5a: {  	_ =	shalt  }
0x5b: {  	_ =	shalt  }
0x5c: {  	_ =	shalt  }
0x5d: {  	_ =	shalt  }
0x5e: {  	_ =	shalt  }
0x5f: {  	_ =	shalt  }
0x60: {  	_ =	shalt  }
0x61: {  	_ =	shalt  }
0x62: {  	_ =	shalt  }
0x63: {  	_ =	shalt  }
0x64: {  	_ =	shalt  }
0x65: {  	_ =	shalt  }
0x66: {  	_ =	shalt  }
0x67: {  	_ =	shalt  }
0x68: {  	_ =	shalt  }
0x69: {  	_ =	shalt  }
0x6a: {  	_ =	shalt  }
0x6b: {  	_ =	shalt  }
0x6c: {  	_ =	shalt  }
0x6d: {  	_ =	shalt  }
0x6e: {  	_ =	shalt  }
0x6f: {  	_ =	shalt  }
0x70: {  	_ =	shalt  }
0x71: {  	_ =	shalt  }
0x72: {  	_ =	shalt  }
0x73: {  	_ =	shalt  }
0x74: {  	_ =	shalt  }
0x75: {  	_ =	shalt  }
0x76: {  	_ =	shalt  }
0x77: {  	_ =	shalt  }
0x78: {  	_ =	shalt  }
0x79: {  	_ =	shalt  }
0x7a: {  	_ =	shalt  }
0x7b: {  	_ =	shalt  }
0x7c: {  	_ =	shalt  }
0x7d: {  	_ =	shalt  }
0x7e: {  	_ =	shalt  }
0x7f: {  	_ =	shalt  }
0x80: {  	_ =	shalt  }
0x81: {  	_ =	shalt  }
0x82: {  	_ =	shalt  }
0x83: {  	_ =	shalt  }
0x84: {  	_ =	shalt  }
0x85: {  	_ =	shalt  }
0x86: {  	_ =	shalt  }
0x87: {  	_ =	shalt  }
.Lfunc_end0:
.L_simem_size_0:
called_computation.2_lowered:
.L_overlay_start_0:
0x88: {  	s2 =	sld [smem:$0x3FD9]  }
0x89: {  	s3 =	sld [smem:$0x3FFE];
	_ =	sdelay $0x1  }
0x8a: {  	s1 =	srdreg.scid  }
0x8b: {  	s0 =	sand.u32 $0x1, s1  }
0x8c: {  	s16 =	sshll.u32 s0, $0xA;
	s2 =	sadd.s32 s3, s2  }
0x8d: {  	s2 =	sadd.s32 s2, s16  }
0x8e: {  	[smem:$0x3FAD] =	sst s2  }
0x8f: {  	_ = 	snop  }
0x90: {  	(tm) =	ssettm $0x1  }
0x91: {  	s17 =	sld [smem:$0x3FFB];
	_ =	sdelay $0x3  }
0x92: {  	_ =	strace s17  }
0x93: {  	s2 =	sld [smem:$0x3FFC];
	_ =	sdelay $0x3  }
0x94: {  	_ =	strace s2  }
0x95: {  	s2 =	sld [smem:$0x3FFD];
	_ =	sdelay $0x3  }
0x96: {  	_ =	strace s2  }
0x97: {  	_ =	strace $0x8FFFFFFF  }
0x98: {  	s18 =	sld [smem:$0x3FDB];
	_ =	sdelay $0x1  }
0x99: {  	s19 =	simm.s32 $_scs_section_size  }
0x9a: {  	s4 =	simm.s32 $_size__tile_overlayer_lowered;
	s5 =	simm.s32 $_tile_overlayer_lowered  }
0x9b: {  	s22 =	simm.s32 $0x1BFF;
	s21 =	sshll.u32 s5, $0x1;
	s2 =	sadd.s32 s19, s18  }
0x9c: {  	s6 =	simm.s32 $0x0;
	s20 =	sshll.u32 s4, $0x1;
	s4 =	sadd.s32 s21, s2  }
0x9d: {  	[timem:s6], [sflag:s22] =	dma.local [hbm:s4], s20  }
0x9e: {  	_ =	swait.ge [sflag:s22], s20  }
0x9f: {  	s3 =	ssub.s32 $0x0, s20;
	[sflag:s22] =	ssyncset.done $0x0  }
0xa0: {  	[sflag:s22] =	ssyncadd.s32 s3;
	_ =	sdelay $0x1  }
0xa1: {  	s23 =	simm.s32 $0x1B8B  }
0xa2: {  	_ =	swait.ge [sflag:s23], $0x1  }
0xa3: {  	[sflag:s23] =	ssyncset.done $0x0  }
0xa4: {  	s25 =	simm.s32 $0x1B8E;
	s24 =	sld [smem:$0x3FFE];
	[sflag:s23] =	ssyncadd.s32 $0xFFFFFFFF  }
0xa5: {  	s26 =	simm.s32 $execute0_lowered;
	[smem:$0x3FD2] =	sst s25  }
0xa6: {  	s4 =	sshll.u32 s26, $0x1;
	_ =	strace $0x8000004C;
	[dreg:$0x1] =	wrdreg $0xFFFFFFFF  }
0xa7: {  	s28 =	simm.s32 $_size_execute0_lowered;
	s2 =	sadd.s32 s2, s4;
	[dreg:$0x0] =	wrdreg $0x0  }
0xa8: {  	s4 =	sshll.u32 s28, $0x1;
	[dreg:$0x2] =	wrdreg s2  }
0xa9: {  	[dreg:$0x3] =	wrdreg s4  }
0xaa: {  	[dreg:$0x4] =	wrdreg $0xC0  }
0xab: {  	_ =	task [dreg:s6], $0x5FFFF  }
0xac: {  	[dreg:$0x1] =	wrdreg $0xFFFFFFFF  }
0xad: {  	[dreg:$0x0] =	wrdreg $0x60  }
0xae: {  	[dreg:$0x2] =	wrdreg s24  }
0xaf: {  	[dreg:$0x3] =	wrdreg $0xEE200  }
0xb0: {  	[dreg:$0x4] =	wrdreg $0x9  }
0xb1: {  	_ =	task.clear_ibuf [dreg:s6], $0x5FFFF;
	_ =	strace $0x9000004C  }
0xb2: {  	s29 =	simm.s32 $0x9;
	_ =	strace $0x8000004E  }
0xb3: {  	_ =	swait.ge [sflag:s29], $0x1  }
0xb4: {  	[sflag:s29] =	ssyncadd.s32 $0xFFFFFFFF  }
0xb5: {  	_ =	strace $0x9000004E  }
0xb6: {  	_ =	sfence  }
0xb7: {  	s30 =	sld [smem:$0x0];
	_ =	sdelay $0x2  }
0xb8: {  	s31 =	sshll.u32 s1, $0xD;
	s1 =	sshrl.u32 s1, $0x2  }
0xb9: {  	s3 =	sand.u32 $0x4000, s31;
	s1 =	sadd.s32 s1, s30  }
0xba: {  	s0 =	sor.u32 s3, s0;
	s1 =	sshll.u32 s1, $0x11  }
0xbb: {  	s0 =	sor.u32 s1, s0  }
0xbc: {  	s0 =	sadd.s32 $0x8F2B, s0  }
0xbd: {  	[sflag:s0] =	ssyncadd.remote.s32 $0x1  }
0xbe: {  	_ =	sfence.sel $0xFFFF  }
0xbf: {  	[dreg:$0x0] =	wrdreg $0xFFFFFFFF;
	(pc) =	sbr.abs _section_cstart, $3  }
0xc0: {  	[dreg:$0x1] =	wrdreg $0xFFFFFFFF  }
0xc1: {  	_ =	task.clear_ibuf [dreg:s6], $0x2FFFF;
	_ =	strace $0x9FFFFFFF  }
0xc2: {  	(tm) =	ssettm $0x7FFFFFFF  }
0xc3: {  	_ =	shalt  }
tec
execute0_lowered:
.L_overlay_start_1:
0x0: {  	(tag) =	ssettag $0x1  }
0x1: {  	s0 =	srdreg.scid;
	s1 =	rddreg [dreg:$0x0]  }
0x2: {  	s2 =	rddreg [dreg:$0x1];
	s13 =	stileid.u32  }
0x3: {  	s3 =	simm.s32 $0x0;
	s15 =	simm.s32 $0x9;
	s17 =	simm.s32 $0x50  }
0x4: {  	s18 =	simm.s32 $0x4E20;
	s19 =	simm.s32 $0x6220;
	s20 =	simm.s32 $0xA0  }
0x5: {  	s21 =	simm.s32 $0x7620;
	s23 =	simm.s32 $0x8A20;
	s28 =	simm.s32 $0xB220  }
0x6: {  	s30 =	simm.s32 $0xC620;
	s16 =	simm.s32 $0x2;
	s22 =	simm.s32 $0x3  }
0x7: {  	s24 =	simm.s32 $0x4;
	s29 =	simm.s32 $0x6;
	s31 =	simm.s32 $0x7  }
0x8: {  	s0 =	sand.u32 $0x1, s0;
	[smem:$0x7FF] =	sst s3;
	s8 =	smul.u32 $0x9E00, s13  }
0x9: {  	s9 =	sadd.s32 $0x2BC00, s1;
	s12 =	sadd.s32 $0x94200, s2;
	p0 =	seq.s32 s13, $0xF  }
0xa: {  	s4 =	sshll.u32 s0, $0x4;
	_ =	strace $0x8000004D;
	s6 =	ssub.s32 $0x2, s0  }
0xb: {  	s0 =	smul.u32 $0x9C400, s0;
	s12 =	sshrl.u32 @p0 s12, $0x3;
	s4 =	sor.u32 s13, s4  }
0xc: {  	s7 =	sshrl.u32 s6, $0x1;
	s10 =	sshrl.u32 s8, $0x3;
	s5 =	smul.u32 $0x2710, s4  }
0xd: {  	s4 =	sadd.s32 $0x18200, s1;
	s6 =	ssub.s32 s6, s7;
	s7 =	sadd.s32 s8, s2  }
0xe: {  	s26 =	sadd.s32 s8, s0;
	s0 =	sshrl.u32 s0, $0x3;
	s10 =	sadd.s32 s4, s10  }
0xf: {  	s0 =	sadd.s32 s9, s0;
	s11 =	smax.u32 s6, $0x1;
	s14 =	sshrl.u32 @!p0 s7, $0x3  }
0x10: {  	s6 =	simm.s32 $0x0;
	s5 =	sshrl.u32 s5, $0x3;
	[dreg:$0x3] =	wrdreg s10  }
0x11: {  	s10 =	sadd.s32 $0x12840, s0;
	s0 =	sshll.u32 @!p0 s13, $0x6;
	s5 =	sadd.s32 s5, s1  }
0x12: {  	s1 =	sadd.s32 $0x2AA40, s1;
	s13 =	sor.u32 @!p0 $0x1C09, s0;
	s0 =	simm.s32 $0xDA20  }
0x13: {  	[dreg:$0x4] =	wrdreg s1;
	s25 =	sadd.s32 $0x4800, s5;
	s5 =	sadd.s32 $0xE440, s5  }
0x14: {  	s1 =	sshrl.u32 s26, $0x3;
	s26 =	simm.s32 $0x5;
	[dreg:$0x5] =	wrdreg s25  }
0x15: {  	[dreg:$0x6] =	wrdreg s5;
	s1 =	sadd.s32 s9, s1;
	s25 =	simm.s32 $0x9E20  }
0x16: {  	s5 =	simm.s32 $0x8;
	[dreg:$0x7] =	wrdreg s1;
	s1 =	simm.s32 $0x1  }
.LBB2_1:
0x17: {  	s7 =	simm.s32 @p0 $0x1FC9;
	s8 =	rddreg [dreg:$0x4]  }
0x18: {  	[spmem:s12], [sflag:s7] =	dma.local @p0 [hbm:s8], $0x1040  }
0x19: {  	s7 =	simm.s32 @p0 $0x9  }
0x1a: {  	_ =	swait.ge @p0 [sflag:s7], $0x1040  }
0x1b: {  	[sflag:s7] =	ssyncset.done @p0 $0x0  }
0x1c: {  	[sflag:s7] =	ssyncadd.s32 @p0 $0xFFFFEFC0;
	s7 =	rddreg [dreg:$0x3]  }
0x1d: {  	[spmem:s14], [sflag:s13] =	dma.local @!p0 [hbm:s7], $0x13C0  }
0x1e: {  	s7 =	simm.s32 @!p0 $0x9  }
0x1f: {  	_ =	swait.ge @!p0 [sflag:s7], $0x13C0  }
0x20: {  	[sflag:s7] =	ssyncset.done @!p0 $0x0  }
0x21: {  	s9 =	rddreg [dreg:$0x5];
	[sflag:s7] =	ssyncadd.s32 @!p0 $0xFFFFEC40  }
0x22: {  	[tilespmem:s3], [sflag:$0x9] =	stream.linear.gather [hbm4b:s9+s3], $0x2710, $0x38;
	[tilespmem:$0x18A60] =	vst v63  }
0x23: {  	_ =	swait.ge [sflag:s15], $0x2710  }
0x24: {  	[sflag:s15] =	ssyncset.done $0x0  }
0x25: {  	s9 =	simm.s32 $0x2710;
	s8 =	rddreg [dreg:$0x6];
	[sflag:s15] =	ssyncadd.s32 $0xFFFFD8F0  }
0x26: {  	[tilespmem:s9], [sflag:$0x9] =	stream.linear.gather [hbm4b:s8+s3], $0x2710, $0x38;
	[tilespmem:$0x18A60] =	vst v63  }
0x27: {  	_ =	swait.ge [sflag:s15], $0x2710  }
0x28: {  	[sflag:s15] =	ssyncset.done $0x0  }
0x29: {  	[sflag:s15] =	ssyncadd.s32 $0xFFFFD8F0  }
0x2a: {  	[bflag:$0x0] =	sbarrier.arrive $0xFFFF  }
0x2b: {  	[tilespmem:s18], [sflag:$0x1] =	stream.indirect.gather [hbm4b:s4+s17], $0x40, s3, s17, $0xb8;
	[tilespmem:$0x18A60] =	vst v63  }
0x2c: {  	_ = 	snop  }
0x2d: {  	[tilespmem:s19], [sflag:$0x2] =	stream.indirect.gather [hbm4b:s4+s17], $0x40, s17, s17, $0xb8;
	[tilespmem:$0x18A60] =	vst v63  }
0x2e: {  	_ = 	snop  }
0x2f: {  	[tilespmem:s21], [sflag:$0x3] =	stream.indirect.gather [hbm4b:s4+s17], $0x40, s20, s17, $0xb8;
	[tilespmem:$0x18A60] =	vst v63  }
0x30: {  	s8 =	simm.s32 $0xF0  }
0x31: {  	[tilespmem:s23], [sflag:$0x4] =	stream.indirect.gather [hbm4b:s4+s17], $0x40, s8, s17, $0xb8;
	[tilespmem:$0x18A60] =	vst v63  }
0x32: {  	s9 =	simm.s32 $0x140  }
0x33: {  	[tilespmem:s25], [sflag:$0x5] =	stream.indirect.gather [hbm4b:s4+s17], $0x40, s9, s17, $0xb8;
	[tilespmem:$0x18A60] =	vst v63  }
0x34: {  	s8 =	simm.s32 $0x190  }
0x35: {  	[tilespmem:s28], [sflag:$0x6] =	stream.indirect.gather [hbm4b:s4+s17], $0x40, s8, s17, $0xb8;
	[tilespmem:$0x18A60] =	vst v63  }
0x36: {  	s9 =	simm.s32 $0x1E0  }
0x37: {  	[tilespmem:s30], [sflag:$0x7] =	stream.indirect.gather [hbm4b:s4+s17], $0x40, s9, s17, $0xb8;
	[tilespmem:$0x18A60] =	vst v63  }
0x38: {  	s8 =	simm.s32 $0x230  }
0x39: {  	[tilespmem:s0], [sflag:$0x8] =	stream.indirect.gather [hbm4b:s4+s17], $0x40, s8, s17, $0xb8;
	[tilespmem:$0x18A60] =	vst v63  }
0x3a: {  	_ =	swait.ge [sflag:s1], $0x1400  }
0x3b: {  	[sflag:s1] =	ssyncset.done $0x0  }
0x3c: {  	s9 =	simm.s32 $0x2710;
	[sflag:s1] =	ssyncadd.s32 $0xFFFFEC00  }
0x3d: {  	[spmem:s2] =	stream.indirect.scatter.add.f32 [tilespmem:s18], [sflag:$0x9], $0x40, s9, s17, $0xb8;
	[tilespmem:$0x18A60] =	vst v63  }
0x3e: {  	_ =	swait.ge [sflag:s15], $0x1400  }
0x3f: {  	[sflag:s15] =	ssyncset.done $0x0  }
0x40: {  	s8 =	simm.s32 $0x280;
	[sflag:s15] =	ssyncadd.s32 $0xFFFFEC00  }
0x41: {  	[tilespmem:s18], [sflag:$0x1] =	stream.indirect.gather [hbm4b:s4+s17], $0x40, s8, s17, $0xb8;
	[tilespmem:$0x18A60] =	vst v63  }
0x42: {  	_ =	swait.ge [sflag:s16], $0x1400  }
0x43: {  	[sflag:s16] =	ssyncset.done $0x0  }
0x44: {  	s9 =	simm.s32 $0x2760;
	[sflag:s16] =	ssyncadd.s32 $0xFFFFEC00  }
0x45: {  	[spmem:s2] =	stream.indirect.scatter.add.f32 [tilespmem:s19], [sflag:$0x9], $0x40, s9, s17, $0xb8;
	[tilespmem:$0x18A60] =	vst v63  }
0x46: {  	_ =	swait.ge [sflag:s15], $0x1400  }
0x47: {  	[sflag:s15] =	ssyncset.done $0x0  }
0x48: {  	s8 =	simm.s32 $0x2D0;
	[sflag:s15] =	ssyncadd.s32 $0xFFFFEC00  }
0x49: {  	[tilespmem:s19], [sflag:$0x2] =	stream.indirect.gather [hbm4b:s4+s17], $0x40, s8, s17, $0xb8;
	[tilespmem:$0x18A60] =	vst v63  }
0x4a: {  	_ =	swait.ge [sflag:s22], $0x1400  }
0x4b: {  	[sflag:s22] =	ssyncset.done $0x0  }
0x4c: {  	s9 =	simm.s32 $0x27B0;
	[sflag:s22] =	ssyncadd.s32 $0xFFFFEC00  }
0x4d: {  	[spmem:s2] =	stream.indirect.scatter.add.f32 [tilespmem:s21], [sflag:$0x9], $0x40, s9, s17, $0xb8;
	[tilespmem:$0x18A60] =	vst v63  }
0x4e: {  	_ =	swait.ge [sflag:s15], $0x1400  }
0x4f: {  	[sflag:s15] =	ssyncset.done $0x0  }
0x50: {  	s8 =	simm.s32 $0x320;
	[sflag:s15] =	ssyncadd.s32 $0xFFFFEC00  }
0x51: {  	[tilespmem:s21], [sflag:$0x3] =	stream.indirect.gather [hbm4b:s4+s17], $0x40, s8, s17, $0xb8;
	[tilespmem:$0x18A60] =	vst v63  }
0x52: {  	_ =	swait.ge [sflag:s24], $0x1400  }
0x53: {  	[sflag:s24] =	ssyncset.done $0x0  }
0x54: {  	s9 =	simm.s32 $0x2800;
	[sflag:s24] =	ssyncadd.s32 $0xFFFFEC00  }
0x55: {  	[spmem:s2] =	stream.indirect.scatter.add.f32 [tilespmem:s23], [sflag:$0x9], $0x40, s9, s17, $0xb8;
	[tilespmem:$0x18A60] =	vst v63  }
0x56: {  	_ =	swait.ge [sflag:s15], $0x1400  }
0x57: {  	[sflag:s15] =	ssyncset.done $0x0  }
0x58: {  	s8 =	simm.s32 $0x370;
	[sflag:s15] =	ssyncadd.s32 $0xFFFFEC00  }
0x59: {  	[tilespmem:s23], [sflag:$0x4] =	stream.indirect.gather [hbm4b:s4+s17], $0x40, s8, s17, $0xb8;
	[tilespmem:$0x18A60] =	vst v63  }
0x5a: {  	_ =	swait.ge [sflag:s26], $0x1400  }
0x5b: {  	[sflag:s26] =	ssyncset.done $0x0  }
0x5c: {  	s9 =	simm.s32 $0x2850;
	[sflag:s26] =	ssyncadd.s32 $0xFFFFEC00  }
0x5d: {  	[spmem:s2] =	stream.indirect.scatter.add.f32 [tilespmem:s25], [sflag:$0x9], $0x40, s9, s17, $0xb8;
	[tilespmem:$0x18A60] =	vst v63  }
0x5e: {  	_ =	swait.ge [sflag:s15], $0x1400  }
0x5f: {  	[sflag:s15] =	ssyncset.done $0x0  }
0x60: {  	s8 =	simm.s32 $0x3C0;
	[sflag:s15] =	ssyncadd.s32 $0xFFFFEC00  }
0x61: {  	[tilespmem:s25], [sflag:$0x5] =	stream.indirect.gather [hbm4b:s4+s17], $0x40, s8, s17, $0xb8;
	[tilespmem:$0x18A60] =	vst v63  }
0x62: {  	_ =	swait.ge [sflag:s29], $0x1400  }
0x63: {  	[sflag:s29] =	ssyncset.done $0x0  }
0x64: {  	s9 =	simm.s32 $0x28A0;
	[sflag:s29] =	ssyncadd.s32 $0xFFFFEC00  }
0x65: {  	[spmem:s2] =	stream.indirect.scatter.add.f32 [tilespmem:s28], [sflag:$0x9], $0x40, s9, s17, $0xb8;
	[tilespmem:$0x18A60] =	vst v63  }
0x66: {  	_ =	swait.ge [sflag:s15], $0x1400  }
0x67: {  	[sflag:s15] =	ssyncset.done $0x0  }
0x68: {  	s8 =	simm.s32 $0x410;
	[sflag:s15] =	ssyncadd.s32 $0xFFFFEC00  }
0x69: {  	[tilespmem:s28], [sflag:$0x6] =	stream.indirect.gather [hbm4b:s4+s17], $0x40, s8, s17, $0xb8;
	[tilespmem:$0x18A60] =	vst v63  }
0x6a: {  	_ =	swait.ge [sflag:s31], $0x1400  }
0x6b: {  	[sflag:s31] =	ssyncset.done $0x0  }
0x6c: {  	s9 =	simm.s32 $0x28F0;
	[sflag:s31] =	ssyncadd.s32 $0xFFFFEC00  }
0x6d: {  	[spmem:s2] =	stream.indirect.scatter.add.f32 [tilespmem:s30], [sflag:$0x9], $0x40, s9, s17, $0xb8;
	[tilespmem:$0x18A60] =	vst v63  }
0x6e: {  	_ =	swait.ge [sflag:s15], $0x1400  }
0x6f: {  	[sflag:s15] =	ssyncset.done $0x0  }
0x70: {  	s8 =	simm.s32 $0x460;
	[sflag:s15] =	ssyncadd.s32 $0xFFFFEC00  }
0x71: {  	[tilespmem:s30], [sflag:$0x7] =	stream.indirect.gather [hbm4b:s4+s17], $0x40, s8, s17, $0xb8;
	[tilespmem:$0x18A60] =	vst v63  }
0x72: {  	_ =	swait.ge [sflag:s5], $0x1400  }
0x73: {  	[sflag:s5] =	ssyncset.done $0x0  }
0x74: {  	s9 =	simm.s32 $0x2940;
	[sflag:s5] =	ssyncadd.s32 $0xFFFFEC00  }
0x75: {  	[spmem:s2] =	stream.indirect.scatter.add.f32 [tilespmem:s0], [sflag:$0x9], $0x40, s9, s17, $0xb8;
	[tilespmem:$0x18A60] =	vst v63  }
0x76: {  	_ =	swait.ge [sflag:s15], $0x1400  }
0x77: {  	[sflag:s15] =	ssyncset.done $0x0  }
0x78: {  	s7 =	simm.s32 $0xA00;
	s8 =	simm.s32 $0x4B0;
	[sflag:s15] =	ssyncadd.s32 $0xFFFFEC00  }
.LBB2_2:
0x79: {  	[tilespmem:s0], [sflag:$0x8] =	stream.indirect.gather [hbm4b:s4+s17], $0x40, s8, s17, $0xb8;
	[tilespmem:$0x18A60] =	vst v63  }
0x7a: {  	s8 =	smov.u32 s7;
	s7 =	sadd.s32 $0xA00, s7;
	_ =	swait.ge [sflag:s1], $0x1400  }
0x7b: {  	s8 =	sshra.s32 s8, $0x2;
	p1 =	sne.s32 s7, $0x8C00;
	[sflag:s1] =	ssyncset.done $0x0  }
0x7c: {  	s9 =	sadd.s32 $0x2710, s8;
	[sflag:s1] =	ssyncadd.s32 $0xFFFFEC00  }
0x7d: {  	[spmem:s2] =	stream.indirect.scatter.add.f32 [tilespmem:s18], [sflag:$0x9], $0x40, s9, s17, $0xb8;
	[tilespmem:$0x18A60] =	vst v63  }
0x7e: {  	_ =	swait.ge [sflag:s15], $0x1400  }
0x7f: {  	[sflag:s15] =	ssyncset.done $0x0  }
0x80: {  	s9 =	sadd.s32 $0x280, s8;
	[sflag:s15] =	ssyncadd.s32 $0xFFFFEC00  }
0x81: {  	[tilespmem:s18], [sflag:$0x1] =	stream.indirect.gather [hbm4b:s4+s17], $0x40, s9, s17, $0xb8;
	[tilespmem:$0x18A60] =	vst v63  }
0x82: {  	_ =	swait.ge [sflag:s16], $0x1400  }
0x83: {  	[sflag:s16] =	ssyncset.done $0x0  }
0x84: {  	s9 =	sadd.s32 $0x2760, s8;
	[sflag:s16] =	ssyncadd.s32 $0xFFFFEC00  }
0x85: {  	[spmem:s2] =	stream.indirect.scatter.add.f32 [tilespmem:s19], [sflag:$0x9], $0x40, s9, s17, $0xb8;
	[tilespmem:$0x18A60] =	vst v63  }
0x86: {  	_ =	swait.ge [sflag:s15], $0x1400  }
0x87: {  	[sflag:s15] =	ssyncset.done $0x0  }
0x88: {  	s9 =	sadd.s32 $0x2D0, s8;
	[sflag:s15] =	ssyncadd.s32 $0xFFFFEC00  }
0x89: {  	[tilespmem:s19], [sflag:$0x2] =	stream.indirect.gather [hbm4b:s4+s17], $0x40, s9, s17, $0xb8;
	[tilespmem:$0x18A60] =	vst v63  }
0x8a: {  	_ =	swait.ge [sflag:s22], $0x1400  }
0x8b: {  	[sflag:s22] =	ssyncset.done $0x0  }
0x8c: {  	s9 =	sadd.s32 $0x27B0, s8;
	[sflag:s22] =	ssyncadd.s32 $0xFFFFEC00  }
0x8d: {  	[spmem:s2] =	stream.indirect.scatter.add.f32 [tilespmem:s21], [sflag:$0x9], $0x40, s9, s17, $0xb8;
	[tilespmem:$0x18A60] =	vst v63  }
0x8e: {  	_ =	swait.ge [sflag:s15], $0x1400  }
0x8f: {  	[sflag:s15] =	ssyncset.done $0x0  }
0x90: {  	s9 =	sadd.s32 $0x320, s8;
	[sflag:s15] =	ssyncadd.s32 $0xFFFFEC00  }
0x91: {  	[tilespmem:s21], [sflag:$0x3] =	stream.indirect.gather [hbm4b:s4+s17], $0x40, s9, s17, $0xb8;
	[tilespmem:$0x18A60] =	vst v63  }
0x92: {  	_ =	swait.ge [sflag:s24], $0x1400  }
0x93: {  	[sflag:s24] =	ssyncset.done $0x0  }
0x94: {  	s9 =	sadd.s32 $0x2800, s8;
	[sflag:s24] =	ssyncadd.s32 $0xFFFFEC00  }
0x95: {  	[spmem:s2] =	stream.indirect.scatter.add.f32 [tilespmem:s23], [sflag:$0x9], $0x40, s9, s17, $0xb8;
	[tilespmem:$0x18A60] =	vst v63  }
0x96: {  	_ =	swait.ge [sflag:s15], $0x1400  }
0x97: {  	[sflag:s15] =	ssyncset.done $0x0  }
0x98: {  	s9 =	sadd.s32 $0x370, s8;
	[sflag:s15] =	ssyncadd.s32 $0xFFFFEC00  }
0x99: {  	[tilespmem:s23], [sflag:$0x4] =	stream.indirect.gather [hbm4b:s4+s17], $0x40, s9, s17, $0xb8;
	[tilespmem:$0x18A60] =	vst v63  }
0x9a: {  	_ =	swait.ge [sflag:s26], $0x1400  }
0x9b: {  	[sflag:s26] =	ssyncset.done $0x0  }
0x9c: {  	s9 =	sadd.s32 $0x2850, s8;
	[sflag:s26] =	ssyncadd.s32 $0xFFFFEC00  }
0x9d: {  	[spmem:s2] =	stream.indirect.scatter.add.f32 [tilespmem:s25], [sflag:$0x9], $0x40, s9, s17, $0xb8;
	[tilespmem:$0x18A60] =	vst v63  }
0x9e: {  	_ =	swait.ge [sflag:s15], $0x1400  }
0x9f: {  	[sflag:s15] =	ssyncset.done $0x0  }
0xa0: {  	s9 =	sadd.s32 $0x3C0, s8;
	[sflag:s15] =	ssyncadd.s32 $0xFFFFEC00  }
0xa1: {  	[tilespmem:s25], [sflag:$0x5] =	stream.indirect.gather [hbm4b:s4+s17], $0x40, s9, s17, $0xb8;
	[tilespmem:$0x18A60] =	vst v63  }
0xa2: {  	_ =	swait.ge [sflag:s29], $0x1400  }
0xa3: {  	[sflag:s29] =	ssyncset.done $0x0  }
0xa4: {  	s9 =	sadd.s32 $0x28A0, s8;
	[sflag:s29] =	ssyncadd.s32 $0xFFFFEC00  }
0xa5: {  	[spmem:s2] =	stream.indirect.scatter.add.f32 [tilespmem:s28], [sflag:$0x9], $0x40, s9, s17, $0xb8;
	[tilespmem:$0x18A60] =	vst v63  }
0xa6: {  	_ =	swait.ge [sflag:s15], $0x1400  }
0xa7: {  	[sflag:s15] =	ssyncset.done $0x0  }
0xa8: {  	s9 =	sadd.s32 $0x410, s8;
	[sflag:s15] =	ssyncadd.s32 $0xFFFFEC00  }
0xa9: {  	[tilespmem:s28], [sflag:$0x6] =	stream.indirect.gather [hbm4b:s4+s17], $0x40, s9, s17, $0xb8;
	[tilespmem:$0x18A60] =	vst v63  }
0xaa: {  	_ =	swait.ge [sflag:s31], $0x1400  }
0xab: {  	[sflag:s31] =	ssyncset.done $0x0  }
0xac: {  	s9 =	sadd.s32 $0x28F0, s8;
	[sflag:s31] =	ssyncadd.s32 $0xFFFFEC00  }
0xad: {  	[spmem:s2] =	stream.indirect.scatter.add.f32 [tilespmem:s30], [sflag:$0x9], $0x40, s9, s17, $0xb8;
	[tilespmem:$0x18A60] =	vst v63  }
0xae: {  	_ =	swait.ge [sflag:s15], $0x1400  }
0xaf: {  	[sflag:s15] =	ssyncset.done $0x0  }
0xb0: {  	s9 =	sadd.s32 $0x460, s8;
	[sflag:s15] =	ssyncadd.s32 $0xFFFFEC00  }
0xb1: {  	[tilespmem:s30], [sflag:$0x7] =	stream.indirect.gather [hbm4b:s4+s17], $0x40, s9, s17, $0xb8;
	[tilespmem:$0x18A60] =	vst v63  }
0xb2: {  	_ =	swait.ge [sflag:s5], $0x1400  }
0xb3: {  	[sflag:s5] =	ssyncset.done $0x0  }
.Ltmp0:
0xb4: {  	s9 =	sadd.s32 $0x2940, s8;
	[sflag:s5] =	ssyncadd.s32 $0xFFFFEC00;
	(pc) =	sbr.rel @p1 .LBB2_2-.Ltmp0, $4  }
0xb5: {  	[spmem:s2] =	stream.indirect.scatter.add.f32 [tilespmem:s0], [sflag:$0x9], $0x40, s9, s17, $0xb8;
	[tilespmem:$0x18A60] =	vst v63  }
0xb6: {  	_ =	swait.ge [sflag:s15], $0x1400  }
0xb7: {  	[sflag:s15] =	ssyncset.done $0x0  }
0xb8: {  	s8 =	sadd.s32 $0x4B0, s8;
	[sflag:s15] =	ssyncadd.s32 $0xFFFFEC00  }
0xb9: {  	[tilespmem:s0], [sflag:$0x8] =	stream.indirect.gather [hbm4b:s4+s17], $0x40, s8, s17, $0xb8;
	[tilespmem:$0x18A60] =	vst v63  }
0xba: {  	_ =	swait.ge [sflag:s1], $0x1400  }
0xbb: {  	s7 =	sshra.s32 s7, $0x2;
	[sflag:s1] =	ssyncset.done $0x0  }
0xbc: {  	s9 =	sadd.s32 $0x2710, s7;
	[sflag:s1] =	ssyncadd.s32 $0xFFFFEC00  }
0xbd: {  	[spmem:s2] =	stream.indirect.scatter.add.f32 [tilespmem:s18], [sflag:$0x9], $0x40, s9, s17, $0xb8;
	[tilespmem:$0x18A60] =	vst v63  }
0xbe: {  	_ =	swait.ge [sflag:s15], $0x1400  }
0xbf: {  	[sflag:s15] =	ssyncset.done $0x0  }
0xc0: {  	s9 =	sadd.s32 $0x280, s7;
	[sflag:s15] =	ssyncadd.s32 $0xFFFFEC00  }
0xc1: {  	[tilespmem:s18], [sflag:$0x1] =	stream.indirect.gather [hbm4b:s4+s17], $0x40, s9, s17, $0xb8;
	[tilespmem:$0x18A60] =	vst v63  }
0xc2: {  	_ =	swait.ge [sflag:s16], $0x1400  }
0xc3: {  	[sflag:s16] =	ssyncset.done $0x0  }
0xc4: {  	s9 =	sadd.s32 $0x2760, s7;
	[sflag:s16] =	ssyncadd.s32 $0xFFFFEC00  }
0xc5: {  	[spmem:s2] =	stream.indirect.scatter.add.f32 [tilespmem:s19], [sflag:$0x9], $0x40, s9, s17, $0xb8;
	[tilespmem:$0x18A60] =	vst v63  }
0xc6: {  	_ =	swait.ge [sflag:s15], $0x1400  }
0xc7: {  	[sflag:s15] =	ssyncset.done $0x0  }
0xc8: {  	s9 =	sadd.s32 $0x2D0, s7;
	[sflag:s15] =	ssyncadd.s32 $0xFFFFEC00  }
0xc9: {  	[tilespmem:s19], [sflag:$0x2] =	stream.indirect.gather [hbm4b:s4+s17], $0x40, s9, s17, $0xb8;
	[tilespmem:$0x18A60] =	vst v63  }
0xca: {  	_ =	swait.ge [sflag:s22], $0x1400  }
0xcb: {  	[sflag:s22] =	ssyncset.done $0x0  }
0xcc: {  	s9 =	sadd.s32 $0x27B0, s7;
	[sflag:s22] =	ssyncadd.s32 $0xFFFFEC00  }
0xcd: {  	[spmem:s2] =	stream.indirect.scatter.add.f32 [tilespmem:s21], [sflag:$0x9], $0x40, s9, s17, $0xb8;
	[tilespmem:$0x18A60] =	vst v63  }
0xce: {  	_ =	swait.ge [sflag:s15], $0x1400  }
0xcf: {  	[sflag:s15] =	ssyncset.done $0x0  }
0xd0: {  	s9 =	sadd.s32 $0x320, s7;
	[sflag:s15] =	ssyncadd.s32 $0xFFFFEC00  }
0xd1: {  	[tilespmem:s21], [sflag:$0x3] =	stream.indirect.gather [hbm4b:s4+s17], $0x40, s9, s17, $0xb8;
	[tilespmem:$0x18A60] =	vst v63  }
0xd2: {  	_ =	swait.ge [sflag:s24], $0x1400  }
0xd3: {  	[sflag:s24] =	ssyncset.done $0x0  }
0xd4: {  	s9 =	sadd.s32 $0x2800, s7;
	[sflag:s24] =	ssyncadd.s32 $0xFFFFEC00  }
0xd5: {  	[spmem:s2] =	stream.indirect.scatter.add.f32 [tilespmem:s23], [sflag:$0x9], $0x40, s9, s17, $0xb8;
	[tilespmem:$0x18A60] =	vst v63  }
0xd6: {  	_ =	swait.ge [sflag:s15], $0x1400  }
0xd7: {  	[sflag:s15] =	ssyncset.done $0x0  }
0xd8: {  	s9 =	sadd.s32 $0x370, s7;
	[sflag:s15] =	ssyncadd.s32 $0xFFFFEC00  }
0xd9: {  	[tilespmem:s23], [sflag:$0x4] =	stream.indirect.gather [hbm4b:s4+s17], $0x40, s9, s17, $0xb8;
	[tilespmem:$0x18A60] =	vst v63  }
0xda: {  	_ =	swait.ge [sflag:s26], $0x1400  }
0xdb: {  	[sflag:s26] =	ssyncset.done $0x0  }
0xdc: {  	s9 =	sadd.s32 $0x2850, s7;
	[sflag:s26] =	ssyncadd.s32 $0xFFFFEC00  }
0xdd: {  	[spmem:s2] =	stream.indirect.scatter.add.f32 [tilespmem:s25], [sflag:$0x9], $0x40, s9, s17, $0xb8;
	[tilespmem:$0x18A60] =	vst v63  }
0xde: {  	_ =	swait.ge [sflag:s15], $0x1400  }
0xdf: {  	[sflag:s15] =	ssyncset.done $0x0  }
0xe0: {  	s9 =	sadd.s32 $0x3C0, s7;
	[sflag:s15] =	ssyncadd.s32 $0xFFFFEC00  }
0xe1: {  	[tilespmem:s25], [sflag:$0x5] =	stream.indirect.gather [hbm4b:s4+s17], $0x40, s9, s17, $0xb8;
	[tilespmem:$0x18A60] =	vst v63  }
0xe2: {  	_ =	swait.ge [sflag:s29], $0x1400  }
0xe3: {  	[sflag:s29] =	ssyncset.done $0x0  }
0xe4: {  	s9 =	sadd.s32 $0x28A0, s7;
	[sflag:s29] =	ssyncadd.s32 $0xFFFFEC00  }
0xe5: {  	[spmem:s2] =	stream.indirect.scatter.add.f32 [tilespmem:s28], [sflag:$0x9], $0x40, s9, s17, $0xb8;
	[tilespmem:$0x18A60] =	vst v63  }
0xe6: {  	_ =	swait.ge [sflag:s15], $0x1400  }
0xe7: {  	[sflag:s15] =	ssyncset.done $0x0  }
0xe8: {  	[sflag:s15] =	ssyncadd.s32 $0xFFFFEC00  }
0xe9: {  	[tilespmem:s28], [sflag:$0x6] =	stream.indirect.gather [hbm4b:s4+s17], $0x40, s3, s17, $0xb8;
	[tilespmem:$0x18A60] =	vst v63  }
0xea: {  	_ =	swait.ge [sflag:s31], $0x1400  }
0xeb: {  	[sflag:s31] =	ssyncset.done $0x0  }
0xec: {  	s9 =	sadd.s32 $0x28F0, s7;
	[sflag:s31] =	ssyncadd.s32 $0xFFFFEC00  }
0xed: {  	[spmem:s2] =	stream.indirect.scatter.add.f32 [tilespmem:s30], [sflag:$0x9], $0x40, s9, s17, $0xb8;
	[tilespmem:$0x18A60] =	vst v63  }
0xee: {  	_ =	swait.ge [sflag:s15], $0x1400  }
0xef: {  	[sflag:s15] =	ssyncset.done $0x0  }
0xf0: {  	[sflag:s15] =	ssyncadd.s32 $0xFFFFEC00  }
0xf1: {  	[tilespmem:s30], [sflag:$0x7] =	stream.indirect.gather [hbm4b:s4+s17], $0x40, s17, s17, $0xb8;
	[tilespmem:$0x18A60] =	vst v63  }
0xf2: {  	_ =	swait.ge [sflag:s5], $0x1400  }
0xf3: {  	[sflag:s5] =	ssyncset.done $0x0  }
0xf4: {  	s7 =	sadd.s32 $0x2940, s7;
	[sflag:s5] =	ssyncadd.s32 $0xFFFFEC00  }
0xf5: {  	[spmem:s2] =	stream.indirect.scatter.add.f32 [tilespmem:s0], [sflag:$0x9], $0x40, s7, s17, $0xb8;
	[tilespmem:$0x18A60] =	vst v63  }
0xf6: {  	_ =	swait.ge [sflag:s15], $0x1400  }
0xf7: {  	[sflag:s15] =	ssyncset.done $0x0  }
0xf8: {  	[sflag:s15] =	ssyncadd.s32 $0xFFFFEC00  }
0xf9: {  	[tilespmem:s0], [sflag:$0x8] =	stream.indirect.gather [hbm4b:s4+s17], $0x40, s20, s17, $0xb8;
	[tilespmem:$0x18A60] =	vst v63  }
0xfa: {  	_ =	swait.ge [sflag:s1], $0x1400  }
0xfb: {  	[sflag:s1] =	ssyncset.done $0x0  }
0xfc: {  	s9 =	simm.s32 $0x4C90;
	[sflag:s1] =	ssyncadd.s32 $0xFFFFEC00  }
0xfd: {  	[spmem:s2] =	stream.indirect.scatter.add.f32 [tilespmem:s18], [sflag:$0x9], $0x40, s9, s17, $0xb8;
	[tilespmem:$0x18A60] =	vst v63  }
0xfe: {  	_ =	swait.ge [sflag:s15], $0x1400  }
0xff: {  	[sflag:s15] =	ssyncset.done $0x0  }
0x100: {  	[sflag:s15] =	ssyncadd.s32 $0xFFFFEC00  }
0x101: {  	_ =	swait.ge [sflag:s16], $0x1400  }
0x102: {  	[sflag:s16] =	ssyncset.done $0x0  }
0x103: {  	s8 =	simm.s32 $0x4CE0;
	[sflag:s16] =	ssyncadd.s32 $0xFFFFEC00  }
0x104: {  	[spmem:s2] =	stream.indirect.scatter.add.f32 [tilespmem:s19], [sflag:$0x9], $0x40, s8, s17, $0xb8;
	[tilespmem:$0x18A60] =	vst v63  }
0x105: {  	_ =	swait.ge [sflag:s15], $0x1400  }
0x106: {  	[sflag:s15] =	ssyncset.done $0x0  }
0x107: {  	[sflag:s15] =	ssyncadd.s32 $0xFFFFEC00  }
0x108: {  	_ =	swait.ge [sflag:s22], $0x1400  }
0x109: {  	[sflag:s22] =	ssyncset.done $0x0  }
0x10a: {  	s9 =	simm.s32 $0x4D30;
	[sflag:s22] =	ssyncadd.s32 $0xFFFFEC00  }
0x10b: {  	[spmem:s2] =	stream.indirect.scatter.add.f32 [tilespmem:s21], [sflag:$0x9], $0x40, s9, s17, $0xb8;
	[tilespmem:$0x18A60] =	vst v63  }
0x10c: {  	_ =	swait.ge [sflag:s15], $0x1400  }
0x10d: {  	[sflag:s15] =	ssyncset.done $0x0  }
0x10e: {  	[sflag:s15] =	ssyncadd.s32 $0xFFFFEC00  }
0x10f: {  	_ =	swait.ge [sflag:s24], $0x1400  }
0x110: {  	[sflag:s24] =	ssyncset.done $0x0  }
0x111: {  	s8 =	simm.s32 $0x4D80;
	[sflag:s24] =	ssyncadd.s32 $0xFFFFEC00  }
0x112: {  	[spmem:s2] =	stream.indirect.scatter.add.f32 [tilespmem:s23], [sflag:$0x9], $0x40, s8, s17, $0xb8;
	[tilespmem:$0x18A60] =	vst v63  }
0x113: {  	_ =	swait.ge [sflag:s15], $0x1400  }
0x114: {  	[sflag:s15] =	ssyncset.done $0x0  }
0x115: {  	[sflag:s15] =	ssyncadd.s32 $0xFFFFEC00  }
0x116: {  	_ =	swait.ge [sflag:s26], $0x1400  }
0x117: {  	[sflag:s26] =	ssyncset.done $0x0  }
0x118: {  	s9 =	simm.s32 $0x4DD0;
	[sflag:s26] =	ssyncadd.s32 $0xFFFFEC00  }
0x119: {  	[spmem:s2] =	stream.indirect.scatter.add.f32 [tilespmem:s25], [sflag:$0x9], $0x40, s9, s17, $0xb8;
	[tilespmem:$0x18A60] =	vst v63  }
0x11a: {  	_ =	swait.ge [sflag:s15], $0x1400  }
0x11b: {  	[sflag:s15] =	ssyncset.done $0x0  }
0x11c: {  	[sflag:s15] =	ssyncadd.s32 $0xFFFFEC00  }
0x11d: {  	_ =	swait.ge [sflag:s29], $0x1400  }
0x11e: {  	[sflag:s29] =	ssyncset.done $0x0  }
0x11f: {  	[sflag:s29] =	ssyncadd.s32 $0xFFFFEC00  }
0x120: {  	_ =	swait.ge [sflag:s31], $0x1400  }
0x121: {  	[sflag:s31] =	ssyncset.done $0x0  }
0x122: {  	[sflag:s31] =	ssyncadd.s32 $0xFFFFEC00  }
0x123: {  	_ =	swait.ge [sflag:s5], $0x1400  }
0x124: {  	[sflag:s5] =	ssyncset.done $0x0  }
0x125: {  	[sflag:s5] =	ssyncadd.s32 $0xFFFFEC00  }
0x126: {  	s7 =	simm.s32 @p0 $0x1FC9;
	[bflag:$0x0] =	sbarrier.arrive $0xFFFF  }
0x127: {  	[hbm:s10], [sflag:s7] =	dma.local @p0 [spmem:s12], $0x1040  }
0x128: {  	s7 =	simm.s32 @p0 $0x9  }
0x129: {  	_ =	swait.ge @p0 [sflag:s7], $0x1040  }
0x12a: {  	s6 =	sadd.s32 $0x1, s6;
	[sflag:s7] =	ssyncset.done @p0 $0x0  }
0x12b: {  	p1 =	sne.s32 s6, s11;
	[sflag:s7] =	ssyncadd.s32 @p0 $0xFFFFEFC0;
	s7 =	rddreg [dreg:$0x7]  }
0x12c: {  	[hbm:s7], [sflag:s13] =	dma.local @!p0 [spmem:s14], $0x13C0  }
.Ltmp1:
0x12d: {  	_ = 	snop;
	(pc) =	sbr.rel @p1 .LBB2_1-.Ltmp1, $4  }
0x12e: {  	s7 =	simm.s32 @!p0 $0x9  }
0x12f: {  	_ =	swait.ge @!p0 [sflag:s7], $0x13C0  }
0x130: {  	[sflag:s7] =	ssyncset.done @!p0 $0x0  }
0x131: {  	[sflag:s7] =	ssyncadd.s32 @!p0 $0xFFFFEC40  }
0x132: {  	_ =	sfence.sel $0x180000  }
0x133: {  	[bflag:$0x0] =	sbarrier.arrive $0xFFFF  }
0x134: {  	_ =	strace $0x9000004D  }
0x135: {  	s0 =	stileid.u32;
	[bflag:$0x2] =	sbarrier.arrive $0xFFFF  }
0x136: {  	p0 =	sne.s32 s0, $0x0;
	s0 =	rddreg [dreg:$0x2]  }
0x137: {  	s0 =	sadd.s32 @!p0 $0x100000, s0  }
0x138: {  	[sflag:s0] =	ssyncadd.tile.s32 @!p0 $0x1;
	_ =	shalt  }
.Lfunc_end2:
_tile_overlayer_lowered:
.L_overlay_start_2:
0x139: {  	(tag) =	ssettag $0x2  }
0x13a: {  	s0 =	rddreg [dreg:$0x0];
	s2 =	stileid.u32  }
0x13b: {  	s1 =	rddreg [dreg:$0x1];
	p0 =	sne.s32 s2, $0x0  }
0x13c: {  	s3 =	rddreg [dreg:$0x2];
	[bflag:$0x3] =	sbarrier.arrive $0xFFFF;
	s2 =	simm.s32 @!p0 $0x1C09  }
0x13d: {  	[timem:s3], [sflag:s2] =	dma.local @!p0 [hbm:s0], s1  }
0x13e: {  	s0 =	simm.s32 @!p0 $0x9  }
0x13f: {  	_ =	swait.ge @!p0 [sflag:s0], s1  }
0x140: {  	s1 =	ssub.s32 @!p0 $0x0, s1;
	[sflag:s0] =	ssyncset.done @!p0 $0x0  }
0x141: {  	[sflag:s0] =	ssyncadd.s32 @!p0 s1  }
0x142: {  	[bflag:$0x3] =	sbarrier.arrive $0xFFFF  }
0x143: {  	_ =	shalt  }

// kernel: kernel.8.cloned.1.call-start
scs
__scs_entry_jumppad:
0x0: {  	(pc) =	sbr.rel $0x88, $3  }
0x1: {  	(tag) =	ssettag $0x0;
	lr =	simm.s32 $0x1  }
0x2: {  	[smem:$0x3F86] =	sst lr;
	_ =	strace $0xD0000000  }
0x3: {  	_ = 	snop  }
0x4: {  	_ = 	snop  }
0x5: {  	_ = 	snop  }
0x6: {  	_ = 	snop  }
0x7: {  	_ = 	snop  }
__scs_overlays_trampoline_lowered:
0x8: {  	[smem:$0x3F95] =	sst s0  }
0x9: {  	[smem:$0x3F96] =	sst s1  }
0xa: {  	[smem:$0x3F97] =	sst s2  }
0xb: {  	[smem:$0x3F98] =	sst s3  }
0xc: {  	[smem:$0x3F99] =	sst s4  }
0xd: {  	[smem:$0x3F9A] =	sst s5  }
0xe: {  	[smem:$0x3F9B] =	sst s6  }
0xf: {  	[smem:$0x3F9C] =	sst s7  }
0x10: {  	[smem:$0x3F9D] =	sst s8  }
0x11: {  	[smem:$0x3F9E] =	sst s9;
	s0 =	simm.s32 @!p0 $0x0  }
0x12: {  	s1 =	sld [smem:$0x3F84];
	s0 =	simm.s32 @p0 $0x1  }
0x13: {  	[smem:$0x3F9F] =	sst s0;
	s0 =	simm.s32 @!p1 $0x0  }
0x14: {  	s2 =	sld [smem:$0x3F83];
	s0 =	simm.s32 @p1 $0x1  }
0x15: {  	[smem:$0x3FA0] =	sst s0;
	s0 =	simm.s32 @!p2 $0x0  }
0x16: {  	s3 =	sld [smem:$0x3FDB];
	s0 =	simm.s32 @p2 $0x1  }
0x17: {  	s4 =	simm.s32 $0x1BF5;
	[smem:$0x3FA2] =	sst s0  }
0x18: {  	s0 =	sld [smem:$0x3F85];
	_ =	swait.ge [sflag:s4], $0x0  }
0x19: {  	s7 =	sld [smem:$0x3F86]  }
0x1a: {  	s8 =	sadd.s32 $0xFFFFE003, lr  }
0x1b: {  	s9 =	sadd.s32 $0xFFFFFEF7, lr;
	s5 =	simm.s32 $0xFFFFFFFF;
	p2 =	slt.u32 s8, $0xFFFFF086  }
0x1c: {  	p1 =	slt.u32 s9, $0xF7A;
	s5 =	simm.s32 @!p2 $0x0  }
0x1d: {  	s5 =	simm.s32 @p1 $0x1;
	p0 =	seq.s32 s7, s2  }
0x1e: {  	s7 =	smul.u32 @!p0 $0xF7A, s2;
	p2 =	seq.s32 @!p0 s5, $0x0  }
0x1f: {  	s9 =	smul.u32 $0xF7A, s1;
	s8 =	simm.s32 @!p0 $0x1BF5;
	p2 =	por !p2, p0  }
0x20: {  	[sflag:s8] =	ssyncset.s32 @!p0 $0xFFFFF086;
	s6 =	sadd.s32 @!p0 s3, s7;
	s7 =	simm.s32 @!p0 $0x108  }
0x21: {  	s3 =	sadd.s32 s3, s9;
	s6 =	sadd.s32 @!p0 $0x88, s6;
	s7 =	simm.s32 @p2 $0x1082  }
0x22: {  	[simem:s7], [sflag:s8] =	dma.local @!p0 [hbm:s6], $0xF7A  }
0x23: {  	s9 =	sor.u32 $0xD0000000, s2;
	s6 =	simm.s32 $0x108;
	_ =	swait.ge @!p0 [sflag:s8], $0x0  }
0x24: {  	s3 =	sadd.s32 $0x88, s3;
	s6 =	simm.s32 @!p1 $0x1082;
	[sflag:s4] =	ssyncset.s32 $0xFFFFF086  }
0x25: {  	[simem:s6], [sflag:s4] =	dma.local [hbm:s3], $0xF7A  }
0x26: {  	[smem:$0x3F86] =	sst s1;
	(tag) =	ssettag s2;
	_ =	strace s9  }
0x27: {  	s1 =	sld [smem:$0x3F96]  }
0x28: {  	s2 =	sld [smem:$0x3F97]  }
0x29: {  	s4 =	sld [smem:$0x3F99]  }
0x2a: {  	p0 =	seq.s32 s5, $0x0;
	s5 =	sld [smem:$0x3F9A]  }
0x2b: {  	s6 =	sld [smem:$0x3F9B]  }
0x2c: {  	s7 =	sld [smem:$0x3F9C]  }
0x2d: {  	s3 =	simm.s32 $0x108;
	s8 =	sld [smem:$0x3F9D]  }
0x2e: {  	s3 =	simm.s32 @!p0 $0x1082;
	s9 =	sld [smem:$0x3F9E]  }
0x2f: {  	lr =	sadd.s32 s0, s3;
	s0 =	sld [smem:$0x3F95]  }
0x30: {  	s3 =	sld [smem:$0x3F98]  }
0x31: {  	[smem:$0x3FA1] =	sst s10  }
0x32: {  	s10 =	sld [smem:$0x3F9F];
	_ =	sdelay $0x3  }
0x33: {  	p0 =	seq.s32 s10, $0x1;
	s10 =	sld [smem:$0x3FA1];
	_ =	sdelay $0x3  }
0x34: {  	[smem:$0x3FA1] =	sst s10  }
0x35: {  	s10 =	sld [smem:$0x3FA0];
	_ =	sdelay $0x3  }
0x36: {  	p1 =	seq.s32 s10, $0x1;
	s10 =	sld [smem:$0x3FA1];
	_ =	sdelay $0x3  }
0x37: {  	[smem:$0x3FA1] =	sst s10  }
0x38: {  	s10 =	sld [smem:$0x3FA2]  }
0x39: {  	_ = 	snop;
	(pc) =	sbr.ind lr, $3  }
0x3a: {  	_ = 	snop  }
0x3b: {  	_ = 	snop  }
0x3c: {  	p2 =	seq.s32 s10, $0x1;
	s10 =	sld [smem:$0x3FA1]  }
0x3d: {  	_ =	shalt  }
0x3e: {  	_ =	shalt  }
0x3f: {  	_ =	shalt  }
0x40: {  	_ =	shalt  }
0x41: {  	_ =	shalt  }
0x42: {  	_ =	shalt  }
0x43: {  	_ =	shalt  }
0x44: {  	_ =	shalt  }
0x45: {  	_ =	shalt  }
0x46: {  	_ =	shalt  }
0x47: {  	_ =	shalt  }
0x48: {  	_ =	shalt  }
0x49: {  	_ =	shalt  }
0x4a: {  	_ =	shalt  }
0x4b: {  	_ =	shalt  }
0x4c: {  	_ =	shalt  }
0x4d: {  	_ =	shalt  }
0x4e: {  	_ =	shalt  }
0x4f: {  	_ =	shalt  }
0x50: {  	_ =	shalt  }
0x51: {  	_ =	shalt  }
0x52: {  	_ =	shalt  }
0x53: {  	_ =	shalt  }
0x54: {  	_ =	shalt  }
0x55: {  	_ =	shalt  }
0x56: {  	_ =	shalt  }
0x57: {  	_ =	shalt  }
0x58: {  	_ =	shalt  }
0x59: {  	_ =	shalt  }
0x5a: {  	_ =	shalt  }
0x5b: {  	_ =	shalt  }
0x5c: {  	_ =	shalt  }
0x5d: {  	_ =	shalt  }
0x5e: {  	_ =	shalt  }
0x5f: {  	_ =	shalt  }
0x60: {  	_ =	shalt  }
0x61: {  	_ =	shalt  }
0x62: {  	_ =	shalt  }
0x63: {  	_ =	shalt  }
0x64: {  	_ =	shalt  }
0x65: {  	_ =	shalt  }
0x66: {  	_ =	shalt  }
0x67: {  	_ =	shalt  }
0x68: {  	_ =	shalt  }
0x69: {  	_ =	shalt  }
0x6a: {  	_ =	shalt  }
0x6b: {  	_ =	shalt  }
0x6c: {  	_ =	shalt  }
0x6d: {  	_ =	shalt  }
0x6e: {  	_ =	shalt  }
0x6f: {  	_ =	shalt  }
0x70: {  	_ =	shalt  }
0x71: {  	_ =	shalt  }
0x72: {  	_ =	shalt  }
0x73: {  	_ =	shalt  }
0x74: {  	_ =	shalt  }
0x75: {  	_ =	shalt  }
0x76: {  	_ =	shalt  }
0x77: {  	_ =	shalt  }
0x78: {  	_ =	shalt  }
0x79: {  	_ =	shalt  }
0x7a: {  	_ =	shalt  }
0x7b: {  	_ =	shalt  }
0x7c: {  	_ =	shalt  }
0x7d: {  	_ =	shalt  }
0x7e: {  	_ =	shalt  }
0x7f: {  	_ =	shalt  }
0x80: {  	_ =	shalt  }
0x81: {  	_ =	shalt  }
0x82: {  	_ =	shalt  }
0x83: {  	_ =	shalt  }
0x84: {  	_ =	shalt  }
0x85: {  	_ =	shalt  }
0x86: {  	_ =	shalt  }
0x87: {  	_ =	shalt  }
.Lfunc_end0:
.L_simem_size_0:
called_computation_lowered:
.L_overlay_start_0:
0x88: {  	s2 =	sld [smem:$0x3FD9]  }
0x89: {  	s3 =	sld [smem:$0x3FFE];
	_ =	sdelay $0x1  }
0x8a: {  	s1 =	srdreg.scid  }
0x8b: {  	s0 =	sand.u32 $0x1, s1  }
0x8c: {  	s17 =	sshll.u32 s0, $0xA;
	s2 =	sadd.s32 s3, s2  }
0x8d: {  	s2 =	sadd.s32 s2, s17  }
0x8e: {  	[smem:$0x3FAD] =	sst s2  }
0x8f: {  	_ = 	snop  }
0x90: {  	s2 =	sld [smem:$0x3FC9];
	(tm) =	ssettm $0x1  }
0x91: {  	s18 =	sld [smem:$0x3FFB];
	_ =	sdelay $0x3  }
0x92: {  	_ =	strace s18  }
0x93: {  	s3 =	sld [smem:$0x3FFC];
	_ =	sdelay $0x3  }
0x94: {  	_ =	strace s3  }
0x95: {  	s3 =	sld [smem:$0x3FFD];
	_ =	sdelay $0x3  }
0x96: {  	_ =	strace s3  }
0x97: {  	_ =	strace $0x8FFFFFFF  }
0x98: {  	s19 =	sld [smem:$0x3FDB];
	_ =	sdelay $0x1  }
0x99: {  	s4 =	simm.s32 $_scs_section_size  }
0x9a: {  	s5 =	simm.s32 $_size__tile_overlayer_lowered;
	s6 =	simm.s32 $_tile_overlayer_lowered  }
0x9b: {  	s22 =	simm.s32 $0x1BFF;
	s21 =	sshll.u32 s6, $0x1;
	s3 =	sadd.s32 s4, s19  }
0x9c: {  	s7 =	simm.s32 $0x0;
	s20 =	sshll.u32 s5, $0x1;
	s5 =	sadd.s32 s21, s3  }
0x9d: {  	[timem:s7], [sflag:s22] =	dma.local [hbm:s5], s20  }
0x9e: {  	_ =	swait.ge [sflag:s22], s20  }
0x9f: {  	s4 =	ssub.s32 $0x0, s20;
	[sflag:s22] =	ssyncset.done $0x0  }
0xa0: {  	[sflag:s22] =	ssyncadd.s32 s4;
	_ =	sdelay $0x1  }
0xa1: {  	s23 =	simm.s32 $0x1B8B  }
0xa2: {  	_ =	swait.ge [sflag:s23], $0x1  }
0xa3: {  	[sflag:s23] =	ssyncset.done $0x0  }
0xa4: {  	s25 =	simm.s32 $0x1B8E;
	s24 =	sld [smem:$0x3FFE];
	[sflag:s23] =	ssyncadd.s32 $0xFFFFFFFF  }
0xa5: {  	s26 =	simm.s32 $execute0_lowered;
	[smem:$0x3FD2] =	sst s25  }
0xa6: {  	s5 =	sshll.u32 s26, $0x1;
	_ =	strace $0x80000046;
	[dreg:$0x1] =	wrdreg $0xFFFFFFFF  }
0xa7: {  	s28 =	simm.s32 $_size_execute0_lowered;
	s3 =	sadd.s32 s3, s5;
	[dreg:$0x0] =	wrdreg $0x0  }
0xa8: {  	s5 =	sshll.u32 s28, $0x1;
	[dreg:$0x2] =	wrdreg s3  }
0xa9: {  	[dreg:$0x3] =	wrdreg s5  }
0xaa: {  	[dreg:$0x4] =	wrdreg $0xC0  }
0xab: {  	_ =	task [dreg:s7], $0x5FFFF  }
0xac: {  	[dreg:$0x1] =	wrdreg $0xFFFFFFFF  }
0xad: {  	[dreg:$0x0] =	wrdreg $0x60  }
0xae: {  	[dreg:$0x2] =	wrdreg s2  }
0xaf: {  	[dreg:$0x3] =	wrdreg s24  }
0xb0: {  	[dreg:$0x4] =	wrdreg $0xC6200  }
0xb1: {  	[dreg:$0x5] =	wrdreg $0x9  }
0xb2: {  	_ =	task.clear_ibuf [dreg:s7], $0x6FFFF;
	_ =	strace $0x90000046  }
0xb3: {  	s29 =	simm.s32 $0x9;
	_ =	strace $0x80000048  }
0xb4: {  	_ =	swait.ge [sflag:s29], $0x1  }
0xb5: {  	[sflag:s29] =	ssyncadd.s32 $0xFFFFFFFF  }
0xb6: {  	_ =	strace $0x90000048  }
0xb7: {  	_ =	sfence  }
0xb8: {  	s30 =	sld [smem:$0x0];
	_ =	sdelay $0x2  }
0xb9: {  	s31 =	sshll.u32 s1, $0xD;
	s1 =	sshrl.u32 s1, $0x2  }
0xba: {  	s3 =	sand.u32 $0x4000, s31;
	s1 =	sadd.s32 s1, s30  }
0xbb: {  	s0 =	sor.u32 s3, s0;
	s1 =	sshll.u32 s1, $0x11  }
0xbc: {  	s0 =	sor.u32 s1, s0  }
0xbd: {  	s0 =	sadd.s32 $0x8F2B, s0  }
0xbe: {  	[sflag:s0] =	ssyncadd.remote.s32 $0x1  }
0xbf: {  	_ =	sfence.sel $0xFFFF  }
0xc0: {  	[dreg:$0x0] =	wrdreg $0xFFFFFFFF;
	(pc) =	sbr.abs _section_cstart, $3  }
0xc1: {  	[dreg:$0x1] =	wrdreg $0xFFFFFFFF  }
0xc2: {  	_ =	task.clear_ibuf [dreg:s7], $0x2FFFF;
	_ =	strace $0x9FFFFFFF  }
0xc3: {  	(tm) =	ssettm $0x7FFFFFFF  }
tec
execute0_lowered:
.L_overlay_start_1:
0x0: {  	(tag) =	ssettag $0x1  }
0x1: {  	s0 =	rddreg [dreg:$0x0]  }
0x2: {  	s1 =	srdreg.scid;
	s2 =	rddreg [dreg:$0x1]  }
0x3: {  	s3 =	rddreg [dreg:$0x2];
	s13 =	stileid.u32;
	s4 =	simm.s32 $0x0  }
0x4: {  	s15 =	simm.s32 $0x4;
	s17 =	simm.s32 $0x50;
	s18 =	simm.s32 $0x4E20  }
0x5: {  	s19 =	simm.s32 $0x7620;
	s21 =	simm.s32 $0x9E20;
	s22 =	simm.s32 $0x1  }
0x6: {  	s23 =	simm.s32 $0x2;
	s28 =	simm.s32 $0x4CE0;
	s29 =	simm.s32 $0x26C0  }
0x7: {  	s30 =	simm.s32 $0x4D30;
	s31 =	simm.s32 $0x4D80;
	s1 =	sand.u32 $0x1, s1  }
0x8: {  	[smem:$0x7FF] =	sst s4;
	s8 =	smul.u32 $0x13C00, s13;
	s12 =	sadd.s32 $0x128400, s3  }
0x9: {  	p0 =	seq.s32 s13, $0xF;
	s5 =	sshll.u32 s1, $0x4;
	_ =	strace $0x80000047  }
0xa: {  	s6 =	ssub.s32 $0x2, s1;
	s1 =	smul.u32 $0x138800, s1;
	s12 =	sshrl.u32 @p0 s12, $0x3  }
0xb: {  	s5 =	sor.u32 s13, s5;
	s24 =	sshrl.u32 s6, $0x1;
	s25 =	sshrl.u32 s8, $0x3  }
0xc: {  	s14 =	sadd.s32 s8, s3;
	s5 =	smul.u32 $0x2710, s5;
	s11 =	ssub.s32 s6, s24  }
0xd: {  	s6 =	sadd.s32 $0x25080, s0;
	s10 =	sadd.s32 s8, s1;
	s1 =	sshrl.u32 s1, $0x3  }
0xe: {  	s14 =	sshrl.u32 @!p0 s14, $0x3;
	s24 =	simm.s32 $0x3;
	s5 =	sshrl.u32 s5, $0x3  }
0xf: {  	s26 =	sshrl.u32 s10, $0x3;
	s11 =	smax.u32 s11, $0x1;
	s9 =	sadd.s32 s5, s2  }
0x10: {  	s2 =	sadd.s32 $0x18200, s2;
	s5 =	sadd.s32 s0, s25;
	s7 =	sadd.s32 $0x4800, s9  }
0x11: {  	s8 =	sadd.s32 $0xE440, s9;
	s9 =	sadd.s32 s2, s26;
	s1 =	sadd.s32 s2, s1  }
0x12: {  	s26 =	simm.s32 $0x2670;
	s10 =	sadd.s32 $0x25080, s1;
	s1 =	sshll.u32 @!p0 s13, $0x6  }
0x13: {  	s2 =	simm.s32 $0x0;
	s13 =	sor.u32 @!p0 $0x1C04, s1;
	s1 =	simm.s32 $0x4DD0  }
.LBB2_1:
0x14: {  	s16 =	simm.s32 @p0 $0x1FC4  }
0x15: {  	[spmem:s12], [sflag:s16] =	dma.local @p0 [hbm:s6], $0x2080  }
0x16: {  	s16 =	simm.s32 @p0 $0x4  }
0x17: {  	_ =	swait.ge @p0 [sflag:s16], $0x2080  }
0x18: {  	[sflag:s16] =	ssyncset.done @p0 $0x0  }
0x19: {  	[sflag:s16] =	ssyncadd.s32 @p0 $0xFFFFDF80;
	s16 =	simm.s32 @!p0 $0x4  }
0x1a: {  	[spmem:s14], [sflag:s13] =	dma.local @!p0 [hbm:s5], $0x2780  }
0x1b: {  	_ =	swait.ge @!p0 [sflag:s16], $0x2780  }
0x1c: {  	[sflag:s16] =	ssyncset.done @!p0 $0x0  }
0x1d: {  	[sflag:s16] =	ssyncadd.s32 @!p0 $0xFFFFD880  }
0x1e: {  	[tilespmem:s4], [sflag:$0x4] =	stream.linear.gather [hbm4b:s7+s4], $0x2710, $0x38;
	[tilespmem:$0x1FEA0] =	vst v63  }
0x1f: {  	_ =	swait.ge [sflag:s15], $0x2710  }
0x20: {  	[sflag:s15] =	ssyncset.done $0x0  }
0x21: {  	s25 =	simm.s32 $0x2710;
	[sflag:s15] =	ssyncadd.s32 $0xFFFFD8F0  }
0x22: {  	[tilespmem:s25], [sflag:$0x4] =	stream.linear.gather [hbm4b:s8+s4], $0x2710, $0x38;
	[tilespmem:$0x1FEA0] =	vst v63  }
0x23: {  	_ =	swait.ge [sflag:s15], $0x2710  }
0x24: {  	[sflag:s15] =	ssyncset.done $0x0  }
0x25: {  	[sflag:s15] =	ssyncadd.s32 $0xFFFFD8F0  }
0x26: {  	[bflag:$0x0] =	sbarrier.arrive $0xFFFF  }
0x27: {  	[tilespmem:s18], [sflag:$0x1] =	stream.indirect.gather [hbm4b:s0+s17], $0x80, s4, s17, $0xb8;
	[tilespmem:$0x1FEA0] =	vst v63  }
0x28: {  	_ = 	snop  }
0x29: {  	[tilespmem:s19], [sflag:$0x2] =	stream.indirect.gather [hbm4b:s0+s17], $0x80, s17, s17, $0xb8;
	[tilespmem:$0x1FEA0] =	vst v63  }
0x2a: {  	s20 =	simm.s32 $0xA0  }
0x2b: {  	[tilespmem:s21], [sflag:$0x3] =	stream.indirect.gather [hbm4b:s0+s17], $0x80, s20, s17, $0xb8;
	[tilespmem:$0x1FEA0] =	vst v63  }
0x2c: {  	_ =	swait.ge [sflag:s22], $0x2800  }
0x2d: {  	[sflag:s22] =	ssyncset.done $0x0  }
0x2e: {  	s25 =	simm.s32 $0x2710;
	[sflag:s22] =	ssyncadd.s32 $0xFFFFD800  }
0x2f: {  	[spmem:s3] =	stream.indirect.scatter.add.f32 [tilespmem:s18], [sflag:$0x4], $0x80, s25, s17, $0xb8;
	[tilespmem:$0x1FEA0] =	vst v63  }
0x30: {  	_ =	swait.ge [sflag:s15], $0x2800  }
0x31: {  	[sflag:s15] =	ssyncset.done $0x0  }
0x32: {  	s20 =	simm.s32 $0xF0;
	[sflag:s15] =	ssyncadd.s32 $0xFFFFD800  }
0x33: {  	[tilespmem:s18], [sflag:$0x1] =	stream.indirect.gather [hbm4b:s0+s17], $0x80, s20, s17, $0xb8;
	[tilespmem:$0x1FEA0] =	vst v63  }
0x34: {  	_ =	swait.ge [sflag:s23], $0x2800  }
0x35: {  	[sflag:s23] =	ssyncset.done $0x0  }
0x36: {  	s25 =	simm.s32 $0x2760;
	[sflag:s23] =	ssyncadd.s32 $0xFFFFD800  }
0x37: {  	[spmem:s3] =	stream.indirect.scatter.add.f32 [tilespmem:s19], [sflag:$0x4], $0x80, s25, s17, $0xb8;
	[tilespmem:$0x1FEA0] =	vst v63  }
0x38: {  	_ =	swait.ge [sflag:s15], $0x2800  }
0x39: {  	[sflag:s15] =	ssyncset.done $0x0  }
0x3a: {  	s20 =	simm.s32 $0x140;
	[sflag:s15] =	ssyncadd.s32 $0xFFFFD800  }
0x3b: {  	[tilespmem:s19], [sflag:$0x2] =	stream.indirect.gather [hbm4b:s0+s17], $0x80, s20, s17, $0xb8;
	[tilespmem:$0x1FEA0] =	vst v63  }
0x3c: {  	_ =	swait.ge [sflag:s24], $0x2800  }
0x3d: {  	[sflag:s24] =	ssyncset.done $0x0  }
0x3e: {  	s25 =	simm.s32 $0x27B0;
	[sflag:s24] =	ssyncadd.s32 $0xFFFFD800  }
0x3f: {  	[spmem:s3] =	stream.indirect.scatter.add.f32 [tilespmem:s21], [sflag:$0x4], $0x80, s25, s17, $0xb8;
	[tilespmem:$0x1FEA0] =	vst v63  }
0x40: {  	_ =	swait.ge [sflag:s15], $0x2800  }
0x41: {  	[sflag:s15] =	ssyncset.done $0x0  }
0x42: {  	s16 =	simm.s32 $0x3C0;
	s20 =	simm.s32 $0x190;
	[sflag:s15] =	ssyncadd.s32 $0xFFFFD800  }
.LBB2_2:
0x43: {  	[tilespmem:s21], [sflag:$0x3] =	stream.indirect.gather [hbm4b:s0+s17], $0x80, s20, s17, $0xb8;
	[tilespmem:$0x1FEA0] =	vst v63  }
0x44: {  	s20 =	smov.u32 s16  }
0x45: {  	p1 =	sne.s32 s16, $0x9240;
	s16 =	sadd.s32 $0x3C0, s16;
	_ =	swait.ge [sflag:s22], $0x2800  }
0x46: {  	s20 =	sshra.s32 s20, $0x2;
	[sflag:s22] =	ssyncset.done $0x0  }
0x47: {  	s25 =	sadd.s32 $0x2710, s20;
	[sflag:s22] =	ssyncadd.s32 $0xFFFFD800  }
0x48: {  	[spmem:s3] =	stream.indirect.scatter.add.f32 [tilespmem:s18], [sflag:$0x4], $0x80, s25, s17, $0xb8;
	[tilespmem:$0x1FEA0] =	vst v63  }
0x49: {  	_ =	swait.ge [sflag:s15], $0x2800  }
0x4a: {  	[sflag:s15] =	ssyncset.done $0x0  }
0x4b: {  	s25 =	sadd.s32 $0xF0, s20;
	[sflag:s15] =	ssyncadd.s32 $0xFFFFD800  }
0x4c: {  	[tilespmem:s18], [sflag:$0x1] =	stream.indirect.gather [hbm4b:s0+s17], $0x80, s25, s17, $0xb8;
	[tilespmem:$0x1FEA0] =	vst v63  }
0x4d: {  	_ =	swait.ge [sflag:s23], $0x2800  }
0x4e: {  	[sflag:s23] =	ssyncset.done $0x0  }
0x4f: {  	s25 =	sadd.s32 $0x2760, s20;
	[sflag:s23] =	ssyncadd.s32 $0xFFFFD800  }
0x50: {  	[spmem:s3] =	stream.indirect.scatter.add.f32 [tilespmem:s19], [sflag:$0x4], $0x80, s25, s17, $0xb8;
	[tilespmem:$0x1FEA0] =	vst v63  }
0x51: {  	_ =	swait.ge [sflag:s15], $0x2800  }
0x52: {  	[sflag:s15] =	ssyncset.done $0x0  }
0x53: {  	s25 =	sadd.s32 $0x140, s20;
	[sflag:s15] =	ssyncadd.s32 $0xFFFFD800  }
0x54: {  	[tilespmem:s19], [sflag:$0x2] =	stream.indirect.gather [hbm4b:s0+s17], $0x80, s25, s17, $0xb8;
	[tilespmem:$0x1FEA0] =	vst v63  }
0x55: {  	_ =	swait.ge [sflag:s24], $0x2800  }
0x56: {  	[sflag:s24] =	ssyncset.done $0x0  }
.Ltmp0:
0x57: {  	s25 =	sadd.s32 $0x27B0, s20;
	[sflag:s24] =	ssyncadd.s32 $0xFFFFD800;
	(pc) =	sbr.rel @p1 .LBB2_2-.Ltmp0, $4  }
0x58: {  	[spmem:s3] =	stream.indirect.scatter.add.f32 [tilespmem:s21], [sflag:$0x4], $0x80, s25, s17, $0xb8;
	[tilespmem:$0x1FEA0] =	vst v63  }
0x59: {  	_ =	swait.ge [sflag:s15], $0x2800  }
0x5a: {  	[sflag:s15] =	ssyncset.done $0x0  }
0x5b: {  	s20 =	sadd.s32 $0x190, s20;
	[sflag:s15] =	ssyncadd.s32 $0xFFFFD800  }
0x5c: {  	[tilespmem:s21], [sflag:$0x3] =	stream.indirect.gather [hbm4b:s0+s17], $0x80, s20, s17, $0xb8;
	[tilespmem:$0x1FEA0] =	vst v63  }
0x5d: {  	_ =	swait.ge [sflag:s22], $0x2800  }
0x5e: {  	[sflag:s22] =	ssyncset.done $0x0  }
0x5f: {  	s16 =	simm.s32 $0x4C90;
	[sflag:s22] =	ssyncadd.s32 $0xFFFFD800  }
0x60: {  	[spmem:s3] =	stream.indirect.scatter.add.f32 [tilespmem:s18], [sflag:$0x4], $0x80, s16, s17, $0xb8;
	[tilespmem:$0x1FEA0] =	vst v63  }
0x61: {  	_ =	swait.ge [sflag:s15], $0x2800  }
0x62: {  	[sflag:s15] =	ssyncset.done $0x0  }
0x63: {  	[sflag:s15] =	ssyncadd.s32 $0xFFFFD800  }
0x64: {  	[tilespmem:s18], [sflag:$0x1] =	stream.indirect.gather [hbm4b:s0+s17], $0x80, s26, s17, $0xb8;
	[tilespmem:$0x1FEA0] =	vst v63  }
0x65: {  	_ =	swait.ge [sflag:s23], $0x2800  }
0x66: {  	[sflag:s23] =	ssyncset.done $0x0  }
0x67: {  	[sflag:s23] =	ssyncadd.s32 $0xFFFFD800  }
0x68: {  	[spmem:s3] =	stream.indirect.scatter.add.f32 [tilespmem:s19], [sflag:$0x4], $0x80, s28, s17, $0xb8;
	[tilespmem:$0x1FEA0] =	vst v63  }
0x69: {  	_ =	swait.ge [sflag:s15], $0x2800  }
0x6a: {  	[sflag:s15] =	ssyncset.done $0x0  }
0x6b: {  	[sflag:s15] =	ssyncadd.s32 $0xFFFFD800  }
0x6c: {  	[tilespmem:s19], [sflag:$0x2] =	stream.indirect.gather [hbm4b:s0+s17], $0x80, s29, s17, $0xb8;
	[tilespmem:$0x1FEA0] =	vst v63  }
0x6d: {  	_ =	swait.ge [sflag:s24], $0x2800  }
0x6e: {  	[sflag:s24] =	ssyncset.done $0x0  }
0x6f: {  	[sflag:s24] =	ssyncadd.s32 $0xFFFFD800  }
0x70: {  	[spmem:s3] =	stream.indirect.scatter.add.f32 [tilespmem:s21], [sflag:$0x4], $0x80, s30, s17, $0xb8;
	[tilespmem:$0x1FEA0] =	vst v63  }
0x71: {  	_ =	swait.ge [sflag:s15], $0x2800  }
0x72: {  	[sflag:s15] =	ssyncset.done $0x0  }
0x73: {  	[sflag:s15] =	ssyncadd.s32 $0xFFFFD800  }
0x74: {  	[tilespmem:s21], [sflag:$0x3] =	stream.indirect.gather [hbm4b:s0+s17], $0x80, s4, s17, $0xb8;
	[tilespmem:$0x1FEA0] =	vst v63  }
0x75: {  	_ =	swait.ge [sflag:s22], $0x2800  }
0x76: {  	[sflag:s22] =	ssyncset.done $0x0  }
0x77: {  	[sflag:s22] =	ssyncadd.s32 $0xFFFFD800  }
0x78: {  	[spmem:s3] =	stream.indirect.scatter.add.f32 [tilespmem:s18], [sflag:$0x4], $0x80, s31, s17, $0xb8;
	[tilespmem:$0x1FEA0] =	vst v63  }
0x79: {  	_ =	swait.ge [sflag:s15], $0x2800  }
0x7a: {  	[sflag:s15] =	ssyncset.done $0x0  }
0x7b: {  	[sflag:s15] =	ssyncadd.s32 $0xFFFFD800  }
0x7c: {  	_ =	swait.ge [sflag:s23], $0x2800  }
0x7d: {  	[sflag:s23] =	ssyncset.done $0x0  }
0x7e: {  	[sflag:s23] =	ssyncadd.s32 $0xFFFFD800  }
0x7f: {  	[spmem:s3] =	stream.indirect.scatter.add.f32 [tilespmem:s19], [sflag:$0x4], $0x80, s1, s17, $0xb8;
	[tilespmem:$0x1FEA0] =	vst v63  }
0x80: {  	_ =	swait.ge [sflag:s15], $0x2800  }
0x81: {  	[sflag:s15] =	ssyncset.done $0x0  }
0x82: {  	[sflag:s15] =	ssyncadd.s32 $0xFFFFD800  }
0x83: {  	_ =	swait.ge [sflag:s24], $0x2800  }
0x84: {  	[sflag:s24] =	ssyncset.done $0x0  }
0x85: {  	[sflag:s24] =	ssyncadd.s32 $0xFFFFD800  }
0x86: {  	s16 =	simm.s32 @p0 $0x1FC4;
	[bflag:$0x0] =	sbarrier.arrive $0xFFFF  }
0x87: {  	[hbm:s10], [sflag:s16] =	dma.local @p0 [spmem:s12], $0x2080  }
0x88: {  	s16 =	simm.s32 @p0 $0x4  }
0x89: {  	s2 =	sadd.s32 $0x1, s2;
	_ =	swait.ge @p0 [sflag:s16], $0x2080  }
0x8a: {  	p1 =	sne.s32 s2, s11;
	[sflag:s16] =	ssyncset.done @p0 $0x0  }
.Ltmp1:
0x8b: {  	[sflag:s16] =	ssyncadd.s32 @p0 $0xFFFFDF80;
	s16 =	simm.s32 @!p0 $0x4;
	(pc) =	sbr.rel @p1 .LBB2_1-.Ltmp1, $4  }
0x8c: {  	[hbm:s9], [sflag:s13] =	dma.local @!p0 [spmem:s14], $0x2780  }
0x8d: {  	_ =	swait.ge @!p0 [sflag:s16], $0x2780  }
0x8e: {  	[sflag:s16] =	ssyncset.done @!p0 $0x0  }
0x8f: {  	[sflag:s16] =	ssyncadd.s32 @!p0 $0xFFFFD880  }
0x90: {  	_ =	sfence.sel $0x180000  }
0x91: {  	[bflag:$0x0] =	sbarrier.arrive $0xFFFF  }
0x92: {  	_ =	strace $0x90000047  }
0x93: {  	s0 =	stileid.u32;
	[bflag:$0x2] =	sbarrier.arrive $0xFFFF  }
0x94: {  	p0 =	sne.s32 s0, $0x0;
	s0 =	rddreg [dreg:$0x3]  }
0x95: {  	s0 =	sadd.s32 @!p0 $0x100000, s0  }
0x96: {  	[sflag:s0] =	ssyncadd.tile.s32 @!p0 $0x1;
	_ =	shalt  }
.Lfunc_end2:
_tile_overlayer_lowered:
.L_overlay_start_2:
0x97: {  	(tag) =	ssettag $0x2  }
0x98: {  	s0 =	rddreg [dreg:$0x0];
	s2 =	stileid.u32  }
0x99: {  	s1 =	rddreg [dreg:$0x1];
	p0 =	sne.s32 s2, $0x0  }
0x9a: {  	s3 =	rddreg [dreg:$0x2];
	[bflag:$0x3] =	sbarrier.arrive $0xFFFF;
	s2 =	simm.s32 @!p0 $0x1C04  }
0x9b: {  	[timem:s3], [sflag:s2] =	dma.local @!p0 [hbm:s0], s1  }
0x9c: {  	s0 =	simm.s32 @!p0 $0x4  }
0x9d: {  	_ =	swait.ge @!p0 [sflag:s0], s1  }
0x9e: {  	s1 =	ssub.s32 @!p0 $0x0, s1;
	[sflag:s0] =	ssyncset.done @!p0 $0x0  }
0x9f: {  	[sflag:s0] =	ssyncadd.s32 @!p0 s1  }
0xa0: {  	[bflag:$0x3] =	sbarrier.arrive $0xFFFF  }
0xa1: {  	_ =	shalt  }

</sc_bundles>
